<compile_context>
chip_gen: v7x
topology: tpu7x:2x2x1
jax: 0.10.2.dev20260603
libtpu: 0.0.44.dev20260713+nightly
codegen_flags: <defaults>
</compile_context>

<pallas_src>
import functools

import jax
import jax.numpy as jnp
import numpy as np
from jax import lax
from jax.experimental import pallas as pl
from jax.experimental.pallas import tpu as pltpu
from jax.experimental.pallas import tpu_sc as plsc

HIDDEN = 128
V0, V1, V2 = 23, 7, 2
NCOMBO = V0 * V1 * V2
VPAD = 328

NC = 2
NS = 16
NW = NC * NS
LANES = 16

_r = np.arange(VPAD)
_A0 = np.where((_r // 14)[:, None] == np.arange(V0)[None, :], 1.0, 0.0)
_A1 = np.where(((_r // 2) % 7)[:, None] == np.arange(V1)[None, :], 1.0, 0.0)
_A2 = np.where((_r % 2)[:, None] == np.arange(V2)[None, :], 1.0, 0.0)
_A0[NCOMBO:] = 0.0
_A1[NCOMBO:] = 0.0
_A2[NCOMBO:] = 0.0
_A0 = _A0.astype(np.float32)
_A1 = _A1.astype(np.float32)
_A2 = _A2.astype(np.float32)


def _table_body(a0_ref, a1_ref, a2_ref, e0_ref, e1_ref, e2_ref, w_ref, b_ref,
                o_ref):
    x0 = jnp.dot(a0_ref[...], e0_ref[...], preferred_element_type=jnp.float32)
    x1 = jnp.dot(a1_ref[...], e1_ref[...], preferred_element_type=jnp.float32)
    x2 = jnp.dot(a2_ref[...], e2_ref[...], preferred_element_type=jnp.float32)
    w = w_ref[...]
    acc = jnp.dot(x0, w[0:HIDDEN, :], preferred_element_type=jnp.float32)
    acc += jnp.dot(x1, w[HIDDEN:2 * HIDDEN, :],
                   preferred_element_type=jnp.float32)
    acc += jnp.dot(x2, w[2 * HIDDEN:3 * HIDDEN, :],
                   preferred_element_type=jnp.float32)
    o_ref[...] = acc + b_ref[...]


def _build_table(emb0, emb1, emb2, W, b):
    return pl.pallas_call(
        _table_body,
        out_shape=jax.ShapeDtypeStruct((VPAD, HIDDEN), jnp.float32),
    )(_A0, _A1, _A2, emb0, emb1, emb2, W, b.reshape(1, HIDDEN))


def _make_gather(E):
    assert E % NW == 0
    bpw = E // NW
    C = 400
    G = 80
    assert bpw % C == 0 and C % G == 0 and C % LANES == 0 and G % 8 == 0
    nsub = C // G
    nchunk = bpw // C
    assert nchunk % 2 == 1
    npair = (nchunk - 1) // 2

    mesh = plsc.VectorSubcoreMesh(core_axis_name="c", subcore_axis_name="s")

    @functools.partial(
        pl.kernel,
        out_type=jax.ShapeDtypeStruct((E, HIDDEN), jnp.float32),
        mesh=mesh,
        scratch_types=(
            [pltpu.VMEM((C,), jnp.int32)] * 6
            + [pltpu.VMEM((G,), jnp.int32)] * (2 * nsub)
            + [pltpu.VMEM((C, HIDDEN), jnp.float32)] * 2
            + [pltpu.VMEM_SHARED((VPAD, HIDDEN), jnp.float32)]
            + [pltpu.SemaphoreType.DMA] * 6
        ),
    )
    def sc_gather(c0_hbm, c1_hbm, c2_hbm, table_hbm, out_hbm,
                  c0a, c0b, c1a, c1b, c2a, c2b,
                  i00, i01, i02, i03, i04, i10, i11, i12, i13, i14,
                  rows0, rows1, table_sp, isem0, isem1, gsem0, gsem1, wsem0,
                  wsem1):
        wid = lax.axis_index("s") * NC + lax.axis_index("c")
        base = wid * bpw
        cols = ((c0a, c1a, c2a), (c0b, c1b, c2b))
        idxs = ((i00, i01, i02, i03, i04), (i10, i11, i12, i13, i14))
        rows = (rows0, rows1)
        isem = (isem0, isem1)
        gsem = (gsem0, gsem1)
        wsem = (wsem0, wsem1)

        def cols_start(k, s):
            off = base + k * C
            pltpu.async_copy(c0_hbm.at[pl.ds(off, C)], cols[s][0], isem[s])
            pltpu.async_copy(c1_hbm.at[pl.ds(off, C)], cols[s][1], isem[s])
            pltpu.async_copy(c2_hbm.at[pl.ds(off, C)], cols[s][2], isem[s])

        def cols_wait(s):
            for ref in cols[s]:
                pltpu.make_async_copy(c0_hbm.at[pl.ds(0, C)], ref,
                                      isem[s]).wait()

        def fuse_idx(s):
            c0_v, c1_v, c2_v = cols[s]
            for j in range(nsub):
                for m in range(G // LANES):
                    d = pl.ds(j * G + m * LANES, LANES)
                    dd = pl.ds(m * LANES, LANES)
                    idxs[s][j][dd] = c0_v[d] * 14 + c1_v[d] * 2 + c2_v[d]

        def gather_start(s):
            for j in range(nsub):
                pltpu.async_copy(table_sp.at[idxs[s][j]],
                                 rows[s].at[pl.ds(j * G, G)], gsem[s])

        def gather_wait(s):
            for j in range(nsub):
                pltpu.make_async_copy(table_sp.at[idxs[s][j]],
                                      rows[s].at[pl.ds(j * G, G)],
                                      gsem[s]).wait()

        def drain_and_write(k, s):
            off = base + k * C
            for j in range(nsub):
                pltpu.make_async_copy(table_sp.at[idxs[s][j]],
                                      rows[s].at[pl.ds(j * G, G)],
                                      gsem[s]).wait()
                pltpu.async_copy(rows[s].at[pl.ds(j * G, G)],
                                 out_hbm.at[pl.ds(off + j * G, G)], wsem[s])

        def write_wait(s):
            for j in range(nsub):
                pltpu.make_async_copy(rows[s].at[pl.ds(j * G, G)],
                                      out_hbm.at[pl.ds(base, G)],
                                      wsem[s]).wait()

        @pl.when(lax.axis_index("s") == 0)
        def _():
            pltpu.sync_copy(table_hbm, table_sp)

        plsc.subcore_barrier()

        cols_start(0, 0)
        cols_wait(0)
        fuse_idx(0)
        gather_start(0)
        cols_start(1, 1)
        drain_and_write(0, 0)

        def pair_body(i2, carry):
            k1 = 2 * i2 + 1
            k2 = k1 + 1
            cols_wait(1)
            fuse_idx(1)
            gather_start(1)
            cols_start(k2, 0)
            drain_and_write(k1, 1)
            write_wait(0)
            cols_wait(0)
            fuse_idx(0)
            gather_start(0)
            kpre = jnp.minimum(k2 + 1, nchunk - 1)
            cols_start(kpre, 1)
            drain_and_write(k2, 0)
            write_wait(1)
            return carry

        lax.fori_loop(0, npair, pair_body, 0)

        write_wait(0)
        cols_wait(1)

    return sc_gather


def kernel(e_cat, emb0, emb1, emb2, W, b):
    e_cat = e_cat.astype(jnp.int32)
    E = e_cat.shape[0]
    table = _build_table(emb0, emb1, emb2, W, b)
    return _make_gather(E)(e_cat[:, 0], e_cat[:, 1], e_cat[:, 2], table)

# --- scband reference (transcript-rebuilt; emitter-appended) ---
"""Pipeline reference for scband-bond-feature-encoder-72816875536606 (READ-ONLY COPY).

The authoritative reference and input builder live on the scoring server;
editing this copy changes nothing except your own understanding.
"""

import jax, jax.numpy as jnp
import numpy as np

E = 320000
HIDDEN = 128
VOCABS = [23, 7, 2]

def setup_inputs(seed: int = 0) -> dict:
    key = jax.random.key(seed)
    ks = jax.random.split(key, 8)
    # categorical edge features, each column in-range for its embedding table
    c0 = jax.random.randint(ks[0], (E,), 0, VOCABS[0], dtype=jnp.int64)
    c1 = jax.random.randint(ks[1], (E,), 0, VOCABS[1], dtype=jnp.int64)
    c2 = jax.random.randint(ks[2], (E,), 0, VOCABS[2], dtype=jnp.int64)
    e_cat = jnp.stack([c0, c1, c2], axis=1)
    emb0 = jax.random.normal(ks[3], (VOCABS[0], HIDDEN), dtype=jnp.float32)
    emb1 = jax.random.normal(ks[4], (VOCABS[1], HIDDEN), dtype=jnp.float32)
    emb2 = jax.random.normal(ks[5], (VOCABS[2], HIDDEN), dtype=jnp.float32)
    W = jax.random.normal(ks[6], (HIDDEN * 3, HIDDEN), dtype=jnp.float32) * (1.0 / np.sqrt(HIDDEN * 3))
    b = jax.random.normal(ks[7], (HIDDEN,), dtype=jnp.float32) * 0.01
    return {"e_cat": e_cat, "emb0": emb0, "emb1": emb1, "emb2": emb2, "W": W, "b": b}

def reference(e_cat, emb0, emb1, emb2, W, b):
    # parts = [emb(e_cat[:, i]) for each embedding]
    p0 = jnp.take(emb0, e_cat[:, 0], axis=0)
    p1 = jnp.take(emb1, e_cat[:, 1], axis=0)
    p2 = jnp.take(emb2, e_cat[:, 2], axis=0)
    x = jnp.concatenate([p0, p1, p2], axis=-1)
    # nn.Linear: y = x @ W + b (W stored as [in, out] here)
    return x @ W + b

if __name__ == "__main__":
    import jax
    _d = setup_inputs()
    print(jax.jit(kernel)(*tuple(_d.values())))

</pallas_src>

<mosaic_0001>
#map = affine_map<(d0, d1) -> (0)>
#map1 = affine_map<(d0, d1) -> (0, 0)>
module attributes {stable_mosaic.version = 14 : i64} {
  func.func @sc_gather(%arg0: i32, %arg1: i32, %arg2: memref<320000xi32, #tpu.memory_space<hbm>>, %arg3: memref<320000xi32, #tpu.memory_space<hbm>>, %arg4: memref<320000xi32, #tpu.memory_space<hbm>>, %arg5: memref<328x128xf32, #tpu.memory_space<hbm>>, %arg6: memref<320000x128xf32, #tpu.memory_space<hbm>>, %arg7: memref<400xi32, #tpu.memory_space<vmem>>, %arg8: memref<400xi32, #tpu.memory_space<vmem>>, %arg9: memref<400xi32, #tpu.memory_space<vmem>>, %arg10: memref<400xi32, #tpu.memory_space<vmem>>, %arg11: memref<400xi32, #tpu.memory_space<vmem>>, %arg12: memref<400xi32, #tpu.memory_space<vmem>>, %arg13: memref<80xi32, #tpu.memory_space<vmem>>, %arg14: memref<80xi32, #tpu.memory_space<vmem>>, %arg15: memref<80xi32, #tpu.memory_space<vmem>>, %arg16: memref<80xi32, #tpu.memory_space<vmem>>, %arg17: memref<80xi32, #tpu.memory_space<vmem>>, %arg18: memref<80xi32, #tpu.memory_space<vmem>>, %arg19: memref<80xi32, #tpu.memory_space<vmem>>, %arg20: memref<80xi32, #tpu.memory_space<vmem>>, %arg21: memref<80xi32, #tpu.memory_space<vmem>>, %arg22: memref<80xi32, #tpu.memory_space<vmem>>, %arg23: memref<400x128xf32, #tpu.memory_space<vmem>>, %arg24: memref<400x128xf32, #tpu.memory_space<vmem>>, %arg25: memref<328x128xf32, #tpu.memory_space<vmem_shared>>, %arg26: memref<!tpu.dma_semaphore, #tpu.memory_space<semaphore_mem>>, %arg27: memref<!tpu.dma_semaphore, #tpu.memory_space<semaphore_mem>>, %arg28: memref<!tpu.dma_semaphore, #tpu.memory_space<semaphore_mem>>, %arg29: memref<!tpu.dma_semaphore, #tpu.memory_space<semaphore_mem>>, %arg30: memref<!tpu.dma_semaphore, #tpu.memory_space<semaphore_mem>>, %arg31: memref<!tpu.dma_semaphore, #tpu.memory_space<semaphore_mem>>) attributes {dimension_semantics = [#tpu.dimension_semantics<core_parallel>, #tpu.dimension_semantics<subcore_parallel>], iteration_bounds = array<i64: 2, 16>, scalar_prefetch = 0 : i64, scratch_operands = 25 : i64, tpu.core_type = #tpu.core_type<sc_vector_subcore>, window_params = [{transform_indices = #map}, {transform_indices = #map}, {transform_indices = #map}, {transform_indices = #map1}, {transform_indices = #map1}]} {
    %mul3A = arith.constant 2 : i32
    %mul3A_0 = arith.muli %arg1, %mul3A : i32
    %add3A = arith.addi %mul3A_0, %arg0 : i32
    %mul3A_1 = arith.constant 10000 : i32
    %mul3A_2 = arith.muli %add3A, %mul3A_1 : i32
    %eq3A = arith.constant 0 : i32
    %eq3A_3 = arith.cmpi eq, %arg1, %eq3A : i32
    %convert_element_type3A = arith.extui %eq3A_3 : i1 to i32
    %cond3A = arith.constant 0 : i32
    %cond3A_4 = arith.cmpi ne, %convert_element_type3A, %cond3A : i32
    scf.if %cond3A_4 {
      "tpu.region"() ({
        %run_scoped3A = tpu.sem_alloc : memref<!tpu.dma_semaphore, #tpu.memory_space<semaphore_mem>>
        tpu.enqueue_dma source(%arg5 : memref<328x128xf32, #tpu.memory_space<hbm>>) target(%arg25 : memref<328x128xf32, #tpu.memory_space<vmem_shared>>) target_semaphore(%run_scoped3A : memref<!tpu.dma_semaphore, #tpu.memory_space<semaphore_mem>>)
        tpu.wait_dma2 semaphore(%run_scoped3A : memref<!tpu.dma_semaphore, #tpu.memory_space<semaphore_mem>>) src(%arg5 : memref<328x128xf32, #tpu.memory_space<hbm>>) dst(%arg25 : memref<328x128xf32, #tpu.memory_space<vmem_shared>>)
        tpu.yield
      }) : () -> ()
    } else {
    }
    %barrier3A = arith.constant 0 : index
    tpu.barrier barrier_id(%barrier3A)
    %add3A_5 = arith.constant 0 : i32
    %add3A_6 = arith.addi %mul3A_2, %add3A_5 : i32
    %dma_start3A = tpu.memref_slice %arg2[%add3A_6] : memref<320000xi32, #tpu.memory_space<hbm>> -> memref<400xi32, #tpu.memory_space<hbm>>
    %dma_start3A_7 = tpu.memref_slice %arg2[%add3A_6] : memref<320000xi32, #tpu.memory_space<hbm>> -> memref<400xi32, #tpu.memory_space<hbm>>
    tpu.enqueue_dma source(%dma_start3A_7 : memref<400xi32, #tpu.memory_space<hbm>>) target(%arg7 : memref<400xi32, #tpu.memory_space<vmem>>) target_semaphore(%arg26 : memref<!tpu.dma_semaphore, #tpu.memory_space<semaphore_mem>>)
    %dma_start3A_8 = tpu.memref_slice %arg3[%add3A_6] : memref<320000xi32, #tpu.memory_space<hbm>> -> memref<400xi32, #tpu.memory_space<hbm>>
    %dma_start3A_9 = tpu.memref_slice %arg3[%add3A_6] : memref<320000xi32, #tpu.memory_space<hbm>> -> memref<400xi32, #tpu.memory_space<hbm>>
    tpu.enqueue_dma source(%dma_start3A_9 : memref<400xi32, #tpu.memory_space<hbm>>) target(%arg9 : memref<400xi32, #tpu.memory_space<vmem>>) target_semaphore(%arg26 : memref<!tpu.dma_semaphore, #tpu.memory_space<semaphore_mem>>)
    %dma_start3A_10 = tpu.memref_slice %arg4[%add3A_6] : memref<320000xi32, #tpu.memory_space<hbm>> -> memref<400xi32, #tpu.memory_space<hbm>>
    %dma_start3A_11 = tpu.memref_slice %arg4[%add3A_6] : memref<320000xi32, #tpu.memory_space<hbm>> -> memref<400xi32, #tpu.memory_space<hbm>>
    tpu.enqueue_dma source(%dma_start3A_11 : memref<400xi32, #tpu.memory_space<hbm>>) target(%arg11 : memref<400xi32, #tpu.memory_space<vmem>>) target_semaphore(%arg26 : memref<!tpu.dma_semaphore, #tpu.memory_space<semaphore_mem>>)
    %dma_wait3A = arith.constant 0 : i32
    %dma_wait3A_12 = tpu.memref_slice %arg2[%dma_wait3A] : memref<320000xi32, #tpu.memory_space<hbm>> -> memref<400xi32, #tpu.memory_space<hbm>>
    %dma_wait3A_13 = arith.constant 0 : i32
    %dma_wait3A_14 = tpu.memref_slice %arg2[%dma_wait3A_13] : memref<320000xi32, #tpu.memory_space<hbm>> -> memref<400xi32, #tpu.memory_space<hbm>>
    tpu.wait_dma2 semaphore(%arg26 : memref<!tpu.dma_semaphore, #tpu.memory_space<semaphore_mem>>) src(%dma_wait3A_14 : memref<400xi32, #tpu.memory_space<hbm>>) dst(%arg7 : memref<400xi32, #tpu.memory_space<vmem>>)
    %dma_wait3A_15 = arith.constant 0 : i32
    %dma_wait3A_16 = tpu.memref_slice %arg2[%dma_wait3A_15] : memref<320000xi32, #tpu.memory_space<hbm>> -> memref<400xi32, #tpu.memory_space<hbm>>
    %dma_wait3A_17 = arith.constant 0 : i32
    %dma_wait3A_18 = tpu.memref_slice %arg2[%dma_wait3A_17] : memref<320000xi32, #tpu.memory_space<hbm>> -> memref<400xi32, #tpu.memory_space<hbm>>
    tpu.wait_dma2 semaphore(%arg26 : memref<!tpu.dma_semaphore, #tpu.memory_space<semaphore_mem>>) src(%dma_wait3A_18 : memref<400xi32, #tpu.memory_space<hbm>>) dst(%arg9 : memref<400xi32, #tpu.memory_space<vmem>>)
    %dma_wait3A_19 = arith.constant 0 : i32
    %dma_wait3A_20 = tpu.memref_slice %arg2[%dma_wait3A_19] : memref<320000xi32, #tpu.memory_space<hbm>> -> memref<400xi32, #tpu.memory_space<hbm>>
    %dma_wait3A_21 = arith.constant 0 : i32
    %dma_wait3A_22 = tpu.memref_slice %arg2[%dma_wait3A_21] : memref<320000xi32, #tpu.memory_space<hbm>> -> memref<400xi32, #tpu.memory_space<hbm>>
    tpu.wait_dma2 semaphore(%arg26 : memref<!tpu.dma_semaphore, #tpu.memory_space<semaphore_mem>>) src(%dma_wait3A_22 : memref<400xi32, #tpu.memory_space<hbm>>) dst(%arg11 : memref<400xi32, #tpu.memory_space<vmem>>)
    %get3A = arith.constant 0 : index
    %get3A_23 = tpu.vector_load %arg7[%get3A] {strides = array<i32>} : memref<400xi32, #tpu.memory_space<vmem>>, vector<16xi32>,
    %get3A_24 = vector.shape_cast %get3A_23 : vector<16xi32> to vector<16xi32>
    %mul3A_25 = arith.constant 14 : i32
    %mul3A_26 = vector.broadcast %mul3A_25 : i32 to vector<16xi32>
    %mul3A_27 = arith.muli %get3A_24, %mul3A_26 : vector<16xi32>
    %get3A_28 = arith.constant 0 : index
    %get3A_29 = tpu.vector_load %arg9[%get3A_28] {strides = array<i32>} : memref<400xi32, #tpu.memory_space<vmem>>, vector<16xi32>,
    %get3A_30 = vector.shape_cast %get3A_29 : vector<16xi32> to vector<16xi32>
    %mul3A_31 = arith.constant 2 : i32
    %mul3A_32 = vector.broadcast %mul3A_31 : i32 to vector<16xi32>
    %mul3A_33 = arith.muli %get3A_30, %mul3A_32 : vector<16xi32>
    %add3A_34 = arith.addi %mul3A_27, %mul3A_33 : vector<16xi32>
    %get3A_35 = arith.constant 0 : index
    %get3A_36 = tpu.vector_load %arg11[%get3A_35] {strides = array<i32>} : memref<400xi32, #tpu.memory_space<vmem>>, vector<16xi32>,
    %get3A_37 = vector.shape_cast %get3A_36 : vector<16xi32> to vector<16xi32>
    %add3A_38 = arith.addi %add3A_34, %get3A_37 : vector<16xi32>
    %swap3A = arith.constant 0 : index
    %swap3A_39 = tpu.vector_load %arg13[%swap3A] {strides = array<i32>} : memref<80xi32, #tpu.memory_space<vmem>>, vector<16xi32>,
    %swap3A_40 = vector.shape_cast %swap3A_39 : vector<16xi32> to vector<16xi32>
    %swap3A_41 = vector.shape_cast %add3A_38 : vector<16xi32> to vector<16xi32>
    tpu.vector_store %arg13[%swap3A], %swap3A_41 {strides = array<i32>} : memref<80xi32, #tpu.memory_space<vmem>>, vector<16xi32>,
    %get3A_42 = arith.constant 16 : index
    %get3A_43 = tpu.vector_load %arg7[%get3A_42] {strides = array<i32>} : memref<400xi32, #tpu.memory_space<vmem>>, vector<16xi32>,
    %get3A_44 = vector.shape_cast %get3A_43 : vector<16xi32> to vector<16xi32>
    %mul3A_45 = arith.constant 14 : i32
    %mul3A_46 = vector.broadcast %mul3A_45 : i32 to vector<16xi32>
    %mul3A_47 = arith.muli %get3A_44, %mul3A_46 : vector<16xi32>
    %get3A_48 = arith.constant 16 : index
    %get3A_49 = tpu.vector_load %arg9[%get3A_48] {strides = array<i32>} : memref<400xi32, #tpu.memory_space<vmem>>, vector<16xi32>,
    %get3A_50 = vector.shape_cast %get3A_49 : vector<16xi32> to vector<16xi32>
    %mul3A_51 = arith.constant 2 : i32
    %mul3A_52 = vector.broadcast %mul3A_51 : i32 to vector<16xi32>
    %mul3A_53 = arith.muli %get3A_50, %mul3A_52 : vector<16xi32>
    %add3A_54 = arith.addi %mul3A_47, %mul3A_53 : vector<16xi32>
    %get3A_55 = arith.constant 16 : index
    %get3A_56 = tpu.vector_load %arg11[%get3A_55] {strides = array<i32>} : memref<400xi32, #tpu.memory_space<vmem>>, vector<16xi32>,
    %get3A_57 = vector.shape_cast %get3A_56 : vector<16xi32> to vector<16xi32>
    %add3A_58 = arith.addi %add3A_54, %get3A_57 : vector<16xi32>
    %swap3A_59 = arith.constant 16 : index
    %swap3A_60 = tpu.vector_load %arg13[%swap3A_59] {strides = array<i32>} : memref<80xi32, #tpu.memory_space<vmem>>, vector<16xi32>,
    %swap3A_61 = vector.shape_cast %swap3A_60 : vector<16xi32> to vector<16xi32>
    %swap3A_62 = vector.shape_cast %add3A_58 : vector<16xi32> to vector<16xi32>
    tpu.vector_store %arg13[%swap3A_59], %swap3A_62 {strides = array<i32>} : memref<80xi32, #tpu.memory_space<vmem>>, vector<16xi32>,
    %get3A_63 = arith.constant 32 : index
    %get3A_64 = tpu.vector_load %arg7[%get3A_63] {strides = array<i32>} : memref<400xi32, #tpu.memory_space<vmem>>, vector<16xi32>,
    %get3A_65 = vector.shape_cast %get3A_64 : vector<16xi32> to vector<16xi32>
    %mul3A_66 = arith.constant 14 : i32
    %mul3A_67 = vector.broadcast %mul3A_66 : i32 to vector<16xi32>
    %mul3A_68 = arith.muli %get3A_65, %mul3A_67 : vector<16xi32>
    %get3A_69 = arith.constant 32 : index
    %get3A_70 = tpu.vector_load %arg9[%get3A_69] {strides = array<i32>} : memref<400xi32, #tpu.memory_space<vmem>>, vector<16xi32>,
    %get3A_71 = vector.shape_cast %get3A_70 : vector<16xi32> to vector<16xi32>
    %mul3A_72 = arith.constant 2 : i32
    %mul3A_73 = vector.broadcast %mul3A_72 : i32 to vector<16xi32>
    %mul3A_74 = arith.muli %get3A_71, %mul3A_73 : vector<16xi32>
    %add3A_75 = arith.addi %mul3A_68, %mul3A_74 : vector<16xi32>
    %get3A_76 = arith.constant 32 : index
    %get3A_77 = tpu.vector_load %arg11[%get3A_76] {strides = array<i32>} : memref<400xi32, #tpu.memory_space<vmem>>, vector<16xi32>,
    %get3A_78 = vector.shape_cast %get3A_77 : vector<16xi32> to vector<16xi32>
    %add3A_79 = arith.addi %add3A_75, %get3A_78 : vector<16xi32>
    %swap3A_80 = arith.constant 32 : index
    %swap3A_81 = tpu.vector_load %arg13[%swap3A_80] {strides = array<i32>} : memref<80xi32, #tpu.memory_space<vmem>>, vector<16xi32>,
    %swap3A_82 = vector.shape_cast %swap3A_81 : vector<16xi32> to vector<16xi32>
    %swap3A_83 = vector.shape_cast %add3A_79 : vector<16xi32> to vector<16xi32>
    tpu.vector_store %arg13[%swap3A_80], %swap3A_83 {strides = array<i32>} : memref<80xi32, #tpu.memory_space<vmem>>, vector<16xi32>,
    %get3A_84 = arith.constant 48 : index
    %get3A_85 = tpu.vector_load %arg7[%get3A_84] {strides = array<i32>} : memref<400xi32, #tpu.memory_space<vmem>>, vector<16xi32>,
    %get3A_86 = vector.shape_cast %get3A_85 : vector<16xi32> to vector<16xi32>
    %mul3A_87 = arith.constant 14 : i32
    %mul3A_88 = vector.broadcast %mul3A_87 : i32 to vector<16xi32>
    %mul3A_89 = arith.muli %get3A_86, %mul3A_88 : vector<16xi32>
    %get3A_90 = arith.constant 48 : index
    %get3A_91 = tpu.vector_load %arg9[%get3A_90] {strides = array<i32>} : memref<400xi32, #tpu.memory_space<vmem>>, vector<16xi32>,
    %get3A_92 = vector.shape_cast %get3A_91 : vector<16xi32> to vector<16xi32>
    %mul3A_93 = arith.constant 2 : i32
    %mul3A_94 = vector.broadcast %mul3A_93 : i32 to vector<16xi32>
    %mul3A_95 = arith.muli %get3A_92, %mul3A_94 : vector<16xi32>
    %add3A_96 = arith.addi %mul3A_89, %mul3A_95 : vector<16xi32>
    %get3A_97 = arith.constant 48 : index
    %get3A_98 = tpu.vector_load %arg11[%get3A_97] {strides = array<i32>} : memref<400xi32, #tpu.memory_space<vmem>>, vector<16xi32>,
    %get3A_99 = vector.shape_cast %get3A_98 : vector<16xi32> to vector<16xi32>
    %add3A_100 = arith.addi %add3A_96, %get3A_99 : vector<16xi32>
    %swap3A_101 = arith.constant 48 : index
    %swap3A_102 = tpu.vector_load %arg13[%swap3A_101] {strides = array<i32>} : memref<80xi32, #tpu.memory_space<vmem>>, vector<16xi32>,
    %swap3A_103 = vector.shape_cast %swap3A_102 : vector<16xi32> to vector<16xi32>
    %swap3A_104 = vector.shape_cast %add3A_100 : vector<16xi32> to vector<16xi32>
    tpu.vector_store %arg13[%swap3A_101], %swap3A_104 {strides = array<i32>} : memref<80xi32, #tpu.memory_space<vmem>>, vector<16xi32>,
    %get3A_105 = arith.constant 64 : index
    %get3A_106 = tpu.vector_load %arg7[%get3A_105] {strides = array<i32>} : memref<400xi32, #tpu.memory_space<vmem>>, vector<16xi32>,
    %get3A_107 = vector.shape_cast %get3A_106 : vector<16xi32> to vector<16xi32>
    %mul3A_108 = arith.constant 14 : i32
    %mul3A_109 = vector.broadcast %mul3A_108 : i32 to vector<16xi32>
    %mul3A_110 = arith.muli %get3A_107, %mul3A_109 : vector<16xi32>
    %get3A_111 = arith.constant 64 : index
    %get3A_112 = tpu.vector_load %arg9[%get3A_111] {strides = array<i32>} : memref<400xi32, #tpu.memory_space<vmem>>, vector<16xi32>,
    %get3A_113 = vector.shape_cast %get3A_112 : vector<16xi32> to vector<16xi32>
    %mul3A_114 = arith.constant 2 : i32
    %mul3A_115 = vector.broadcast %mul3A_114 : i32 to vector<16xi32>
    %mul3A_116 = arith.muli %get3A_113, %mul3A_115 : vector<16xi32>
    %add3A_117 = arith.addi %mul3A_110, %mul3A_116 : vector<16xi32>
    %get3A_118 = arith.constant 64 : index
    %get3A_119 = tpu.vector_load %arg11[%get3A_118] {strides = array<i32>} : memref<400xi32, #tpu.memory_space<vmem>>, vector<16xi32>,
    %get3A_120 = vector.shape_cast %get3A_119 : vector<16xi32> to vector<16xi32>
    %add3A_121 = arith.addi %add3A_117, %get3A_120 : vector<16xi32>
    %swap3A_122 = arith.constant 64 : index
    %swap3A_123 = tpu.vector_load %arg13[%swap3A_122] {strides = array<i32>} : memref<80xi32, #tpu.memory_space<vmem>>, vector<16xi32>,
    %swap3A_124 = vector.shape_cast %swap3A_123 : vector<16xi32> to vector<16xi32>
    %swap3A_125 = vector.shape_cast %add3A_121 : vector<16xi32> to vector<16xi32>
    tpu.vector_store %arg13[%swap3A_122], %swap3A_125 {strides = array<i32>} : memref<80xi32, #tpu.memory_space<vmem>>, vector<16xi32>,
    %get3A_126 = arith.constant 80 : index
    %get3A_127 = tpu.vector_load %arg7[%get3A_126] {strides = array<i32>} : memref<400xi32, #tpu.memory_space<vmem>>, vector<16xi32>,
    %get3A_128 = vector.shape_cast %get3A_127 : vector<16xi32> to vector<16xi32>
    %mul3A_129 = arith.constant 14 : i32
    %mul3A_130 = vector.broadcast %mul3A_129 : i32 to vector<16xi32>
    %mul3A_131 = arith.muli %get3A_128, %mul3A_130 : vector<16xi32>
    %get3A_132 = arith.constant 80 : index
    %get3A_133 = tpu.vector_load %arg9[%get3A_132] {strides = array<i32>} : memref<400xi32, #tpu.memory_space<vmem>>, vector<16xi32>,
    %get3A_134 = vector.shape_cast %get3A_133 : vector<16xi32> to vector<16xi32>
    %mul3A_135 = arith.constant 2 : i32
    %mul3A_136 = vector.broadcast %mul3A_135 : i32 to vector<16xi32>
    %mul3A_137 = arith.muli %get3A_134, %mul3A_136 : vector<16xi32>
    %add3A_138 = arith.addi %mul3A_131, %mul3A_137 : vector<16xi32>
    %get3A_139 = arith.constant 80 : index
    %get3A_140 = tpu.vector_load %arg11[%get3A_139] {strides = array<i32>} : memref<400xi32, #tpu.memory_space<vmem>>, vector<16xi32>,
    %get3A_141 = vector.shape_cast %get3A_140 : vector<16xi32> to vector<16xi32>
    %add3A_142 = arith.addi %add3A_138, %get3A_141 : vector<16xi32>
    %swap3A_143 = arith.constant 0 : index
    %swap3A_144 = tpu.vector_load %arg14[%swap3A_143] {strides = array<i32>} : memref<80xi32, #tpu.memory_space<vmem>>, vector<16xi32>,
    %swap3A_145 = vector.shape_cast %swap3A_144 : vector<16xi32> to vector<16xi32>
    %swap3A_146 = vector.shape_cast %add3A_142 : vector<16xi32> to vector<16xi32>
    tpu.vector_store %arg14[%swap3A_143], %swap3A_146 {strides = array<i32>} : memref<80xi32, #tpu.memory_space<vmem>>, vector<16xi32>,
    %get3A_147 = arith.constant 96 : index
    %get3A_148 = tpu.vector_load %arg7[%get3A_147] {strides = array<i32>} : memref<400xi32, #tpu.memory_space<vmem>>, vector<16xi32>,
    %get3A_149 = vector.shape_cast %get3A_148 : vector<16xi32> to vector<16xi32>
    %mul3A_150 = arith.constant 14 : i32
    %mul3A_151 = vector.broadcast %mul3A_150 : i32 to vector<16xi32>
    %mul3A_152 = arith.muli %get3A_149, %mul3A_151 : vector<16xi32>
    %get3A_153 = arith.constant 96 : index
    %get3A_154 = tpu.vector_load %arg9[%get3A_153] {strides = array<i32>} : memref<400xi32, #tpu.memory_space<vmem>>, vector<16xi32>,
    %get3A_155 = vector.shape_cast %get3A_154 : vector<16xi32> to vector<16xi32>
    %mul3A_156 = arith.constant 2 : i32
    %mul3A_157 = vector.broadcast %mul3A_156 : i32 to vector<16xi32>
    %mul3A_158 = arith.muli %get3A_155, %mul3A_157 : vector<16xi32>
    %add3A_159 = arith.addi %mul3A_152, %mul3A_158 : vector<16xi32>
    %get3A_160 = arith.constant 96 : index
    %get3A_161 = tpu.vector_load %arg11[%get3A_160] {strides = array<i32>} : memref<400xi32, #tpu.memory_space<vmem>>, vector<16xi32>,
    %get3A_162 = vector.shape_cast %get3A_161 : vector<16xi32> to vector<16xi32>
    %add3A_163 = arith.addi %add3A_159, %get3A_162 : vector<16xi32>
    %swap3A_164 = arith.constant 16 : index
    %swap3A_165 = tpu.vector_load %arg14[%swap3A_164] {strides = array<i32>} : memref<80xi32, #tpu.memory_space<vmem>>, vector<16xi32>,
    %swap3A_166 = vector.shape_cast %swap3A_165 : vector<16xi32> to vector<16xi32>
    %swap3A_167 = vector.shape_cast %add3A_163 : vector<16xi32> to vector<16xi32>
    tpu.vector_store %arg14[%swap3A_164], %swap3A_167 {strides = array<i32>} : memref<80xi32, #tpu.memory_space<vmem>>, vector<16xi32>,
    %get3A_168 = arith.constant 112 : index
    %get3A_169 = tpu.vector_load %arg7[%get3A_168] {strides = array<i32>} : memref<400xi32, #tpu.memory_space<vmem>>, vector<16xi32>,
    %get3A_170 = vector.shape_cast %get3A_169 : vector<16xi32> to vector<16xi32>
    %mul3A_171 = arith.constant 14 : i32
    %mul3A_172 = vector.broadcast %mul3A_171 : i32 to vector<16xi32>
    %mul3A_173 = arith.muli %get3A_170, %mul3A_172 : vector<16xi32>
    %get3A_174 = arith.constant 112 : index
    %get3A_175 = tpu.vector_load %arg9[%get3A_174] {strides = array<i32>} : memref<400xi32, #tpu.memory_space<vmem>>, vector<16xi32>,
    %get3A_176 = vector.shape_cast %get3A_175 : vector<16xi32> to vector<16xi32>
    %mul3A_177 = arith.constant 2 : i32
    %mul3A_178 = vector.broadcast %mul3A_177 : i32 to vector<16xi32>
    %mul3A_179 = arith.muli %get3A_176, %mul3A_178 : vector<16xi32>
    %add3A_180 = arith.addi %mul3A_173, %mul3A_179 : vector<16xi32>
    %get3A_181 = arith.constant 112 : index
    %get3A_182 = tpu.vector_load %arg11[%get3A_181] {strides = array<i32>} : memref<400xi32, #tpu.memory_space<vmem>>, vector<16xi32>,
    %get3A_183 = vector.shape_cast %get3A_182 : vector<16xi32> to vector<16xi32>
    %add3A_184 = arith.addi %add3A_180, %get3A_183 : vector<16xi32>
    %swap3A_185 = arith.constant 32 : index
    %swap3A_186 = tpu.vector_load %arg14[%swap3A_185] {strides = array<i32>} : memref<80xi32, #tpu.memory_space<vmem>>, vector<16xi32>,
    %swap3A_187 = vector.shape_cast %swap3A_186 : vector<16xi32> to vector<16xi32>
    %swap3A_188 = vector.shape_cast %add3A_184 : vector<16xi32> to vector<16xi32>
    tpu.vector_store %arg14[%swap3A_185], %swap3A_188 {strides = array<i32>} : memref<80xi32, #tpu.memory_space<vmem>>, vector<16xi32>,
    %get3A_189 = arith.constant 128 : index
    %get3A_190 = tpu.vector_load %arg7[%get3A_189] {strides = array<i32>} : memref<400xi32, #tpu.memory_space<vmem>>, vector<16xi32>,
    %get3A_191 = vector.shape_cast %get3A_190 : vector<16xi32> to vector<16xi32>
    %mul3A_192 = arith.constant 14 : i32
    %mul3A_193 = vector.broadcast %mul3A_192 : i32 to vector<16xi32>
    %mul3A_194 = arith.muli %get3A_191, %mul3A_193 : vector<16xi32>
    %get3A_195 = arith.constant 128 : index
    %get3A_196 = tpu.vector_load %arg9[%get3A_195] {strides = array<i32>} : memref<400xi32, #tpu.memory_space<vmem>>, vector<16xi32>,
    %get3A_197 = vector.shape_cast %get3A_196 : vector<16xi32> to vector<16xi32>
    %mul3A_198 = arith.constant 2 : i32
    %mul3A_199 = vector.broadcast %mul3A_198 : i32 to vector<16xi32>
    %mul3A_200 = arith.muli %get3A_197, %mul3A_199 : vector<16xi32>
    %add3A_201 = arith.addi %mul3A_194, %mul3A_200 : vector<16xi32>
    %get3A_202 = arith.constant 128 : index
    %get3A_203 = tpu.vector_load %arg11[%get3A_202] {strides = array<i32>} : memref<400xi32, #tpu.memory_space<vmem>>, vector<16xi32>,
    %get3A_204 = vector.shape_cast %get3A_203 : vector<16xi32> to vector<16xi32>
    %add3A_205 = arith.addi %add3A_201, %get3A_204 : vector<16xi32>
    %swap3A_206 = arith.constant 48 : index
    %swap3A_207 = tpu.vector_load %arg14[%swap3A_206] {strides = array<i32>} : memref<80xi32, #tpu.memory_space<vmem>>, vector<16xi32>,
    %swap3A_208 = vector.shape_cast %swap3A_207 : vector<16xi32> to vector<16xi32>
    %swap3A_209 = vector.shape_cast %add3A_205 : vector<16xi32> to vector<16xi32>
    tpu.vector_store %arg14[%swap3A_206], %swap3A_209 {strides = array<i32>} : memref<80xi32, #tpu.memory_space<vmem>>, vector<16xi32>,
    %get3A_210 = arith.constant 144 : index
    %get3A_211 = tpu.vector_load %arg7[%get3A_210] {strides = array<i32>} : memref<400xi32, #tpu.memory_space<vmem>>, vector<16xi32>,
    %get3A_212 = vector.shape_cast %get3A_211 : vector<16xi32> to vector<16xi32>
    %mul3A_213 = arith.constant 14 : i32
    %mul3A_214 = vector.broadcast %mul3A_213 : i32 to vector<16xi32>
    %mul3A_215 = arith.muli %get3A_212, %mul3A_214 : vector<16xi32>
    %get3A_216 = arith.constant 144 : index
    %get3A_217 = tpu.vector_load %arg9[%get3A_216] {strides = array<i32>} : memref<400xi32, #tpu.memory_space<vmem>>, vector<16xi32>,
    %get3A_218 = vector.shape_cast %get3A_217 : vector<16xi32> to vector<16xi32>
    %mul3A_219 = arith.constant 2 : i32
    %mul3A_220 = vector.broadcast %mul3A_219 : i32 to vector<16xi32>
    %mul3A_221 = arith.muli %get3A_218, %mul3A_220 : vector<16xi32>
    %add3A_222 = arith.addi %mul3A_215, %mul3A_221 : vector<16xi32>
    %get3A_223 = arith.constant 144 : index
    %get3A_224 = tpu.vector_load %arg11[%get3A_223] {strides = array<i32>} : memref<400xi32, #tpu.memory_space<vmem>>, vector<16xi32>,
    %get3A_225 = vector.shape_cast %get3A_224 : vector<16xi32> to vector<16xi32>
    %add3A_226 = arith.addi %add3A_222, %get3A_225 : vector<16xi32>
    %swap3A_227 = arith.constant 64 : index
    %swap3A_228 = tpu.vector_load %arg14[%swap3A_227] {strides = array<i32>} : memref<80xi32, #tpu.memory_space<vmem>>, vector<16xi32>,
    %swap3A_229 = vector.shape_cast %swap3A_228 : vector<16xi32> to vector<16xi32>
    %swap3A_230 = vector.shape_cast %add3A_226 : vector<16xi32> to vector<16xi32>
    tpu.vector_store %arg14[%swap3A_227], %swap3A_230 {strides = array<i32>} : memref<80xi32, #tpu.memory_space<vmem>>, vector<16xi32>,
    %get3A_231 = arith.constant 160 : index
    %get3A_232 = tpu.vector_load %arg7[%get3A_231] {strides = array<i32>} : memref<400xi32, #tpu.memory_space<vmem>>, vector<16xi32>,
    %get3A_233 = vector.shape_cast %get3A_232 : vector<16xi32> to vector<16xi32>
    %mul3A_234 = arith.constant 14 : i32
    %mul3A_235 = vector.broadcast %mul3A_234 : i32 to vector<16xi32>
    %mul3A_236 = arith.muli %get3A_233, %mul3A_235 : vector<16xi32>
    %get3A_237 = arith.constant 160 : index
    %get3A_238 = tpu.vector_load %arg9[%get3A_237] {strides = array<i32>} : memref<400xi32, #tpu.memory_space<vmem>>, vector<16xi32>,
    %get3A_239 = vector.shape_cast %get3A_238 : vector<16xi32> to vector<16xi32>
    %mul3A_240 = arith.constant 2 : i32
    %mul3A_241 = vector.broadcast %mul3A_240 : i32 to vector<16xi32>
    %mul3A_242 = arith.muli %get3A_239, %mul3A_241 : vector<16xi32>
    %add3A_243 = arith.addi %mul3A_236, %mul3A_242 : vector<16xi32>
    %get3A_244 = arith.constant 160 : index
    %get3A_245 = tpu.vector_load %arg11[%get3A_244] {strides = array<i32>} : memref<400xi32, #tpu.memory_space<vmem>>, vector<16xi32>,
    %get3A_246 = vector.shape_cast %get3A_245 : vector<16xi32> to vector<16xi32>
    %add3A_247 = arith.addi %add3A_243, %get3A_246 : vector<16xi32>
    %swap3A_248 = arith.constant 0 : index
    %swap3A_249 = tpu.vector_load %arg15[%swap3A_248] {strides = array<i32>} : memref<80xi32, #tpu.memory_space<vmem>>, vector<16xi32>,
    %swap3A_250 = vector.shape_cast %swap3A_249 : vector<16xi32> to vector<16xi32>
    %swap3A_251 = vector.shape_cast %add3A_247 : vector<16xi32> to vector<16xi32>
    tpu.vector_store %arg15[%swap3A_248], %swap3A_251 {strides = array<i32>} : memref<80xi32, #tpu.memory_space<vmem>>, vector<16xi32>,
    %get3A_252 = arith.constant 176 : index
    %get3A_253 = tpu.vector_load %arg7[%get3A_252] {strides = array<i32>} : memref<400xi32, #tpu.memory_space<vmem>>, vector<16xi32>,
    %get3A_254 = vector.shape_cast %get3A_253 : vector<16xi32> to vector<16xi32>
    %mul3A_255 = arith.constant 14 : i32
    %mul3A_256 = vector.broadcast %mul3A_255 : i32 to vector<16xi32>
    %mul3A_257 = arith.muli %get3A_254, %mul3A_256 : vector<16xi32>
    %get3A_258 = arith.constant 176 : index
    %get3A_259 = tpu.vector_load %arg9[%get3A_258] {strides = array<i32>} : memref<400xi32, #tpu.memory_space<vmem>>, vector<16xi32>,
    %get3A_260 = vector.shape_cast %get3A_259 : vector<16xi32> to vector<16xi32>
    %mul3A_261 = arith.constant 2 : i32
    %mul3A_262 = vector.broadcast %mul3A_261 : i32 to vector<16xi32>
    %mul3A_263 = arith.muli %get3A_260, %mul3A_262 : vector<16xi32>
    %add3A_264 = arith.addi %mul3A_257, %mul3A_263 : vector<16xi32>
    %get3A_265 = arith.constant 176 : index
    %get3A_266 = tpu.vector_load %arg11[%get3A_265] {strides = array<i32>} : memref<400xi32, #tpu.memory_space<vmem>>, vector<16xi32>,
    %get3A_267 = vector.shape_cast %get3A_266 : vector<16xi32> to vector<16xi32>
    %add3A_268 = arith.addi %add3A_264, %get3A_267 : vector<16xi32>
    %swap3A_269 = arith.constant 16 : index
    %swap3A_270 = tpu.vector_load %arg15[%swap3A_269] {strides = array<i32>} : memref<80xi32, #tpu.memory_space<vmem>>, vector<16xi32>,
    %swap3A_271 = vector.shape_cast %swap3A_270 : vector<16xi32> to vector<16xi32>
    %swap3A_272 = vector.shape_cast %add3A_268 : vector<16xi32> to vector<16xi32>
    tpu.vector_store %arg15[%swap3A_269], %swap3A_272 {strides = array<i32>} : memref<80xi32, #tpu.memory_space<vmem>>, vector<16xi32>,
    %get3A_273 = arith.constant 192 : index
    %get3A_274 = tpu.vector_load %arg7[%get3A_273] {strides = array<i32>} : memref<400xi32, #tpu.memory_space<vmem>>, vector<16xi32>,
    %get3A_275 = vector.shape_cast %get3A_274 : vector<16xi32> to vector<16xi32>
    %mul3A_276 = arith.constant 14 : i32
    %mul3A_277 = vector.broadcast %mul3A_276 : i32 to vector<16xi32>
    %mul3A_278 = arith.muli %get3A_275, %mul3A_277 : vector<16xi32>
    %get3A_279 = arith.constant 192 : index
    %get3A_280 = tpu.vector_load %arg9[%get3A_279] {strides = array<i32>} : memref<400xi32, #tpu.memory_space<vmem>>, vector<16xi32>,
    %get3A_281 = vector.shape_cast %get3A_280 : vector<16xi32> to vector<16xi32>
    %mul3A_282 = arith.constant 2 : i32
    %mul3A_283 = vector.broadcast %mul3A_282 : i32 to vector<16xi32>
    %mul3A_284 = arith.muli %get3A_281, %mul3A_283 : vector<16xi32>
    %add3A_285 = arith.addi %mul3A_278, %mul3A_284 : vector<16xi32>
    %get3A_286 = arith.constant 192 : index
    %get3A_287 = tpu.vector_load %arg11[%get3A_286] {strides = array<i32>} : memref<400xi32, #tpu.memory_space<vmem>>, vector<16xi32>,
    %get3A_288 = vector.shape_cast %get3A_287 : vector<16xi32> to vector<16xi32>
    %add3A_289 = arith.addi %add3A_285, %get3A_288 : vector<16xi32>
    %swap3A_290 = arith.constant 32 : index
    %swap3A_291 = tpu.vector_load %arg15[%swap3A_290] {strides = array<i32>} : memref<80xi32, #tpu.memory_space<vmem>>, vector<16xi32>,
    %swap3A_292 = vector.shape_cast %swap3A_291 : vector<16xi32> to vector<16xi32>
    %swap3A_293 = vector.shape_cast %add3A_289 : vector<16xi32> to vector<16xi32>
    tpu.vector_store %arg15[%swap3A_290], %swap3A_293 {strides = array<i32>} : memref<80xi32, #tpu.memory_space<vmem>>, vector<16xi32>,
    %get3A_294 = arith.constant 208 : index
    %get3A_295 = tpu.vector_load %arg7[%get3A_294] {strides = array<i32>} : memref<400xi32, #tpu.memory_space<vmem>>, vector<16xi32>,
    %get3A_296 = vector.shape_cast %get3A_295 : vector<16xi32> to vector<16xi32>
    %mul3A_297 = arith.constant 14 : i32
    %mul3A_298 = vector.broadcast %mul3A_297 : i32 to vector<16xi32>
    %mul3A_299 = arith.muli %get3A_296, %mul3A_298 : vector<16xi32>
    %get3A_300 = arith.constant 208 : index
    %get3A_301 = tpu.vector_load %arg9[%get3A_300] {strides = array<i32>} : memref<400xi32, #tpu.memory_space<vmem>>, vector<16xi32>,
    %get3A_302 = vector.shape_cast %get3A_301 : vector<16xi32> to vector<16xi32>
    %mul3A_303 = arith.constant 2 : i32
    %mul3A_304 = vector.broadcast %mul3A_303 : i32 to vector<16xi32>
    %mul3A_305 = arith.muli %get3A_302, %mul3A_304 : vector<16xi32>
    %add3A_306 = arith.addi %mul3A_299, %mul3A_305 : vector<16xi32>
    %get3A_307 = arith.constant 208 : index
    %get3A_308 = tpu.vector_load %arg11[%get3A_307] {strides = array<i32>} : memref<400xi32, #tpu.memory_space<vmem>>, vector<16xi32>,
    %get3A_309 = vector.shape_cast %get3A_308 : vector<16xi32> to vector<16xi32>
    %add3A_310 = arith.addi %add3A_306, %get3A_309 : vector<16xi32>
    %swap3A_311 = arith.constant 48 : index
    %swap3A_312 = tpu.vector_load %arg15[%swap3A_311] {strides = array<i32>} : memref<80xi32, #tpu.memory_space<vmem>>, vector<16xi32>,
    %swap3A_313 = vector.shape_cast %swap3A_312 : vector<16xi32> to vector<16xi32>
    %swap3A_314 = vector.shape_cast %add3A_310 : vector<16xi32> to vector<16xi32>
    tpu.vector_store %arg15[%swap3A_311], %swap3A_314 {strides = array<i32>} : memref<80xi32, #tpu.memory_space<vmem>>, vector<16xi32>,
    %get3A_315 = arith.constant 224 : index
    %get3A_316 = tpu.vector_load %arg7[%get3A_315] {strides = array<i32>} : memref<400xi32, #tpu.memory_space<vmem>>, vector<16xi32>,
    %get3A_317 = vector.shape_cast %get3A_316 : vector<16xi32> to vector<16xi32>
    %mul3A_318 = arith.constant 14 : i32
    %mul3A_319 = vector.broadcast %mul3A_318 : i32 to vector<16xi32>
    %mul3A_320 = arith.muli %get3A_317, %mul3A_319 : vector<16xi32>
    %get3A_321 = arith.constant 224 : index
    %get3A_322 = tpu.vector_load %arg9[%get3A_321] {strides = array<i32>} : memref<400xi32, #tpu.memory_space<vmem>>, vector<16xi32>,
    %get3A_323 = vector.shape_cast %get3A_322 : vector<16xi32> to vector<16xi32>
    %mul3A_324 = arith.constant 2 : i32
    %mul3A_325 = vector.broadcast %mul3A_324 : i32 to vector<16xi32>
    %mul3A_326 = arith.muli %get3A_323, %mul3A_325 : vector<16xi32>
    %add3A_327 = arith.addi %mul3A_320, %mul3A_326 : vector<16xi32>
    %get3A_328 = arith.constant 224 : index
    %get3A_329 = tpu.vector_load %arg11[%get3A_328] {strides = array<i32>} : memref<400xi32, #tpu.memory_space<vmem>>, vector<16xi32>,
    %get3A_330 = vector.shape_cast %get3A_329 : vector<16xi32> to vector<16xi32>
    %add3A_331 = arith.addi %add3A_327, %get3A_330 : vector<16xi32>
    %swap3A_332 = arith.constant 64 : index
    %swap3A_333 = tpu.vector_load %arg15[%swap3A_332] {strides = array<i32>} : memref<80xi32, #tpu.memory_space<vmem>>, vector<16xi32>,
    %swap3A_334 = vector.shape_cast %swap3A_333 : vector<16xi32> to vector<16xi32>
    %swap3A_335 = vector.shape_cast %add3A_331 : vector<16xi32> to vector<16xi32>
    tpu.vector_store %arg15[%swap3A_332], %swap3A_335 {strides = array<i32>} : memref<80xi32, #tpu.memory_space<vmem>>, vector<16xi32>,
    %get3A_336 = arith.constant 240 : index
    %get3A_337 = tpu.vector_load %arg7[%get3A_336] {strides = array<i32>} : memref<400xi32, #tpu.memory_space<vmem>>, vector<16xi32>,
    %get3A_338 = vector.shape_cast %get3A_337 : vector<16xi32> to vector<16xi32>
    %mul3A_339 = arith.constant 14 : i32
    %mul3A_340 = vector.broadcast %mul3A_339 : i32 to vector<16xi32>
    %mul3A_341 = arith.muli %get3A_338, %mul3A_340 : vector<16xi32>
    %get3A_342 = arith.constant 240 : index
    %get3A_343 = tpu.vector_load %arg9[%get3A_342] {strides = array<i32>} : memref<400xi32, #tpu.memory_space<vmem>>, vector<16xi32>,
    %get3A_344 = vector.shape_cast %get3A_343 : vector<16xi32> to vector<16xi32>
    %mul3A_345 = arith.constant 2 : i32
    %mul3A_346 = vector.broadcast %mul3A_345 : i32 to vector<16xi32>
    %mul3A_347 = arith.muli %get3A_344, %mul3A_346 : vector<16xi32>
    %add3A_348 = arith.addi %mul3A_341, %mul3A_347 : vector<16xi32>
    %get3A_349 = arith.constant 240 : index
    %get3A_350 = tpu.vector_load %arg11[%get3A_349] {strides = array<i32>} : memref<400xi32, #tpu.memory_space<vmem>>, vector<16xi32>,
    %get3A_351 = vector.shape_cast %get3A_350 : vector<16xi32> to vector<16xi32>
    %add3A_352 = arith.addi %add3A_348, %get3A_351 : vector<16xi32>
    %swap3A_353 = arith.constant 0 : index
    %swap3A_354 = tpu.vector_load %arg16[%swap3A_353] {strides = array<i32>} : memref<80xi32, #tpu.memory_space<vmem>>, vector<16xi32>,
    %swap3A_355 = vector.shape_cast %swap3A_354 : vector<16xi32> to vector<16xi32>
    %swap3A_356 = vector.shape_cast %add3A_352 : vector<16xi32> to vector<16xi32>
    tpu.vector_store %arg16[%swap3A_353], %swap3A_356 {strides = array<i32>} : memref<80xi32, #tpu.memory_space<vmem>>, vector<16xi32>,
    %get3A_357 = arith.constant 256 : index
    %get3A_358 = tpu.vector_load %arg7[%get3A_357] {strides = array<i32>} : memref<400xi32, #tpu.memory_space<vmem>>, vector<16xi32>,
    %get3A_359 = vector.shape_cast %get3A_358 : vector<16xi32> to vector<16xi32>
    %mul3A_360 = arith.constant 14 : i32
    %mul3A_361 = vector.broadcast %mul3A_360 : i32 to vector<16xi32>
    %mul3A_362 = arith.muli %get3A_359, %mul3A_361 : vector<16xi32>
    %get3A_363 = arith.constant 256 : index
    %get3A_364 = tpu.vector_load %arg9[%get3A_363] {strides = array<i32>} : memref<400xi32, #tpu.memory_space<vmem>>, vector<16xi32>,
    %get3A_365 = vector.shape_cast %get3A_364 : vector<16xi32> to vector<16xi32>
    %mul3A_366 = arith.constant 2 : i32
    %mul3A_367 = vector.broadcast %mul3A_366 : i32 to vector<16xi32>
    %mul3A_368 = arith.muli %get3A_365, %mul3A_367 : vector<16xi32>
    %add3A_369 = arith.addi %mul3A_362, %mul3A_368 : vector<16xi32>
    %get3A_370 = arith.constant 256 : index
    %get3A_371 = tpu.vector_load %arg11[%get3A_370] {strides = array<i32>} : memref<400xi32, #tpu.memory_space<vmem>>, vector<16xi32>,
    %get3A_372 = vector.shape_cast %get3A_371 : vector<16xi32> to vector<16xi32>
    %add3A_373 = arith.addi %add3A_369, %get3A_372 : vector<16xi32>
    %swap3A_374 = arith.constant 16 : index
    %swap3A_375 = tpu.vector_load %arg16[%swap3A_374] {strides = array<i32>} : memref<80xi32, #tpu.memory_space<vmem>>, vector<16xi32>,
    %swap3A_376 = vector.shape_cast %swap3A_375 : vector<16xi32> to vector<16xi32>
    %swap3A_377 = vector.shape_cast %add3A_373 : vector<16xi32> to vector<16xi32>
    tpu.vector_store %arg16[%swap3A_374], %swap3A_377 {strides = array<i32>} : memref<80xi32, #tpu.memory_space<vmem>>, vector<16xi32>,
    %get3A_378 = arith.constant 272 : index
    %get3A_379 = tpu.vector_load %arg7[%get3A_378] {strides = array<i32>} : memref<400xi32, #tpu.memory_space<vmem>>, vector<16xi32>,
    %get3A_380 = vector.shape_cast %get3A_379 : vector<16xi32> to vector<16xi32>
    %mul3A_381 = arith.constant 14 : i32
    %mul3A_382 = vector.broadcast %mul3A_381 : i32 to vector<16xi32>
    %mul3A_383 = arith.muli %get3A_380, %mul3A_382 : vector<16xi32>
    %get3A_384 = arith.constant 272 : index
    %get3A_385 = tpu.vector_load %arg9[%get3A_384] {strides = array<i32>} : memref<400xi32, #tpu.memory_space<vmem>>, vector<16xi32>,
    %get3A_386 = vector.shape_cast %get3A_385 : vector<16xi32> to vector<16xi32>
    %mul3A_387 = arith.constant 2 : i32
    %mul3A_388 = vector.broadcast %mul3A_387 : i32 to vector<16xi32>
    %mul3A_389 = arith.muli %get3A_386, %mul3A_388 : vector<16xi32>
    %add3A_390 = arith.addi %mul3A_383, %mul3A_389 : vector<16xi32>
    %get3A_391 = arith.constant 272 : index
    %get3A_392 = tpu.vector_load %arg11[%get3A_391] {strides = array<i32>} : memref<400xi32, #tpu.memory_space<vmem>>, vector<16xi32>,
    %get3A_393 = vector.shape_cast %get3A_392 : vector<16xi32> to vector<16xi32>
    %add3A_394 = arith.addi %add3A_390, %get3A_393 : vector<16xi32>
    %swap3A_395 = arith.constant 32 : index
    %swap3A_396 = tpu.vector_load %arg16[%swap3A_395] {strides = array<i32>} : memref<80xi32, #tpu.memory_space<vmem>>, vector<16xi32>,
    %swap3A_397 = vector.shape_cast %swap3A_396 : vector<16xi32> to vector<16xi32>
    %swap3A_398 = vector.shape_cast %add3A_394 : vector<16xi32> to vector<16xi32>
    tpu.vector_store %arg16[%swap3A_395], %swap3A_398 {strides = array<i32>} : memref<80xi32, #tpu.memory_space<vmem>>, vector<16xi32>,
    %get3A_399 = arith.constant 288 : index
    %get3A_400 = tpu.vector_load %arg7[%get3A_399] {strides = array<i32>} : memref<400xi32, #tpu.memory_space<vmem>>, vector<16xi32>,
    %get3A_401 = vector.shape_cast %get3A_400 : vector<16xi32> to vector<16xi32>
    %mul3A_402 = arith.constant 14 : i32
    %mul3A_403 = vector.broadcast %mul3A_402 : i32 to vector<16xi32>
    %mul3A_404 = arith.muli %get3A_401, %mul3A_403 : vector<16xi32>
    %get3A_405 = arith.constant 288 : index
    %get3A_406 = tpu.vector_load %arg9[%get3A_405] {strides = array<i32>} : memref<400xi32, #tpu.memory_space<vmem>>, vector<16xi32>,
    %get3A_407 = vector.shape_cast %get3A_406 : vector<16xi32> to vector<16xi32>
    %mul3A_408 = arith.constant 2 : i32
    %mul3A_409 = vector.broadcast %mul3A_408 : i32 to vector<16xi32>
    %mul3A_410 = arith.muli %get3A_407, %mul3A_409 : vector<16xi32>
    %add3A_411 = arith.addi %mul3A_404, %mul3A_410 : vector<16xi32>
    %get3A_412 = arith.constant 288 : index
    %get3A_413 = tpu.vector_load %arg11[%get3A_412] {strides = array<i32>} : memref<400xi32, #tpu.memory_space<vmem>>, vector<16xi32>,
    %get3A_414 = vector.shape_cast %get3A_413 : vector<16xi32> to vector<16xi32>
    %add3A_415 = arith.addi %add3A_411, %get3A_414 : vector<16xi32>
    %swap3A_416 = arith.constant 48 : index
    %swap3A_417 = tpu.vector_load %arg16[%swap3A_416] {strides = array<i32>} : memref<80xi32, #tpu.memory_space<vmem>>, vector<16xi32>,
    %swap3A_418 = vector.shape_cast %swap3A_417 : vector<16xi32> to vector<16xi32>
    %swap3A_419 = vector.shape_cast %add3A_415 : vector<16xi32> to vector<16xi32>
    tpu.vector_store %arg16[%swap3A_416], %swap3A_419 {strides = array<i32>} : memref<80xi32, #tpu.memory_space<vmem>>, vector<16xi32>,
    %get3A_420 = arith.constant 304 : index
    %get3A_421 = tpu.vector_load %arg7[%get3A_420] {strides = array<i32>} : memref<400xi32, #tpu.memory_space<vmem>>, vector<16xi32>,
    %get3A_422 = vector.shape_cast %get3A_421 : vector<16xi32> to vector<16xi32>
    %mul3A_423 = arith.constant 14 : i32
    %mul3A_424 = vector.broadcast %mul3A_423 : i32 to vector<16xi32>
    %mul3A_425 = arith.muli %get3A_422, %mul3A_424 : vector<16xi32>
    %get3A_426 = arith.constant 304 : index
    %get3A_427 = tpu.vector_load %arg9[%get3A_426] {strides = array<i32>} : memref<400xi32, #tpu.memory_space<vmem>>, vector<16xi32>,
    %get3A_428 = vector.shape_cast %get3A_427 : vector<16xi32> to vector<16xi32>
    %mul3A_429 = arith.constant 2 : i32
    %mul3A_430 = vector.broadcast %mul3A_429 : i32 to vector<16xi32>
    %mul3A_431 = arith.muli %get3A_428, %mul3A_430 : vector<16xi32>
    %add3A_432 = arith.addi %mul3A_425, %mul3A_431 : vector<16xi32>
    %get3A_433 = arith.constant 304 : index
    %get3A_434 = tpu.vector_load %arg11[%get3A_433] {strides = array<i32>} : memref<400xi32, #tpu.memory_space<vmem>>, vector<16xi32>,
    %get3A_435 = vector.shape_cast %get3A_434 : vector<16xi32> to vector<16xi32>
    %add3A_436 = arith.addi %add3A_432, %get3A_435 : vector<16xi32>
    %swap3A_437 = arith.constant 64 : index
    %swap3A_438 = tpu.vector_load %arg16[%swap3A_437] {strides = array<i32>} : memref<80xi32, #tpu.memory_space<vmem>>, vector<16xi32>,
    %swap3A_439 = vector.shape_cast %swap3A_438 : vector<16xi32> to vector<16xi32>
    %swap3A_440 = vector.shape_cast %add3A_436 : vector<16xi32> to vector<16xi32>
    tpu.vector_store %arg16[%swap3A_437], %swap3A_440 {strides = array<i32>} : memref<80xi32, #tpu.memory_space<vmem>>, vector<16xi32>,
    %get3A_441 = arith.constant 320 : index
    %get3A_442 = tpu.vector_load %arg7[%get3A_441] {strides = array<i32>} : memref<400xi32, #tpu.memory_space<vmem>>, vector<16xi32>,
    %get3A_443 = vector.shape_cast %get3A_442 : vector<16xi32> to vector<16xi32>
    %mul3A_444 = arith.constant 14 : i32
    %mul3A_445 = vector.broadcast %mul3A_444 : i32 to vector<16xi32>
    %mul3A_446 = arith.muli %get3A_443, %mul3A_445 : vector<16xi32>
    %get3A_447 = arith.constant 320 : index
    %get3A_448 = tpu.vector_load %arg9[%get3A_447] {strides = array<i32>} : memref<400xi32, #tpu.memory_space<vmem>>, vector<16xi32>,
    %get3A_449 = vector.shape_cast %get3A_448 : vector<16xi32> to vector<16xi32>
    %mul3A_450 = arith.constant 2 : i32
    %mul3A_451 = vector.broadcast %mul3A_450 : i32 to vector<16xi32>
    %mul3A_452 = arith.muli %get3A_449, %mul3A_451 : vector<16xi32>
    %add3A_453 = arith.addi %mul3A_446, %mul3A_452 : vector<16xi32>
    %get3A_454 = arith.constant 320 : index
    %get3A_455 = tpu.vector_load %arg11[%get3A_454] {strides = array<i32>} : memref<400xi32, #tpu.memory_space<vmem>>, vector<16xi32>,
    %get3A_456 = vector.shape_cast %get3A_455 : vector<16xi32> to vector<16xi32>
    %add3A_457 = arith.addi %add3A_453, %get3A_456 : vector<16xi32>
    %swap3A_458 = arith.constant 0 : index
    %swap3A_459 = tpu.vector_load %arg17[%swap3A_458] {strides = array<i32>} : memref<80xi32, #tpu.memory_space<vmem>>, vector<16xi32>,
    %swap3A_460 = vector.shape_cast %swap3A_459 : vector<16xi32> to vector<16xi32>
    %swap3A_461 = vector.shape_cast %add3A_457 : vector<16xi32> to vector<16xi32>
    tpu.vector_store %arg17[%swap3A_458], %swap3A_461 {strides = array<i32>} : memref<80xi32, #tpu.memory_space<vmem>>, vector<16xi32>,
    %get3A_462 = arith.constant 336 : index
    %get3A_463 = tpu.vector_load %arg7[%get3A_462] {strides = array<i32>} : memref<400xi32, #tpu.memory_space<vmem>>, vector<16xi32>,
    %get3A_464 = vector.shape_cast %get3A_463 : vector<16xi32> to vector<16xi32>
    %mul3A_465 = arith.constant 14 : i32
    %mul3A_466 = vector.broadcast %mul3A_465 : i32 to vector<16xi32>
    %mul3A_467 = arith.muli %get3A_464, %mul3A_466 : vector<16xi32>
    %get3A_468 = arith.constant 336 : index
    %get3A_469 = tpu.vector_load %arg9[%get3A_468] {strides = array<i32>} : memref<400xi32, #tpu.memory_space<vmem>>, vector<16xi32>,
    %get3A_470 = vector.shape_cast %get3A_469 : vector<16xi32> to vector<16xi32>
    %mul3A_471 = arith.constant 2 : i32
    %mul3A_472 = vector.broadcast %mul3A_471 : i32 to vector<16xi32>
    %mul3A_473 = arith.muli %get3A_470, %mul3A_472 : vector<16xi32>
    %add3A_474 = arith.addi %mul3A_467, %mul3A_473 : vector<16xi32>
    %get3A_475 = arith.constant 336 : index
    %get3A_476 = tpu.vector_load %arg11[%get3A_475] {strides = array<i32>} : memref<400xi32, #tpu.memory_space<vmem>>, vector<16xi32>,
    %get3A_477 = vector.shape_cast %get3A_476 : vector<16xi32> to vector<16xi32>
    %add3A_478 = arith.addi %add3A_474, %get3A_477 : vector<16xi32>
    %swap3A_479 = arith.constant 16 : index
    %swap3A_480 = tpu.vector_load %arg17[%swap3A_479] {strides = array<i32>} : memref<80xi32, #tpu.memory_space<vmem>>, vector<16xi32>,
    %swap3A_481 = vector.shape_cast %swap3A_480 : vector<16xi32> to vector<16xi32>
    %swap3A_482 = vector.shape_cast %add3A_478 : vector<16xi32> to vector<16xi32>
    tpu.vector_store %arg17[%swap3A_479], %swap3A_482 {strides = array<i32>} : memref<80xi32, #tpu.memory_space<vmem>>, vector<16xi32>,
    %get3A_483 = arith.constant 352 : index
    %get3A_484 = tpu.vector_load %arg7[%get3A_483] {strides = array<i32>} : memref<400xi32, #tpu.memory_space<vmem>>, vector<16xi32>,
    %get3A_485 = vector.shape_cast %get3A_484 : vector<16xi32> to vector<16xi32>
    %mul3A_486 = arith.constant 14 : i32
    %mul3A_487 = vector.broadcast %mul3A_486 : i32 to vector<16xi32>
    %mul3A_488 = arith.muli %get3A_485, %mul3A_487 : vector<16xi32>
    %get3A_489 = arith.constant 352 : index
    %get3A_490 = tpu.vector_load %arg9[%get3A_489] {strides = array<i32>} : memref<400xi32, #tpu.memory_space<vmem>>, vector<16xi32>,
    %get3A_491 = vector.shape_cast %get3A_490 : vector<16xi32> to vector<16xi32>
    %mul3A_492 = arith.constant 2 : i32
    %mul3A_493 = vector.broadcast %mul3A_492 : i32 to vector<16xi32>
    %mul3A_494 = arith.muli %get3A_491, %mul3A_493 : vector<16xi32>
    %add3A_495 = arith.addi %mul3A_488, %mul3A_494 : vector<16xi32>
    %get3A_496 = arith.constant 352 : index
    %get3A_497 = tpu.vector_load %arg11[%get3A_496] {strides = array<i32>} : memref<400xi32, #tpu.memory_space<vmem>>, vector<16xi32>,
    %get3A_498 = vector.shape_cast %get3A_497 : vector<16xi32> to vector<16xi32>
    %add3A_499 = arith.addi %add3A_495, %get3A_498 : vector<16xi32>
    %swap3A_500 = arith.constant 32 : index
    %swap3A_501 = tpu.vector_load %arg17[%swap3A_500] {strides = array<i32>} : memref<80xi32, #tpu.memory_space<vmem>>, vector<16xi32>,
    %swap3A_502 = vector.shape_cast %swap3A_501 : vector<16xi32> to vector<16xi32>
    %swap3A_503 = vector.shape_cast %add3A_499 : vector<16xi32> to vector<16xi32>
    tpu.vector_store %arg17[%swap3A_500], %swap3A_503 {strides = array<i32>} : memref<80xi32, #tpu.memory_space<vmem>>, vector<16xi32>,
    %get3A_504 = arith.constant 368 : index
    %get3A_505 = tpu.vector_load %arg7[%get3A_504] {strides = array<i32>} : memref<400xi32, #tpu.memory_space<vmem>>, vector<16xi32>,
    %get3A_506 = vector.shape_cast %get3A_505 : vector<16xi32> to vector<16xi32>
    %mul3A_507 = arith.constant 14 : i32
    %mul3A_508 = vector.broadcast %mul3A_507 : i32 to vector<16xi32>
    %mul3A_509 = arith.muli %get3A_506, %mul3A_508 : vector<16xi32>
    %get3A_510 = arith.constant 368 : index
    %get3A_511 = tpu.vector_load %arg9[%get3A_510] {strides = array<i32>} : memref<400xi32, #tpu.memory_space<vmem>>, vector<16xi32>,
    %get3A_512 = vector.shape_cast %get3A_511 : vector<16xi32> to vector<16xi32>
    %mul3A_513 = arith.constant 2 : i32
    %mul3A_514 = vector.broadcast %mul3A_513 : i32 to vector<16xi32>
    %mul3A_515 = arith.muli %get3A_512, %mul3A_514 : vector<16xi32>
    %add3A_516 = arith.addi %mul3A_509, %mul3A_515 : vector<16xi32>
    %get3A_517 = arith.constant 368 : index
    %get3A_518 = tpu.vector_load %arg11[%get3A_517] {strides = array<i32>} : memref<400xi32, #tpu.memory_space<vmem>>, vector<16xi32>,
    %get3A_519 = vector.shape_cast %get3A_518 : vector<16xi32> to vector<16xi32>
    %add3A_520 = arith.addi %add3A_516, %get3A_519 : vector<16xi32>
    %swap3A_521 = arith.constant 48 : index
    %swap3A_522 = tpu.vector_load %arg17[%swap3A_521] {strides = array<i32>} : memref<80xi32, #tpu.memory_space<vmem>>, vector<16xi32>,
    %swap3A_523 = vector.shape_cast %swap3A_522 : vector<16xi32> to vector<16xi32>
    %swap3A_524 = vector.shape_cast %add3A_520 : vector<16xi32> to vector<16xi32>
    tpu.vector_store %arg17[%swap3A_521], %swap3A_524 {strides = array<i32>} : memref<80xi32, #tpu.memory_space<vmem>>, vector<16xi32>,
    %get3A_525 = arith.constant 384 : index
    %get3A_526 = tpu.vector_load %arg7[%get3A_525] {strides = array<i32>} : memref<400xi32, #tpu.memory_space<vmem>>, vector<16xi32>,
    %get3A_527 = vector.shape_cast %get3A_526 : vector<16xi32> to vector<16xi32>
    %mul3A_528 = arith.constant 14 : i32
    %mul3A_529 = vector.broadcast %mul3A_528 : i32 to vector<16xi32>
    %mul3A_530 = arith.muli %get3A_527, %mul3A_529 : vector<16xi32>
    %get3A_531 = arith.constant 384 : index
    %get3A_532 = tpu.vector_load %arg9[%get3A_531] {strides = array<i32>} : memref<400xi32, #tpu.memory_space<vmem>>, vector<16xi32>,
    %get3A_533 = vector.shape_cast %get3A_532 : vector<16xi32> to vector<16xi32>
    %mul3A_534 = arith.constant 2 : i32
    %mul3A_535 = vector.broadcast %mul3A_534 : i32 to vector<16xi32>
    %mul3A_536 = arith.muli %get3A_533, %mul3A_535 : vector<16xi32>
    %add3A_537 = arith.addi %mul3A_530, %mul3A_536 : vector<16xi32>
    %get3A_538 = arith.constant 384 : index
    %get3A_539 = tpu.vector_load %arg11[%get3A_538] {strides = array<i32>} : memref<400xi32, #tpu.memory_space<vmem>>, vector<16xi32>,
    %get3A_540 = vector.shape_cast %get3A_539 : vector<16xi32> to vector<16xi32>
    %add3A_541 = arith.addi %add3A_537, %get3A_540 : vector<16xi32>
    %swap3A_542 = arith.constant 64 : index
    %swap3A_543 = tpu.vector_load %arg17[%swap3A_542] {strides = array<i32>} : memref<80xi32, #tpu.memory_space<vmem>>, vector<16xi32>,
    %swap3A_544 = vector.shape_cast %swap3A_543 : vector<16xi32> to vector<16xi32>
    %swap3A_545 = vector.shape_cast %add3A_541 : vector<16xi32> to vector<16xi32>
    tpu.vector_store %arg17[%swap3A_542], %swap3A_545 {strides = array<i32>} : memref<80xi32, #tpu.memory_space<vmem>>, vector<16xi32>,
    %dma_start3A_546 = arith.constant 0 : i32
    %dma_start3A_547 = arith.constant 0 : i32
    %dma_start3A_548 = tpu.memref_slice %arg23[%dma_start3A_546, %dma_start3A_547] : memref<400x128xf32, #tpu.memory_space<vmem>> -> memref<80x128xf32, #tpu.memory_space<vmem>>
    %dma_start3A_549 = arith.constant 0 : i32
    %dma_start3A_550 = arith.constant 0 : i32
    %dma_start3A_551 = tpu.memref_slice %arg25[%dma_start3A_549, %dma_start3A_550] : memref<328x128xf32, #tpu.memory_space<vmem_shared>> -> memref<328x128xf32, #tpu.memory_space<vmem_shared>>
    tpu.enqueue_indirect_dma source(%dma_start3A_551 : memref<328x128xf32, #tpu.memory_space<vmem_shared>>) target(%dma_start3A_548 : memref<80x128xf32, #tpu.memory_space<vmem>>) offsets(%arg13 : memref<80xi32, #tpu.memory_space<vmem>>) semaphore(%arg28 : memref<!tpu.dma_semaphore, #tpu.memory_space<semaphore_mem>>)
    %dma_start3A_552 = arith.constant 80 : i32
    %dma_start3A_553 = arith.constant 0 : i32
    %dma_start3A_554 = tpu.memref_slice %arg23[%dma_start3A_552, %dma_start3A_553] : memref<400x128xf32, #tpu.memory_space<vmem>> -> memref<80x128xf32, #tpu.memory_space<vmem>>
    %dma_start3A_555 = arith.constant 0 : i32
    %dma_start3A_556 = arith.constant 0 : i32
    %dma_start3A_557 = tpu.memref_slice %arg25[%dma_start3A_555, %dma_start3A_556] : memref<328x128xf32, #tpu.memory_space<vmem_shared>> -> memref<328x128xf32, #tpu.memory_space<vmem_shared>>
    tpu.enqueue_indirect_dma source(%dma_start3A_557 : memref<328x128xf32, #tpu.memory_space<vmem_shared>>) target(%dma_start3A_554 : memref<80x128xf32, #tpu.memory_space<vmem>>) offsets(%arg14 : memref<80xi32, #tpu.memory_space<vmem>>) semaphore(%arg28 : memref<!tpu.dma_semaphore, #tpu.memory_space<semaphore_mem>>)
    %dma_start3A_558 = arith.constant 160 : i32
    %dma_start3A_559 = arith.constant 0 : i32
    %dma_start3A_560 = tpu.memref_slice %arg23[%dma_start3A_558, %dma_start3A_559] : memref<400x128xf32, #tpu.memory_space<vmem>> -> memref<80x128xf32, #tpu.memory_space<vmem>>
    %dma_start3A_561 = arith.constant 0 : i32
    %dma_start3A_562 = arith.constant 0 : i32
    %dma_start3A_563 = tpu.memref_slice %arg25[%dma_start3A_561, %dma_start3A_562] : memref<328x128xf32, #tpu.memory_space<vmem_shared>> -> memref<328x128xf32, #tpu.memory_space<vmem_shared>>
    tpu.enqueue_indirect_dma source(%dma_start3A_563 : memref<328x128xf32, #tpu.memory_space<vmem_shared>>) target(%dma_start3A_560 : memref<80x128xf32, #tpu.memory_space<vmem>>) offsets(%arg15 : memref<80xi32, #tpu.memory_space<vmem>>) semaphore(%arg28 : memref<!tpu.dma_semaphore, #tpu.memory_space<semaphore_mem>>)
    %dma_start3A_564 = arith.constant 240 : i32
    %dma_start3A_565 = arith.constant 0 : i32
    %dma_start3A_566 = tpu.memref_slice %arg23[%dma_start3A_564, %dma_start3A_565] : memref<400x128xf32, #tpu.memory_space<vmem>> -> memref<80x128xf32, #tpu.memory_space<vmem>>
    %dma_start3A_567 = arith.constant 0 : i32
    %dma_start3A_568 = arith.constant 0 : i32
    %dma_start3A_569 = tpu.memref_slice %arg25[%dma_start3A_567, %dma_start3A_568] : memref<328x128xf32, #tpu.memory_space<vmem_shared>> -> memref<328x128xf32, #tpu.memory_space<vmem_shared>>
    tpu.enqueue_indirect_dma source(%dma_start3A_569 : memref<328x128xf32, #tpu.memory_space<vmem_shared>>) target(%dma_start3A_566 : memref<80x128xf32, #tpu.memory_space<vmem>>) offsets(%arg16 : memref<80xi32, #tpu.memory_space<vmem>>) semaphore(%arg28 : memref<!tpu.dma_semaphore, #tpu.memory_space<semaphore_mem>>)
    %dma_start3A_570 = arith.constant 320 : i32
    %dma_start3A_571 = arith.constant 0 : i32
    %dma_start3A_572 = tpu.memref_slice %arg23[%dma_start3A_570, %dma_start3A_571] : memref<400x128xf32, #tpu.memory_space<vmem>> -> memref<80x128xf32, #tpu.memory_space<vmem>>
    %dma_start3A_573 = arith.constant 0 : i32
    %dma_start3A_574 = arith.constant 0 : i32
    %dma_start3A_575 = tpu.memref_slice %arg25[%dma_start3A_573, %dma_start3A_574] : memref<328x128xf32, #tpu.memory_space<vmem_shared>> -> memref<328x128xf32, #tpu.memory_space<vmem_shared>>
    tpu.enqueue_indirect_dma source(%dma_start3A_575 : memref<328x128xf32, #tpu.memory_space<vmem_shared>>) target(%dma_start3A_572 : memref<80x128xf32, #tpu.memory_space<vmem>>) offsets(%arg17 : memref<80xi32, #tpu.memory_space<vmem>>) semaphore(%arg28 : memref<!tpu.dma_semaphore, #tpu.memory_space<semaphore_mem>>)
    %add3A_576 = arith.constant 400 : i32
    %add3A_577 = arith.addi %mul3A_2, %add3A_576 : i32
    %dma_start3A_578 = tpu.memref_slice %arg2[%add3A_577] : memref<320000xi32, #tpu.memory_space<hbm>> -> memref<400xi32, #tpu.memory_space<hbm>>
    %dma_start3A_579 = tpu.memref_slice %arg2[%add3A_577] : memref<320000xi32, #tpu.memory_space<hbm>> -> memref<400xi32, #tpu.memory_space<hbm>>
    tpu.enqueue_dma source(%dma_start3A_579 : memref<400xi32, #tpu.memory_space<hbm>>) target(%arg8 : memref<400xi32, #tpu.memory_space<vmem>>) target_semaphore(%arg27 : memref<!tpu.dma_semaphore, #tpu.memory_space<semaphore_mem>>)
    %dma_start3A_580 = tpu.memref_slice %arg3[%add3A_577] : memref<320000xi32, #tpu.memory_space<hbm>> -> memref<400xi32, #tpu.memory_space<hbm>>
    %dma_start3A_581 = tpu.memref_slice %arg3[%add3A_577] : memref<320000xi32, #tpu.memory_space<hbm>> -> memref<400xi32, #tpu.memory_space<hbm>>
    tpu.enqueue_dma source(%dma_start3A_581 : memref<400xi32, #tpu.memory_space<hbm>>) target(%arg10 : memref<400xi32, #tpu.memory_space<vmem>>) target_semaphore(%arg27 : memref<!tpu.dma_semaphore, #tpu.memory_space<semaphore_mem>>)
    %dma_start3A_582 = tpu.memref_slice %arg4[%add3A_577] : memref<320000xi32, #tpu.memory_space<hbm>> -> memref<400xi32, #tpu.memory_space<hbm>>
    %dma_start3A_583 = tpu.memref_slice %arg4[%add3A_577] : memref<320000xi32, #tpu.memory_space<hbm>> -> memref<400xi32, #tpu.memory_space<hbm>>
    tpu.enqueue_dma source(%dma_start3A_583 : memref<400xi32, #tpu.memory_space<hbm>>) target(%arg12 : memref<400xi32, #tpu.memory_space<vmem>>) target_semaphore(%arg27 : memref<!tpu.dma_semaphore, #tpu.memory_space<semaphore_mem>>)
    %add3A_584 = arith.constant 0 : i32
    %add3A_585 = arith.addi %mul3A_2, %add3A_584 : i32
    %dma_wait3A_586 = arith.constant 0 : i32
    %dma_wait3A_587 = arith.constant 0 : i32
    %dma_wait3A_588 = tpu.memref_slice %arg23[%dma_wait3A_586, %dma_wait3A_587] : memref<400x128xf32, #tpu.memory_space<vmem>> -> memref<80x128xf32, #tpu.memory_space<vmem>>
    %dma_wait3A_589 = arith.constant 0 : i32
    %dma_wait3A_590 = arith.constant 0 : i32
    %dma_wait3A_591 = tpu.memref_slice %arg25[%dma_wait3A_589, %dma_wait3A_590] : memref<328x128xf32, #tpu.memory_space<vmem_shared>> -> memref<328x128xf32, #tpu.memory_space<vmem_shared>>
    tpu.wait_indirect_dma semaphore(%arg28 : memref<!tpu.dma_semaphore, #tpu.memory_space<semaphore_mem>>) src(%dma_wait3A_591 : memref<328x128xf32, #tpu.memory_space<vmem_shared>>) dst(%dma_wait3A_588 : memref<80x128xf32, #tpu.memory_space<vmem>>)
    %add3A_592 = arith.constant 0 : i32
    %add3A_593 = arith.addi %add3A_585, %add3A_592 : i32
    %dma_start3A_594 = arith.constant 0 : i32
    %dma_start3A_595 = arith.constant 0 : i32
    %dma_start3A_596 = tpu.memref_slice %arg23[%dma_start3A_594, %dma_start3A_595] : memref<400x128xf32, #tpu.memory_space<vmem>> -> memref<80x128xf32, #tpu.memory_space<vmem>>
    %dma_start3A_597 = arith.constant 0 : i32
    %dma_start3A_598 = tpu.memref_slice %arg6[%add3A_593, %dma_start3A_597] : memref<320000x128xf32, #tpu.memory_space<hbm>> -> memref<80x128xf32, #tpu.memory_space<hbm>>
    %dma_start3A_599 = arith.constant 0 : i32
    %dma_start3A_600 = tpu.memref_slice %arg6[%add3A_593, %dma_start3A_599] : memref<320000x128xf32, #tpu.memory_space<hbm>> -> memref<80x128xf32, #tpu.memory_space<hbm>>
    %dma_start3A_601 = arith.constant 0 : i32
    %dma_start3A_602 = arith.constant 0 : i32
    %dma_start3A_603 = tpu.memref_slice %arg23[%dma_start3A_601, %dma_start3A_602] : memref<400x128xf32, #tpu.memory_space<vmem>> -> memref<80x128xf32, #tpu.memory_space<vmem>>
    tpu.enqueue_dma source(%dma_start3A_603 : memref<80x128xf32, #tpu.memory_space<vmem>>) target(%dma_start3A_600 : memref<80x128xf32, #tpu.memory_space<hbm>>) target_semaphore(%arg30 : memref<!tpu.dma_semaphore, #tpu.memory_space<semaphore_mem>>)
    %dma_wait3A_604 = arith.constant 80 : i32
    %dma_wait3A_605 = arith.constant 0 : i32
    %dma_wait3A_606 = tpu.memref_slice %arg23[%dma_wait3A_604, %dma_wait3A_605] : memref<400x128xf32, #tpu.memory_space<vmem>> -> memref<80x128xf32, #tpu.memory_space<vmem>>
    %dma_wait3A_607 = arith.constant 0 : i32
    %dma_wait3A_608 = arith.constant 0 : i32
    %dma_wait3A_609 = tpu.memref_slice %arg25[%dma_wait3A_607, %dma_wait3A_608] : memref<328x128xf32, #tpu.memory_space<vmem_shared>> -> memref<328x128xf32, #tpu.memory_space<vmem_shared>>
    tpu.wait_indirect_dma semaphore(%arg28 : memref<!tpu.dma_semaphore, #tpu.memory_space<semaphore_mem>>) src(%dma_wait3A_609 : memref<328x128xf32, #tpu.memory_space<vmem_shared>>) dst(%dma_wait3A_606 : memref<80x128xf32, #tpu.memory_space<vmem>>)
    %add3A_610 = arith.constant 80 : i32
    %add3A_611 = arith.addi %add3A_585, %add3A_610 : i32
    %dma_start3A_612 = arith.constant 80 : i32
    %dma_start3A_613 = arith.constant 0 : i32
    %dma_start3A_614 = tpu.memref_slice %arg23[%dma_start3A_612, %dma_start3A_613] : memref<400x128xf32, #tpu.memory_space<vmem>> -> memref<80x128xf32, #tpu.memory_space<vmem>>
    %dma_start3A_615 = arith.constant 0 : i32
    %dma_start3A_616 = tpu.memref_slice %arg6[%add3A_611, %dma_start3A_615] : memref<320000x128xf32, #tpu.memory_space<hbm>> -> memref<80x128xf32, #tpu.memory_space<hbm>>
    %dma_start3A_617 = arith.constant 0 : i32
    %dma_start3A_618 = tpu.memref_slice %arg6[%add3A_611, %dma_start3A_617] : memref<320000x128xf32, #tpu.memory_space<hbm>> -> memref<80x128xf32, #tpu.memory_space<hbm>>
    %dma_start3A_619 = arith.constant 80 : i32
    %dma_start3A_620 = arith.constant 0 : i32
    %dma_start3A_621 = tpu.memref_slice %arg23[%dma_start3A_619, %dma_start3A_620] : memref<400x128xf32, #tpu.memory_space<vmem>> -> memref<80x128xf32, #tpu.memory_space<vmem>>
    tpu.enqueue_dma source(%dma_start3A_621 : memref<80x128xf32, #tpu.memory_space<vmem>>) target(%dma_start3A_618 : memref<80x128xf32, #tpu.memory_space<hbm>>) target_semaphore(%arg30 : memref<!tpu.dma_semaphore, #tpu.memory_space<semaphore_mem>>)
    %dma_wait3A_622 = arith.constant 160 : i32
    %dma_wait3A_623 = arith.constant 0 : i32
    %dma_wait3A_624 = tpu.memref_slice %arg23[%dma_wait3A_622, %dma_wait3A_623] : memref<400x128xf32, #tpu.memory_space<vmem>> -> memref<80x128xf32, #tpu.memory_space<vmem>>
    %dma_wait3A_625 = arith.constant 0 : i32
    %dma_wait3A_626 = arith.constant 0 : i32
    %dma_wait3A_627 = tpu.memref_slice %arg25[%dma_wait3A_625, %dma_wait3A_626] : memref<328x128xf32, #tpu.memory_space<vmem_shared>> -> memref<328x128xf32, #tpu.memory_space<vmem_shared>>
    tpu.wait_indirect_dma semaphore(%arg28 : memref<!tpu.dma_semaphore, #tpu.memory_space<semaphore_mem>>) src(%dma_wait3A_627 : memref<328x128xf32, #tpu.memory_space<vmem_shared>>) dst(%dma_wait3A_624 : memref<80x128xf32, #tpu.memory_space<vmem>>)
    %add3A_628 = arith.constant 160 : i32
    %add3A_629 = arith.addi %add3A_585, %add3A_628 : i32
    %dma_start3A_630 = arith.constant 160 : i32
    %dma_start3A_631 = arith.constant 0 : i32
    %dma_start3A_632 = tpu.memref_slice %arg23[%dma_start3A_630, %dma_start3A_631] : memref<400x128xf32, #tpu.memory_space<vmem>> -> memref<80x128xf32, #tpu.memory_space<vmem>>
    %dma_start3A_633 = arith.constant 0 : i32
    %dma_start3A_634 = tpu.memref_slice %arg6[%add3A_629, %dma_start3A_633] : memref<320000x128xf32, #tpu.memory_space<hbm>> -> memref<80x128xf32, #tpu.memory_space<hbm>>
    %dma_start3A_635 = arith.constant 0 : i32
    %dma_start3A_636 = tpu.memref_slice %arg6[%add3A_629, %dma_start3A_635] : memref<320000x128xf32, #tpu.memory_space<hbm>> -> memref<80x128xf32, #tpu.memory_space<hbm>>
    %dma_start3A_637 = arith.constant 160 : i32
    %dma_start3A_638 = arith.constant 0 : i32
    %dma_start3A_639 = tpu.memref_slice %arg23[%dma_start3A_637, %dma_start3A_638] : memref<400x128xf32, #tpu.memory_space<vmem>> -> memref<80x128xf32, #tpu.memory_space<vmem>>
    tpu.enqueue_dma source(%dma_start3A_639 : memref<80x128xf32, #tpu.memory_space<vmem>>) target(%dma_start3A_636 : memref<80x128xf32, #tpu.memory_space<hbm>>) target_semaphore(%arg30 : memref<!tpu.dma_semaphore, #tpu.memory_space<semaphore_mem>>)
    %dma_wait3A_640 = arith.constant 240 : i32
    %dma_wait3A_641 = arith.constant 0 : i32
    %dma_wait3A_642 = tpu.memref_slice %arg23[%dma_wait3A_640, %dma_wait3A_641] : memref<400x128xf32, #tpu.memory_space<vmem>> -> memref<80x128xf32, #tpu.memory_space<vmem>>
    %dma_wait3A_643 = arith.constant 0 : i32
    %dma_wait3A_644 = arith.constant 0 : i32
    %dma_wait3A_645 = tpu.memref_slice %arg25[%dma_wait3A_643, %dma_wait3A_644] : memref<328x128xf32, #tpu.memory_space<vmem_shared>> -> memref<328x128xf32, #tpu.memory_space<vmem_shared>>
    tpu.wait_indirect_dma semaphore(%arg28 : memref<!tpu.dma_semaphore, #tpu.memory_space<semaphore_mem>>) src(%dma_wait3A_645 : memref<328x128xf32, #tpu.memory_space<vmem_shared>>) dst(%dma_wait3A_642 : memref<80x128xf32, #tpu.memory_space<vmem>>)
    %add3A_646 = arith.constant 240 : i32
    %add3A_647 = arith.addi %add3A_585, %add3A_646 : i32
    %dma_start3A_648 = arith.constant 240 : i32
    %dma_start3A_649 = arith.constant 0 : i32
    %dma_start3A_650 = tpu.memref_slice %arg23[%dma_start3A_648, %dma_start3A_649] : memref<400x128xf32, #tpu.memory_space<vmem>> -> memref<80x128xf32, #tpu.memory_space<vmem>>
    %dma_start3A_651 = arith.constant 0 : i32
    %dma_start3A_652 = tpu.memref_slice %arg6[%add3A_647, %dma_start3A_651] : memref<320000x128xf32, #tpu.memory_space<hbm>> -> memref<80x128xf32, #tpu.memory_space<hbm>>
    %dma_start3A_653 = arith.constant 0 : i32
    %dma_start3A_654 = tpu.memref_slice %arg6[%add3A_647, %dma_start3A_653] : memref<320000x128xf32, #tpu.memory_space<hbm>> -> memref<80x128xf32, #tpu.memory_space<hbm>>
    %dma_start3A_655 = arith.constant 240 : i32
    %dma_start3A_656 = arith.constant 0 : i32
    %dma_start3A_657 = tpu.memref_slice %arg23[%dma_start3A_655, %dma_start3A_656] : memref<400x128xf32, #tpu.memory_space<vmem>> -> memref<80x128xf32, #tpu.memory_space<vmem>>
    tpu.enqueue_dma source(%dma_start3A_657 : memref<80x128xf32, #tpu.memory_space<vmem>>) target(%dma_start3A_654 : memref<80x128xf32, #tpu.memory_space<hbm>>) target_semaphore(%arg30 : memref<!tpu.dma_semaphore, #tpu.memory_space<semaphore_mem>>)
    %dma_wait3A_658 = arith.constant 320 : i32
    %dma_wait3A_659 = arith.constant 0 : i32
    %dma_wait3A_660 = tpu.memref_slice %arg23[%dma_wait3A_658, %dma_wait3A_659] : memref<400x128xf32, #tpu.memory_space<vmem>> -> memref<80x128xf32, #tpu.memory_space<vmem>>
    %dma_wait3A_661 = arith.constant 0 : i32
    %dma_wait3A_662 = arith.constant 0 : i32
    %dma_wait3A_663 = tpu.memref_slice %arg25[%dma_wait3A_661, %dma_wait3A_662] : memref<328x128xf32, #tpu.memory_space<vmem_shared>> -> memref<328x128xf32, #tpu.memory_space<vmem_shared>>
    tpu.wait_indirect_dma semaphore(%arg28 : memref<!tpu.dma_semaphore, #tpu.memory_space<semaphore_mem>>) src(%dma_wait3A_663 : memref<328x128xf32, #tpu.memory_space<vmem_shared>>) dst(%dma_wait3A_660 : memref<80x128xf32, #tpu.memory_space<vmem>>)
    %add3A_664 = arith.constant 320 : i32
    %add3A_665 = arith.addi %add3A_585, %add3A_664 : i32
    %dma_start3A_666 = arith.constant 320 : i32
    %dma_start3A_667 = arith.constant 0 : i32
    %dma_start3A_668 = tpu.memref_slice %arg23[%dma_start3A_666, %dma_start3A_667] : memref<400x128xf32, #tpu.memory_space<vmem>> -> memref<80x128xf32, #tpu.memory_space<vmem>>
    %dma_start3A_669 = arith.constant 0 : i32
    %dma_start3A_670 = tpu.memref_slice %arg6[%add3A_665, %dma_start3A_669] : memref<320000x128xf32, #tpu.memory_space<hbm>> -> memref<80x128xf32, #tpu.memory_space<hbm>>
    %dma_start3A_671 = arith.constant 0 : i32
    %dma_start3A_672 = tpu.memref_slice %arg6[%add3A_665, %dma_start3A_671] : memref<320000x128xf32, #tpu.memory_space<hbm>> -> memref<80x128xf32, #tpu.memory_space<hbm>>
    %dma_start3A_673 = arith.constant 320 : i32
    %dma_start3A_674 = arith.constant 0 : i32
    %dma_start3A_675 = tpu.memref_slice %arg23[%dma_start3A_673, %dma_start3A_674] : memref<400x128xf32, #tpu.memory_space<vmem>> -> memref<80x128xf32, #tpu.memory_space<vmem>>
    tpu.enqueue_dma source(%dma_start3A_675 : memref<80x128xf32, #tpu.memory_space<vmem>>) target(%dma_start3A_672 : memref<80x128xf32, #tpu.memory_space<hbm>>) target_semaphore(%arg30 : memref<!tpu.dma_semaphore, #tpu.memory_space<semaphore_mem>>)
    %scan3A = arith.constant 0 : i32
    %scan3A_676 = arith.constant 0 : i32
    %scan3A_677 = arith.constant 12 : i32
    %scan3A_678 = arith.addi %scan3A_676, %scan3A_677 : i32
    %scan3A_679 = arith.constant 1 : i32
    scf.for %scan3A_743 = %scan3A_676 to %scan3A_678 step %scan3A_679  : i32 {
      %mul3A_744 = arith.constant 2 : i32
      %mul3A_745 = arith.muli %mul3A_744, %scan3A_743 : i32
      %add3A_746 = arith.constant 1 : i32
      %add3A_747 = arith.addi %mul3A_745, %add3A_746 : i32
      %add3A_748 = arith.constant 1 : i32
      %add3A_749 = arith.addi %add3A_747, %add3A_748 : i32
      %dma_wait3A_750 = arith.constant 0 : i32
      %dma_wait3A_751 = tpu.memref_slice %arg2[%dma_wait3A_750] : memref<320000xi32, #tpu.memory_space<hbm>> -> memref<400xi32, #tpu.memory_space<hbm>>
      %dma_wait3A_752 = arith.constant 0 : i32
      %dma_wait3A_753 = tpu.memref_slice %arg2[%dma_wait3A_752] : memref<320000xi32, #tpu.memory_space<hbm>> -> memref<400xi32, #tpu.memory_space<hbm>>
      tpu.wait_dma2 semaphore(%arg27 : memref<!tpu.dma_semaphore, #tpu.memory_space<semaphore_mem>>) src(%dma_wait3A_753 : memref<400xi32, #tpu.memory_space<hbm>>) dst(%arg8 : memref<400xi32, #tpu.memory_space<vmem>>)
      %dma_wait3A_754 = arith.constant 0 : i32
      %dma_wait3A_755 = tpu.memref_slice %arg2[%dma_wait3A_754] : memref<320000xi32, #tpu.memory_space<hbm>> -> memref<400xi32, #tpu.memory_space<hbm>>
      %dma_wait3A_756 = arith.constant 0 : i32
      %dma_wait3A_757 = tpu.memref_slice %arg2[%dma_wait3A_756] : memref<320000xi32, #tpu.memory_space<hbm>> -> memref<400xi32, #tpu.memory_space<hbm>>
      tpu.wait_dma2 semaphore(%arg27 : memref<!tpu.dma_semaphore, #tpu.memory_space<semaphore_mem>>) src(%dma_wait3A_757 : memref<400xi32, #tpu.memory_space<hbm>>) dst(%arg10 : memref<400xi32, #tpu.memory_space<vmem>>)
      %dma_wait3A_758 = arith.constant 0 : i32
      %dma_wait3A_759 = tpu.memref_slice %arg2[%dma_wait3A_758] : memref<320000xi32, #tpu.memory_space<hbm>> -> memref<400xi32, #tpu.memory_space<hbm>>
      %dma_wait3A_760 = arith.constant 0 : i32
      %dma_wait3A_761 = tpu.memref_slice %arg2[%dma_wait3A_760] : memref<320000xi32, #tpu.memory_space<hbm>> -> memref<400xi32, #tpu.memory_space<hbm>>
      tpu.wait_dma2 semaphore(%arg27 : memref<!tpu.dma_semaphore, #tpu.memory_space<semaphore_mem>>) src(%dma_wait3A_761 : memref<400xi32, #tpu.memory_space<hbm>>) dst(%arg12 : memref<400xi32, #tpu.memory_space<vmem>>)
      %get3A_762 = arith.constant 0 : index
      %get3A_763 = tpu.vector_load %arg8[%get3A_762] {strides = array<i32>} : memref<400xi32, #tpu.memory_space<vmem>>, vector<16xi32>,
      %get3A_764 = vector.shape_cast %get3A_763 : vector<16xi32> to vector<16xi32>
      %mul3A_765 = arith.constant 14 : i32
      %mul3A_766 = vector.broadcast %mul3A_765 : i32 to vector<16xi32>
      %mul3A_767 = arith.muli %get3A_764, %mul3A_766 : vector<16xi32>
      %get3A_768 = arith.constant 0 : index
      %get3A_769 = tpu.vector_load %arg10[%get3A_768] {strides = array<i32>} : memref<400xi32, #tpu.memory_space<vmem>>, vector<16xi32>,
      %get3A_770 = vector.shape_cast %get3A_769 : vector<16xi32> to vector<16xi32>
      %mul3A_771 = arith.constant 2 : i32
      %mul3A_772 = vector.broadcast %mul3A_771 : i32 to vector<16xi32>
      %mul3A_773 = arith.muli %get3A_770, %mul3A_772 : vector<16xi32>
      %add3A_774 = arith.addi %mul3A_767, %mul3A_773 : vector<16xi32>
      %get3A_775 = arith.constant 0 : index
      %get3A_776 = tpu.vector_load %arg12[%get3A_775] {strides = array<i32>} : memref<400xi32, #tpu.memory_space<vmem>>, vector<16xi32>,
      %get3A_777 = vector.shape_cast %get3A_776 : vector<16xi32> to vector<16xi32>
      %add3A_778 = arith.addi %add3A_774, %get3A_777 : vector<16xi32>
      %swap3A_779 = arith.constant 0 : index
      %swap3A_780 = tpu.vector_load %arg18[%swap3A_779] {strides = array<i32>} : memref<80xi32, #tpu.memory_space<vmem>>, vector<16xi32>,
      %swap3A_781 = vector.shape_cast %swap3A_780 : vector<16xi32> to vector<16xi32>
      %swap3A_782 = vector.shape_cast %add3A_778 : vector<16xi32> to vector<16xi32>
      tpu.vector_store %arg18[%swap3A_779], %swap3A_782 {strides = array<i32>} : memref<80xi32, #tpu.memory_space<vmem>>, vector<16xi32>,
      %get3A_783 = arith.constant 16 : index
      %get3A_784 = tpu.vector_load %arg8[%get3A_783] {strides = array<i32>} : memref<400xi32, #tpu.memory_space<vmem>>, vector<16xi32>,
      %get3A_785 = vector.shape_cast %get3A_784 : vector<16xi32> to vector<16xi32>
      %mul3A_786 = arith.constant 14 : i32
      %mul3A_787 = vector.broadcast %mul3A_786 : i32 to vector<16xi32>
      %mul3A_788 = arith.muli %get3A_785, %mul3A_787 : vector<16xi32>
      %get3A_789 = arith.constant 16 : index
      %get3A_790 = tpu.vector_load %arg10[%get3A_789] {strides = array<i32>} : memref<400xi32, #tpu.memory_space<vmem>>, vector<16xi32>,
      %get3A_791 = vector.shape_cast %get3A_790 : vector<16xi32> to vector<16xi32>
      %mul3A_792 = arith.constant 2 : i32
      %mul3A_793 = vector.broadcast %mul3A_792 : i32 to vector<16xi32>
      %mul3A_794 = arith.muli %get3A_791, %mul3A_793 : vector<16xi32>
      %add3A_795 = arith.addi %mul3A_788, %mul3A_794 : vector<16xi32>
      %get3A_796 = arith.constant 16 : index
      %get3A_797 = tpu.vector_load %arg12[%get3A_796] {strides = array<i32>} : memref<400xi32, #tpu.memory_space<vmem>>, vector<16xi32>,
      %get3A_798 = vector.shape_cast %get3A_797 : vector<16xi32> to vector<16xi32>
      %add3A_799 = arith.addi %add3A_795, %get3A_798 : vector<16xi32>
      %swap3A_800 = arith.constant 16 : index
      %swap3A_801 = tpu.vector_load %arg18[%swap3A_800] {strides = array<i32>} : memref<80xi32, #tpu.memory_space<vmem>>, vector<16xi32>,
      %swap3A_802 = vector.shape_cast %swap3A_801 : vector<16xi32> to vector<16xi32>
      %swap3A_803 = vector.shape_cast %add3A_799 : vector<16xi32> to vector<16xi32>
      tpu.vector_store %arg18[%swap3A_800], %swap3A_803 {strides = array<i32>} : memref<80xi32, #tpu.memory_space<vmem>>, vector<16xi32>,
      %get3A_804 = arith.constant 32 : index
      %get3A_805 = tpu.vector_load %arg8[%get3A_804] {strides = array<i32>} : memref<400xi32, #tpu.memory_space<vmem>>, vector<16xi32>,
      %get3A_806 = vector.shape_cast %get3A_805 : vector<16xi32> to vector<16xi32>
      %mul3A_807 = arith.constant 14 : i32
      %mul3A_808 = vector.broadcast %mul3A_807 : i32 to vector<16xi32>
      %mul3A_809 = arith.muli %get3A_806, %mul3A_808 : vector<16xi32>
      %get3A_810 = arith.constant 32 : index
      %get3A_811 = tpu.vector_load %arg10[%get3A_810] {strides = array<i32>} : memref<400xi32, #tpu.memory_space<vmem>>, vector<16xi32>,
      %get3A_812 = vector.shape_cast %get3A_811 : vector<16xi32> to vector<16xi32>
      %mul3A_813 = arith.constant 2 : i32
      %mul3A_814 = vector.broadcast %mul3A_813 : i32 to vector<16xi32>
      %mul3A_815 = arith.muli %get3A_812, %mul3A_814 : vector<16xi32>
      %add3A_816 = arith.addi %mul3A_809, %mul3A_815 : vector<16xi32>
      %get3A_817 = arith.constant 32 : index
      %get3A_818 = tpu.vector_load %arg12[%get3A_817] {strides = array<i32>} : memref<400xi32, #tpu.memory_space<vmem>>, vector<16xi32>,
      %get3A_819 = vector.shape_cast %get3A_818 : vector<16xi32> to vector<16xi32>
      %add3A_820 = arith.addi %add3A_816, %get3A_819 : vector<16xi32>
      %swap3A_821 = arith.constant 32 : index
      %swap3A_822 = tpu.vector_load %arg18[%swap3A_821] {strides = array<i32>} : memref<80xi32, #tpu.memory_space<vmem>>, vector<16xi32>,
      %swap3A_823 = vector.shape_cast %swap3A_822 : vector<16xi32> to vector<16xi32>
      %swap3A_824 = vector.shape_cast %add3A_820 : vector<16xi32> to vector<16xi32>
      tpu.vector_store %arg18[%swap3A_821], %swap3A_824 {strides = array<i32>} : memref<80xi32, #tpu.memory_space<vmem>>, vector<16xi32>,
      %get3A_825 = arith.constant 48 : index
      %get3A_826 = tpu.vector_load %arg8[%get3A_825] {strides = array<i32>} : memref<400xi32, #tpu.memory_space<vmem>>, vector<16xi32>,
      %get3A_827 = vector.shape_cast %get3A_826 : vector<16xi32> to vector<16xi32>
      %mul3A_828 = arith.constant 14 : i32
      %mul3A_829 = vector.broadcast %mul3A_828 : i32 to vector<16xi32>
      %mul3A_830 = arith.muli %get3A_827, %mul3A_829 : vector<16xi32>
      %get3A_831 = arith.constant 48 : index
      %get3A_832 = tpu.vector_load %arg10[%get3A_831] {strides = array<i32>} : memref<400xi32, #tpu.memory_space<vmem>>, vector<16xi32>,
      %get3A_833 = vector.shape_cast %get3A_832 : vector<16xi32> to vector<16xi32>
      %mul3A_834 = arith.constant 2 : i32
      %mul3A_835 = vector.broadcast %mul3A_834 : i32 to vector<16xi32>
      %mul3A_836 = arith.muli %get3A_833, %mul3A_835 : vector<16xi32>
      %add3A_837 = arith.addi %mul3A_830, %mul3A_836 : vector<16xi32>
      %get3A_838 = arith.constant 48 : index
      %get3A_839 = tpu.vector_load %arg12[%get3A_838] {strides = array<i32>} : memref<400xi32, #tpu.memory_space<vmem>>, vector<16xi32>,
      %get3A_840 = vector.shape_cast %get3A_839 : vector<16xi32> to vector<16xi32>
      %add3A_841 = arith.addi %add3A_837, %get3A_840 : vector<16xi32>
      %swap3A_842 = arith.constant 48 : index
      %swap3A_843 = tpu.vector_load %arg18[%swap3A_842] {strides = array<i32>} : memref<80xi32, #tpu.memory_space<vmem>>, vector<16xi32>,
      %swap3A_844 = vector.shape_cast %swap3A_843 : vector<16xi32> to vector<16xi32>
      %swap3A_845 = vector.shape_cast %add3A_841 : vector<16xi32> to vector<16xi32>
      tpu.vector_store %arg18[%swap3A_842], %swap3A_845 {strides = array<i32>} : memref<80xi32, #tpu.memory_space<vmem>>, vector<16xi32>,
      %get3A_846 = arith.constant 64 : index
      %get3A_847 = tpu.vector_load %arg8[%get3A_846] {strides = array<i32>} : memref<400xi32, #tpu.memory_space<vmem>>, vector<16xi32>,
      %get3A_848 = vector.shape_cast %get3A_847 : vector<16xi32> to vector<16xi32>
      %mul3A_849 = arith.constant 14 : i32
      %mul3A_850 = vector.broadcast %mul3A_849 : i32 to vector<16xi32>
      %mul3A_851 = arith.muli %get3A_848, %mul3A_850 : vector<16xi32>
      %get3A_852 = arith.constant 64 : index
      %get3A_853 = tpu.vector_load %arg10[%get3A_852] {strides = array<i32>} : memref<400xi32, #tpu.memory_space<vmem>>, vector<16xi32>,
      %get3A_854 = vector.shape_cast %get3A_853 : vector<16xi32> to vector<16xi32>
      %mul3A_855 = arith.constant 2 : i32
      %mul3A_856 = vector.broadcast %mul3A_855 : i32 to vector<16xi32>
      %mul3A_857 = arith.muli %get3A_854, %mul3A_856 : vector<16xi32>
      %add3A_858 = arith.addi %mul3A_851, %mul3A_857 : vector<16xi32>
      %get3A_859 = arith.constant 64 : index
      %get3A_860 = tpu.vector_load %arg12[%get3A_859] {strides = array<i32>} : memref<400xi32, #tpu.memory_space<vmem>>, vector<16xi32>,
      %get3A_861 = vector.shape_cast %get3A_860 : vector<16xi32> to vector<16xi32>
      %add3A_862 = arith.addi %add3A_858, %get3A_861 : vector<16xi32>
      %swap3A_863 = arith.constant 64 : index
      %swap3A_864 = tpu.vector_load %arg18[%swap3A_863] {strides = array<i32>} : memref<80xi32, #tpu.memory_space<vmem>>, vector<16xi32>,
      %swap3A_865 = vector.shape_cast %swap3A_864 : vector<16xi32> to vector<16xi32>
      %swap3A_866 = vector.shape_cast %add3A_862 : vector<16xi32> to vector<16xi32>
      tpu.vector_store %arg18[%swap3A_863], %swap3A_866 {strides = array<i32>} : memref<80xi32, #tpu.memory_space<vmem>>, vector<16xi32>,
      %get3A_867 = arith.constant 80 : index
      %get3A_868 = tpu.vector_load %arg8[%get3A_867] {strides = array<i32>} : memref<400xi32, #tpu.memory_space<vmem>>, vector<16xi32>,
      %get3A_869 = vector.shape_cast %get3A_868 : vector<16xi32> to vector<16xi32>
      %mul3A_870 = arith.constant 14 : i32
      %mul3A_871 = vector.broadcast %mul3A_870 : i32 to vector<16xi32>
      %mul3A_872 = arith.muli %get3A_869, %mul3A_871 : vector<16xi32>
      %get3A_873 = arith.constant 80 : index
      %get3A_874 = tpu.vector_load %arg10[%get3A_873] {strides = array<i32>} : memref<400xi32, #tpu.memory_space<vmem>>, vector<16xi32>,
      %get3A_875 = vector.shape_cast %get3A_874 : vector<16xi32> to vector<16xi32>
      %mul3A_876 = arith.constant 2 : i32
      %mul3A_877 = vector.broadcast %mul3A_876 : i32 to vector<16xi32>
      %mul3A_878 = arith.muli %get3A_875, %mul3A_877 : vector<16xi32>
      %add3A_879 = arith.addi %mul3A_872, %mul3A_878 : vector<16xi32>
      %get3A_880 = arith.constant 80 : index
      %get3A_881 = tpu.vector_load %arg12[%get3A_880] {strides = array<i32>} : memref<400xi32, #tpu.memory_space<vmem>>, vector<16xi32>,
      %get3A_882 = vector.shape_cast %get3A_881 : vector<16xi32> to vector<16xi32>
      %add3A_883 = arith.addi %add3A_879, %get3A_882 : vector<16xi32>
      %swap3A_884 = arith.constant 0 : index
      %swap3A_885 = tpu.vector_load %arg19[%swap3A_884] {strides = array<i32>} : memref<80xi32, #tpu.memory_space<vmem>>, vector<16xi32>,
      %swap3A_886 = vector.shape_cast %swap3A_885 : vector<16xi32> to vector<16xi32>
      %swap3A_887 = vector.shape_cast %add3A_883 : vector<16xi32> to vector<16xi32>
      tpu.vector_store %arg19[%swap3A_884], %swap3A_887 {strides = array<i32>} : memref<80xi32, #tpu.memory_space<vmem>>, vector<16xi32>,
      %get3A_888 = arith.constant 96 : index
      %get3A_889 = tpu.vector_load %arg8[%get3A_888] {strides = array<i32>} : memref<400xi32, #tpu.memory_space<vmem>>, vector<16xi32>,
      %get3A_890 = vector.shape_cast %get3A_889 : vector<16xi32> to vector<16xi32>
      %mul3A_891 = arith.constant 14 : i32
      %mul3A_892 = vector.broadcast %mul3A_891 : i32 to vector<16xi32>
      %mul3A_893 = arith.muli %get3A_890, %mul3A_892 : vector<16xi32>
      %get3A_894 = arith.constant 96 : index
      %get3A_895 = tpu.vector_load %arg10[%get3A_894] {strides = array<i32>} : memref<400xi32, #tpu.memory_space<vmem>>, vector<16xi32>,
      %get3A_896 = vector.shape_cast %get3A_895 : vector<16xi32> to vector<16xi32>
      %mul3A_897 = arith.constant 2 : i32
      %mul3A_898 = vector.broadcast %mul3A_897 : i32 to vector<16xi32>
      %mul3A_899 = arith.muli %get3A_896, %mul3A_898 : vector<16xi32>
      %add3A_900 = arith.addi %mul3A_893, %mul3A_899 : vector<16xi32>
      %get3A_901 = arith.constant 96 : index
      %get3A_902 = tpu.vector_load %arg12[%get3A_901] {strides = array<i32>} : memref<400xi32, #tpu.memory_space<vmem>>, vector<16xi32>,
      %get3A_903 = vector.shape_cast %get3A_902 : vector<16xi32> to vector<16xi32>
      %add3A_904 = arith.addi %add3A_900, %get3A_903 : vector<16xi32>
      %swap3A_905 = arith.constant 16 : index
      %swap3A_906 = tpu.vector_load %arg19[%swap3A_905] {strides = array<i32>} : memref<80xi32, #tpu.memory_space<vmem>>, vector<16xi32>,
      %swap3A_907 = vector.shape_cast %swap3A_906 : vector<16xi32> to vector<16xi32>
      %swap3A_908 = vector.shape_cast %add3A_904 : vector<16xi32> to vector<16xi32>
      tpu.vector_store %arg19[%swap3A_905], %swap3A_908 {strides = array<i32>} : memref<80xi32, #tpu.memory_space<vmem>>, vector<16xi32>,
      %get3A_909 = arith.constant 112 : index
      %get3A_910 = tpu.vector_load %arg8[%get3A_909] {strides = array<i32>} : memref<400xi32, #tpu.memory_space<vmem>>, vector<16xi32>,
      %get3A_911 = vector.shape_cast %get3A_910 : vector<16xi32> to vector<16xi32>
      %mul3A_912 = arith.constant 14 : i32
      %mul3A_913 = vector.broadcast %mul3A_912 : i32 to vector<16xi32>
      %mul3A_914 = arith.muli %get3A_911, %mul3A_913 : vector<16xi32>
      %get3A_915 = arith.constant 112 : index
      %get3A_916 = tpu.vector_load %arg10[%get3A_915] {strides = array<i32>} : memref<400xi32, #tpu.memory_space<vmem>>, vector<16xi32>,
      %get3A_917 = vector.shape_cast %get3A_916 : vector<16xi32> to vector<16xi32>
      %mul3A_918 = arith.constant 2 : i32
      %mul3A_919 = vector.broadcast %mul3A_918 : i32 to vector<16xi32>
      %mul3A_920 = arith.muli %get3A_917, %mul3A_919 : vector<16xi32>
      %add3A_921 = arith.addi %mul3A_914, %mul3A_920 : vector<16xi32>
      %get3A_922 = arith.constant 112 : index
      %get3A_923 = tpu.vector_load %arg12[%get3A_922] {strides = array<i32>} : memref<400xi32, #tpu.memory_space<vmem>>, vector<16xi32>,
      %get3A_924 = vector.shape_cast %get3A_923 : vector<16xi32> to vector<16xi32>
      %add3A_925 = arith.addi %add3A_921, %get3A_924 : vector<16xi32>
      %swap3A_926 = arith.constant 32 : index
      %swap3A_927 = tpu.vector_load %arg19[%swap3A_926] {strides = array<i32>} : memref<80xi32, #tpu.memory_space<vmem>>, vector<16xi32>,
      %swap3A_928 = vector.shape_cast %swap3A_927 : vector<16xi32> to vector<16xi32>
      %swap3A_929 = vector.shape_cast %add3A_925 : vector<16xi32> to vector<16xi32>
      tpu.vector_store %arg19[%swap3A_926], %swap3A_929 {strides = array<i32>} : memref<80xi32, #tpu.memory_space<vmem>>, vector<16xi32>,
      %get3A_930 = arith.constant 128 : index
      %get3A_931 = tpu.vector_load %arg8[%get3A_930] {strides = array<i32>} : memref<400xi32, #tpu.memory_space<vmem>>, vector<16xi32>,
      %get3A_932 = vector.shape_cast %get3A_931 : vector<16xi32> to vector<16xi32>
      %mul3A_933 = arith.constant 14 : i32
      %mul3A_934 = vector.broadcast %mul3A_933 : i32 to vector<16xi32>
      %mul3A_935 = arith.muli %get3A_932, %mul3A_934 : vector<16xi32>
      %get3A_936 = arith.constant 128 : index
      %get3A_937 = tpu.vector_load %arg10[%get3A_936] {strides = array<i32>} : memref<400xi32, #tpu.memory_space<vmem>>, vector<16xi32>,
      %get3A_938 = vector.shape_cast %get3A_937 : vector<16xi32> to vector<16xi32>
      %mul3A_939 = arith.constant 2 : i32
      %mul3A_940 = vector.broadcast %mul3A_939 : i32 to vector<16xi32>
      %mul3A_941 = arith.muli %get3A_938, %mul3A_940 : vector<16xi32>
      %add3A_942 = arith.addi %mul3A_935, %mul3A_941 : vector<16xi32>
      %get3A_943 = arith.constant 128 : index
      %get3A_944 = tpu.vector_load %arg12[%get3A_943] {strides = array<i32>} : memref<400xi32, #tpu.memory_space<vmem>>, vector<16xi32>,
      %get3A_945 = vector.shape_cast %get3A_944 : vector<16xi32> to vector<16xi32>
      %add3A_946 = arith.addi %add3A_942, %get3A_945 : vector<16xi32>
      %swap3A_947 = arith.constant 48 : index
      %swap3A_948 = tpu.vector_load %arg19[%swap3A_947] {strides = array<i32>} : memref<80xi32, #tpu.memory_space<vmem>>, vector<16xi32>,
      %swap3A_949 = vector.shape_cast %swap3A_948 : vector<16xi32> to vector<16xi32>
      %swap3A_950 = vector.shape_cast %add3A_946 : vector<16xi32> to vector<16xi32>
      tpu.vector_store %arg19[%swap3A_947], %swap3A_950 {strides = array<i32>} : memref<80xi32, #tpu.memory_space<vmem>>, vector<16xi32>,
      %get3A_951 = arith.constant 144 : index
      %get3A_952 = tpu.vector_load %arg8[%get3A_951] {strides = array<i32>} : memref<400xi32, #tpu.memory_space<vmem>>, vector<16xi32>,
      %get3A_953 = vector.shape_cast %get3A_952 : vector<16xi32> to vector<16xi32>
      %mul3A_954 = arith.constant 14 : i32
      %mul3A_955 = vector.broadcast %mul3A_954 : i32 to vector<16xi32>
      %mul3A_956 = arith.muli %get3A_953, %mul3A_955 : vector<16xi32>
      %get3A_957 = arith.constant 144 : index
      %get3A_958 = tpu.vector_load %arg10[%get3A_957] {strides = array<i32>} : memref<400xi32, #tpu.memory_space<vmem>>, vector<16xi32>,
      %get3A_959 = vector.shape_cast %get3A_958 : vector<16xi32> to vector<16xi32>
      %mul3A_960 = arith.constant 2 : i32
      %mul3A_961 = vector.broadcast %mul3A_960 : i32 to vector<16xi32>
      %mul3A_962 = arith.muli %get3A_959, %mul3A_961 : vector<16xi32>
      %add3A_963 = arith.addi %mul3A_956, %mul3A_962 : vector<16xi32>
      %get3A_964 = arith.constant 144 : index
      %get3A_965 = tpu.vector_load %arg12[%get3A_964] {strides = array<i32>} : memref<400xi32, #tpu.memory_space<vmem>>, vector<16xi32>,
      %get3A_966 = vector.shape_cast %get3A_965 : vector<16xi32> to vector<16xi32>
      %add3A_967 = arith.addi %add3A_963, %get3A_966 : vector<16xi32>
      %swap3A_968 = arith.constant 64 : index
      %swap3A_969 = tpu.vector_load %arg19[%swap3A_968] {strides = array<i32>} : memref<80xi32, #tpu.memory_space<vmem>>, vector<16xi32>,
      %swap3A_970 = vector.shape_cast %swap3A_969 : vector<16xi32> to vector<16xi32>
      %swap3A_971 = vector.shape_cast %add3A_967 : vector<16xi32> to vector<16xi32>
      tpu.vector_store %arg19[%swap3A_968], %swap3A_971 {strides = array<i32>} : memref<80xi32, #tpu.memory_space<vmem>>, vector<16xi32>,
      %get3A_972 = arith.constant 160 : index
      %get3A_973 = tpu.vector_load %arg8[%get3A_972] {strides = array<i32>} : memref<400xi32, #tpu.memory_space<vmem>>, vector<16xi32>,
      %get3A_974 = vector.shape_cast %get3A_973 : vector<16xi32> to vector<16xi32>
      %mul3A_975 = arith.constant 14 : i32
      %mul3A_976 = vector.broadcast %mul3A_975 : i32 to vector<16xi32>
      %mul3A_977 = arith.muli %get3A_974, %mul3A_976 : vector<16xi32>
      %get3A_978 = arith.constant 160 : index
      %get3A_979 = tpu.vector_load %arg10[%get3A_978] {strides = array<i32>} : memref<400xi32, #tpu.memory_space<vmem>>, vector<16xi32>,
      %get3A_980 = vector.shape_cast %get3A_979 : vector<16xi32> to vector<16xi32>
      %mul3A_981 = arith.constant 2 : i32
      %mul3A_982 = vector.broadcast %mul3A_981 : i32 to vector<16xi32>
      %mul3A_983 = arith.muli %get3A_980, %mul3A_982 : vector<16xi32>
      %add3A_984 = arith.addi %mul3A_977, %mul3A_983 : vector<16xi32>
      %get3A_985 = arith.constant 160 : index
      %get3A_986 = tpu.vector_load %arg12[%get3A_985] {strides = array<i32>} : memref<400xi32, #tpu.memory_space<vmem>>, vector<16xi32>,
      %get3A_987 = vector.shape_cast %get3A_986 : vector<16xi32> to vector<16xi32>
      %add3A_988 = arith.addi %add3A_984, %get3A_987 : vector<16xi32>
      %swap3A_989 = arith.constant 0 : index
      %swap3A_990 = tpu.vector_load %arg20[%swap3A_989] {strides = array<i32>} : memref<80xi32, #tpu.memory_space<vmem>>, vector<16xi32>,
      %swap3A_991 = vector.shape_cast %swap3A_990 : vector<16xi32> to vector<16xi32>
      %swap3A_992 = vector.shape_cast %add3A_988 : vector<16xi32> to vector<16xi32>
      tpu.vector_store %arg20[%swap3A_989], %swap3A_992 {strides = array<i32>} : memref<80xi32, #tpu.memory_space<vmem>>, vector<16xi32>,
      %get3A_993 = arith.constant 176 : index
      %get3A_994 = tpu.vector_load %arg8[%get3A_993] {strides = array<i32>} : memref<400xi32, #tpu.memory_space<vmem>>, vector<16xi32>,
      %get3A_995 = vector.shape_cast %get3A_994 : vector<16xi32> to vector<16xi32>
      %mul3A_996 = arith.constant 14 : i32
      %mul3A_997 = vector.broadcast %mul3A_996 : i32 to vector<16xi32>
      %mul3A_998 = arith.muli %get3A_995, %mul3A_997 : vector<16xi32>
      %get3A_999 = arith.constant 176 : index
      %get3A_1000 = tpu.vector_load %arg10[%get3A_999] {strides = array<i32>} : memref<400xi32, #tpu.memory_space<vmem>>, vector<16xi32>,
      %get3A_1001 = vector.shape_cast %get3A_1000 : vector<16xi32> to vector<16xi32>
      %mul3A_1002 = arith.constant 2 : i32
      %mul3A_1003 = vector.broadcast %mul3A_1002 : i32 to vector<16xi32>
      %mul3A_1004 = arith.muli %get3A_1001, %mul3A_1003 : vector<16xi32>
      %add3A_1005 = arith.addi %mul3A_998, %mul3A_1004 : vector<16xi32>
      %get3A_1006 = arith.constant 176 : index
      %get3A_1007 = tpu.vector_load %arg12[%get3A_1006] {strides = array<i32>} : memref<400xi32, #tpu.memory_space<vmem>>, vector<16xi32>,
      %get3A_1008 = vector.shape_cast %get3A_1007 : vector<16xi32> to vector<16xi32>
      %add3A_1009 = arith.addi %add3A_1005, %get3A_1008 : vector<16xi32>
      %swap3A_1010 = arith.constant 16 : index
      %swap3A_1011 = tpu.vector_load %arg20[%swap3A_1010] {strides = array<i32>} : memref<80xi32, #tpu.memory_space<vmem>>, vector<16xi32>,
      %swap3A_1012 = vector.shape_cast %swap3A_1011 : vector<16xi32> to vector<16xi32>
      %swap3A_1013 = vector.shape_cast %add3A_1009 : vector<16xi32> to vector<16xi32>
      tpu.vector_store %arg20[%swap3A_1010], %swap3A_1013 {strides = array<i32>} : memref<80xi32, #tpu.memory_space<vmem>>, vector<16xi32>,
      %get3A_1014 = arith.constant 192 : index
      %get3A_1015 = tpu.vector_load %arg8[%get3A_1014] {strides = array<i32>} : memref<400xi32, #tpu.memory_space<vmem>>, vector<16xi32>,
      %get3A_1016 = vector.shape_cast %get3A_1015 : vector<16xi32> to vector<16xi32>
      %mul3A_1017 = arith.constant 14 : i32
      %mul3A_1018 = vector.broadcast %mul3A_1017 : i32 to vector<16xi32>
      %mul3A_1019 = arith.muli %get3A_1016, %mul3A_1018 : vector<16xi32>
      %get3A_1020 = arith.constant 192 : index
      %get3A_1021 = tpu.vector_load %arg10[%get3A_1020] {strides = array<i32>} : memref<400xi32, #tpu.memory_space<vmem>>, vector<16xi32>,
      %get3A_1022 = vector.shape_cast %get3A_1021 : vector<16xi32> to vector<16xi32>
      %mul3A_1023 = arith.constant 2 : i32
      %mul3A_1024 = vector.broadcast %mul3A_1023 : i32 to vector<16xi32>
      %mul3A_1025 = arith.muli %get3A_1022, %mul3A_1024 : vector<16xi32>
      %add3A_1026 = arith.addi %mul3A_1019, %mul3A_1025 : vector<16xi32>
      %get3A_1027 = arith.constant 192 : index
      %get3A_1028 = tpu.vector_load %arg12[%get3A_1027] {strides = array<i32>} : memref<400xi32, #tpu.memory_space<vmem>>, vector<16xi32>,
      %get3A_1029 = vector.shape_cast %get3A_1028 : vector<16xi32> to vector<16xi32>
      %add3A_1030 = arith.addi %add3A_1026, %get3A_1029 : vector<16xi32>
      %swap3A_1031 = arith.constant 32 : index
      %swap3A_1032 = tpu.vector_load %arg20[%swap3A_1031] {strides = array<i32>} : memref<80xi32, #tpu.memory_space<vmem>>, vector<16xi32>,
      %swap3A_1033 = vector.shape_cast %swap3A_1032 : vector<16xi32> to vector<16xi32>
      %swap3A_1034 = vector.shape_cast %add3A_1030 : vector<16xi32> to vector<16xi32>
      tpu.vector_store %arg20[%swap3A_1031], %swap3A_1034 {strides = array<i32>} : memref<80xi32, #tpu.memory_space<vmem>>, vector<16xi32>,
      %get3A_1035 = arith.constant 208 : index
      %get3A_1036 = tpu.vector_load %arg8[%get3A_1035] {strides = array<i32>} : memref<400xi32, #tpu.memory_space<vmem>>, vector<16xi32>,
      %get3A_1037 = vector.shape_cast %get3A_1036 : vector<16xi32> to vector<16xi32>
      %mul3A_1038 = arith.constant 14 : i32
      %mul3A_1039 = vector.broadcast %mul3A_1038 : i32 to vector<16xi32>
      %mul3A_1040 = arith.muli %get3A_1037, %mul3A_1039 : vector<16xi32>
      %get3A_1041 = arith.constant 208 : index
      %get3A_1042 = tpu.vector_load %arg10[%get3A_1041] {strides = array<i32>} : memref<400xi32, #tpu.memory_space<vmem>>, vector<16xi32>,
      %get3A_1043 = vector.shape_cast %get3A_1042 : vector<16xi32> to vector<16xi32>
      %mul3A_1044 = arith.constant 2 : i32
      %mul3A_1045 = vector.broadcast %mul3A_1044 : i32 to vector<16xi32>
      %mul3A_1046 = arith.muli %get3A_1043, %mul3A_1045 : vector<16xi32>
      %add3A_1047 = arith.addi %mul3A_1040, %mul3A_1046 : vector<16xi32>
      %get3A_1048 = arith.constant 208 : index
      %get3A_1049 = tpu.vector_load %arg12[%get3A_1048] {strides = array<i32>} : memref<400xi32, #tpu.memory_space<vmem>>, vector<16xi32>,
      %get3A_1050 = vector.shape_cast %get3A_1049 : vector<16xi32> to vector<16xi32>
      %add3A_1051 = arith.addi %add3A_1047, %get3A_1050 : vector<16xi32>
      %swap3A_1052 = arith.constant 48 : index
      %swap3A_1053 = tpu.vector_load %arg20[%swap3A_1052] {strides = array<i32>} : memref<80xi32, #tpu.memory_space<vmem>>, vector<16xi32>,
      %swap3A_1054 = vector.shape_cast %swap3A_1053 : vector<16xi32> to vector<16xi32>
      %swap3A_1055 = vector.shape_cast %add3A_1051 : vector<16xi32> to vector<16xi32>
      tpu.vector_store %arg20[%swap3A_1052], %swap3A_1055 {strides = array<i32>} : memref<80xi32, #tpu.memory_space<vmem>>, vector<16xi32>,
      %get3A_1056 = arith.constant 224 : index
      %get3A_1057 = tpu.vector_load %arg8[%get3A_1056] {strides = array<i32>} : memref<400xi32, #tpu.memory_space<vmem>>, vector<16xi32>,
      %get3A_1058 = vector.shape_cast %get3A_1057 : vector<16xi32> to vector<16xi32>
      %mul3A_1059 = arith.constant 14 : i32
      %mul3A_1060 = vector.broadcast %mul3A_1059 : i32 to vector<16xi32>
      %mul3A_1061 = arith.muli %get3A_1058, %mul3A_1060 : vector<16xi32>
      %get3A_1062 = arith.constant 224 : index
      %get3A_1063 = tpu.vector_load %arg10[%get3A_1062] {strides = array<i32>} : memref<400xi32, #tpu.memory_space<vmem>>, vector<16xi32>,
      %get3A_1064 = vector.shape_cast %get3A_1063 : vector<16xi32> to vector<16xi32>
      %mul3A_1065 = arith.constant 2 : i32
      %mul3A_1066 = vector.broadcast %mul3A_1065 : i32 to vector<16xi32>
      %mul3A_1067 = arith.muli %get3A_1064, %mul3A_1066 : vector<16xi32>
      %add3A_1068 = arith.addi %mul3A_1061, %mul3A_1067 : vector<16xi32>
      %get3A_1069 = arith.constant 224 : index
      %get3A_1070 = tpu.vector_load %arg12[%get3A_1069] {strides = array<i32>} : memref<400xi32, #tpu.memory_space<vmem>>, vector<16xi32>,
      %get3A_1071 = vector.shape_cast %get3A_1070 : vector<16xi32> to vector<16xi32>
      %add3A_1072 = arith.addi %add3A_1068, %get3A_1071 : vector<16xi32>
      %swap3A_1073 = arith.constant 64 : index
      %swap3A_1074 = tpu.vector_load %arg20[%swap3A_1073] {strides = array<i32>} : memref<80xi32, #tpu.memory_space<vmem>>, vector<16xi32>,
      %swap3A_1075 = vector.shape_cast %swap3A_1074 : vector<16xi32> to vector<16xi32>
      %swap3A_1076 = vector.shape_cast %add3A_1072 : vector<16xi32> to vector<16xi32>
      tpu.vector_store %arg20[%swap3A_1073], %swap3A_1076 {strides = array<i32>} : memref<80xi32, #tpu.memory_space<vmem>>, vector<16xi32>,
      %get3A_1077 = arith.constant 240 : index
      %get3A_1078 = tpu.vector_load %arg8[%get3A_1077] {strides = array<i32>} : memref<400xi32, #tpu.memory_space<vmem>>, vector<16xi32>,
      %get3A_1079 = vector.shape_cast %get3A_1078 : vector<16xi32> to vector<16xi32>
      %mul3A_1080 = arith.constant 14 : i32
      %mul3A_1081 = vector.broadcast %mul3A_1080 : i32 to vector<16xi32>
      %mul3A_1082 = arith.muli %get3A_1079, %mul3A_1081 : vector<16xi32>
      %get3A_1083 = arith.constant 240 : index
      %get3A_1084 = tpu.vector_load %arg10[%get3A_1083] {strides = array<i32>} : memref<400xi32, #tpu.memory_space<vmem>>, vector<16xi32>,
      %get3A_1085 = vector.shape_cast %get3A_1084 : vector<16xi32> to vector<16xi32>
      %mul3A_1086 = arith.constant 2 : i32
      %mul3A_1087 = vector.broadcast %mul3A_1086 : i32 to vector<16xi32>
      %mul3A_1088 = arith.muli %get3A_1085, %mul3A_1087 : vector<16xi32>
      %add3A_1089 = arith.addi %mul3A_1082, %mul3A_1088 : vector<16xi32>
      %get3A_1090 = arith.constant 240 : index
      %get3A_1091 = tpu.vector_load %arg12[%get3A_1090] {strides = array<i32>} : memref<400xi32, #tpu.memory_space<vmem>>, vector<16xi32>,
      %get3A_1092 = vector.shape_cast %get3A_1091 : vector<16xi32> to vector<16xi32>
      %add3A_1093 = arith.addi %add3A_1089, %get3A_1092 : vector<16xi32>
      %swap3A_1094 = arith.constant 0 : index
      %swap3A_1095 = tpu.vector_load %arg21[%swap3A_1094] {strides = array<i32>} : memref<80xi32, #tpu.memory_space<vmem>>, vector<16xi32>,
      %swap3A_1096 = vector.shape_cast %swap3A_1095 : vector<16xi32> to vector<16xi32>
      %swap3A_1097 = vector.shape_cast %add3A_1093 : vector<16xi32> to vector<16xi32>
      tpu.vector_store %arg21[%swap3A_1094], %swap3A_1097 {strides = array<i32>} : memref<80xi32, #tpu.memory_space<vmem>>, vector<16xi32>,
      %get3A_1098 = arith.constant 256 : index
      %get3A_1099 = tpu.vector_load %arg8[%get3A_1098] {strides = array<i32>} : memref<400xi32, #tpu.memory_space<vmem>>, vector<16xi32>,
      %get3A_1100 = vector.shape_cast %get3A_1099 : vector<16xi32> to vector<16xi32>
      %mul3A_1101 = arith.constant 14 : i32
      %mul3A_1102 = vector.broadcast %mul3A_1101 : i32 to vector<16xi32>
      %mul3A_1103 = arith.muli %get3A_1100, %mul3A_1102 : vector<16xi32>
      %get3A_1104 = arith.constant 256 : index
      %get3A_1105 = tpu.vector_load %arg10[%get3A_1104] {strides = array<i32>} : memref<400xi32, #tpu.memory_space<vmem>>, vector<16xi32>,
      %get3A_1106 = vector.shape_cast %get3A_1105 : vector<16xi32> to vector<16xi32>
      %mul3A_1107 = arith.constant 2 : i32
      %mul3A_1108 = vector.broadcast %mul3A_1107 : i32 to vector<16xi32>
      %mul3A_1109 = arith.muli %get3A_1106, %mul3A_1108 : vector<16xi32>
      %add3A_1110 = arith.addi %mul3A_1103, %mul3A_1109 : vector<16xi32>
      %get3A_1111 = arith.constant 256 : index
      %get3A_1112 = tpu.vector_load %arg12[%get3A_1111] {strides = array<i32>} : memref<400xi32, #tpu.memory_space<vmem>>, vector<16xi32>,
      %get3A_1113 = vector.shape_cast %get3A_1112 : vector<16xi32> to vector<16xi32>
      %add3A_1114 = arith.addi %add3A_1110, %get3A_1113 : vector<16xi32>
      %swap3A_1115 = arith.constant 16 : index
      %swap3A_1116 = tpu.vector_load %arg21[%swap3A_1115] {strides = array<i32>} : memref<80xi32, #tpu.memory_space<vmem>>, vector<16xi32>,
      %swap3A_1117 = vector.shape_cast %swap3A_1116 : vector<16xi32> to vector<16xi32>
      %swap3A_1118 = vector.shape_cast %add3A_1114 : vector<16xi32> to vector<16xi32>
      tpu.vector_store %arg21[%swap3A_1115], %swap3A_1118 {strides = array<i32>} : memref<80xi32, #tpu.memory_space<vmem>>, vector<16xi32>,
      %get3A_1119 = arith.constant 272 : index
      %get3A_1120 = tpu.vector_load %arg8[%get3A_1119] {strides = array<i32>} : memref<400xi32, #tpu.memory_space<vmem>>, vector<16xi32>,
      %get3A_1121 = vector.shape_cast %get3A_1120 : vector<16xi32> to vector<16xi32>
      %mul3A_1122 = arith.constant 14 : i32
      %mul3A_1123 = vector.broadcast %mul3A_1122 : i32 to vector<16xi32>
      %mul3A_1124 = arith.muli %get3A_1121, %mul3A_1123 : vector<16xi32>
      %get3A_1125 = arith.constant 272 : index
      %get3A_1126 = tpu.vector_load %arg10[%get3A_1125] {strides = array<i32>} : memref<400xi32, #tpu.memory_space<vmem>>, vector<16xi32>,
      %get3A_1127 = vector.shape_cast %get3A_1126 : vector<16xi32> to vector<16xi32>
      %mul3A_1128 = arith.constant 2 : i32
      %mul3A_1129 = vector.broadcast %mul3A_1128 : i32 to vector<16xi32>
      %mul3A_1130 = arith.muli %get3A_1127, %mul3A_1129 : vector<16xi32>
      %add3A_1131 = arith.addi %mul3A_1124, %mul3A_1130 : vector<16xi32>
      %get3A_1132 = arith.constant 272 : index
      %get3A_1133 = tpu.vector_load %arg12[%get3A_1132] {strides = array<i32>} : memref<400xi32, #tpu.memory_space<vmem>>, vector<16xi32>,
      %get3A_1134 = vector.shape_cast %get3A_1133 : vector<16xi32> to vector<16xi32>
      %add3A_1135 = arith.addi %add3A_1131, %get3A_1134 : vector<16xi32>
      %swap3A_1136 = arith.constant 32 : index
      %swap3A_1137 = tpu.vector_load %arg21[%swap3A_1136] {strides = array<i32>} : memref<80xi32, #tpu.memory_space<vmem>>, vector<16xi32>,
      %swap3A_1138 = vector.shape_cast %swap3A_1137 : vector<16xi32> to vector<16xi32>
      %swap3A_1139 = vector.shape_cast %add3A_1135 : vector<16xi32> to vector<16xi32>
      tpu.vector_store %arg21[%swap3A_1136], %swap3A_1139 {strides = array<i32>} : memref<80xi32, #tpu.memory_space<vmem>>, vector<16xi32>,
      %get3A_1140 = arith.constant 288 : index
      %get3A_1141 = tpu.vector_load %arg8[%get3A_1140] {strides = array<i32>} : memref<400xi32, #tpu.memory_space<vmem>>, vector<16xi32>,
      %get3A_1142 = vector.shape_cast %get3A_1141 : vector<16xi32> to vector<16xi32>
      %mul3A_1143 = arith.constant 14 : i32
      %mul3A_1144 = vector.broadcast %mul3A_1143 : i32 to vector<16xi32>
      %mul3A_1145 = arith.muli %get3A_1142, %mul3A_1144 : vector<16xi32>
      %get3A_1146 = arith.constant 288 : index
      %get3A_1147 = tpu.vector_load %arg10[%get3A_1146] {strides = array<i32>} : memref<400xi32, #tpu.memory_space<vmem>>, vector<16xi32>,
      %get3A_1148 = vector.shape_cast %get3A_1147 : vector<16xi32> to vector<16xi32>
      %mul3A_1149 = arith.constant 2 : i32
      %mul3A_1150 = vector.broadcast %mul3A_1149 : i32 to vector<16xi32>
      %mul3A_1151 = arith.muli %get3A_1148, %mul3A_1150 : vector<16xi32>
      %add3A_1152 = arith.addi %mul3A_1145, %mul3A_1151 : vector<16xi32>
      %get3A_1153 = arith.constant 288 : index
      %get3A_1154 = tpu.vector_load %arg12[%get3A_1153] {strides = array<i32>} : memref<400xi32, #tpu.memory_space<vmem>>, vector<16xi32>,
      %get3A_1155 = vector.shape_cast %get3A_1154 : vector<16xi32> to vector<16xi32>
      %add3A_1156 = arith.addi %add3A_1152, %get3A_1155 : vector<16xi32>
      %swap3A_1157 = arith.constant 48 : index
      %swap3A_1158 = tpu.vector_load %arg21[%swap3A_1157] {strides = array<i32>} : memref<80xi32, #tpu.memory_space<vmem>>, vector<16xi32>,
      %swap3A_1159 = vector.shape_cast %swap3A_1158 : vector<16xi32> to vector<16xi32>
      %swap3A_1160 = vector.shape_cast %add3A_1156 : vector<16xi32> to vector<16xi32>
      tpu.vector_store %arg21[%swap3A_1157], %swap3A_1160 {strides = array<i32>} : memref<80xi32, #tpu.memory_space<vmem>>, vector<16xi32>,
      %get3A_1161 = arith.constant 304 : index
      %get3A_1162 = tpu.vector_load %arg8[%get3A_1161] {strides = array<i32>} : memref<400xi32, #tpu.memory_space<vmem>>, vector<16xi32>,
      %get3A_1163 = vector.shape_cast %get3A_1162 : vector<16xi32> to vector<16xi32>
      %mul3A_1164 = arith.constant 14 : i32
      %mul3A_1165 = vector.broadcast %mul3A_1164 : i32 to vector<16xi32>
      %mul3A_1166 = arith.muli %get3A_1163, %mul3A_1165 : vector<16xi32>
      %get3A_1167 = arith.constant 304 : index
      %get3A_1168 = tpu.vector_load %arg10[%get3A_1167] {strides = array<i32>} : memref<400xi32, #tpu.memory_space<vmem>>, vector<16xi32>,
      %get3A_1169 = vector.shape_cast %get3A_1168 : vector<16xi32> to vector<16xi32>
      %mul3A_1170 = arith.constant 2 : i32
      %mul3A_1171 = vector.broadcast %mul3A_1170 : i32 to vector<16xi32>
      %mul3A_1172 = arith.muli %get3A_1169, %mul3A_1171 : vector<16xi32>
      %add3A_1173 = arith.addi %mul3A_1166, %mul3A_1172 : vector<16xi32>
      %get3A_1174 = arith.constant 304 : index
      %get3A_1175 = tpu.vector_load %arg12[%get3A_1174] {strides = array<i32>} : memref<400xi32, #tpu.memory_space<vmem>>, vector<16xi32>,
      %get3A_1176 = vector.shape_cast %get3A_1175 : vector<16xi32> to vector<16xi32>
      %add3A_1177 = arith.addi %add3A_1173, %get3A_1176 : vector<16xi32>
      %swap3A_1178 = arith.constant 64 : index
      %swap3A_1179 = tpu.vector_load %arg21[%swap3A_1178] {strides = array<i32>} : memref<80xi32, #tpu.memory_space<vmem>>, vector<16xi32>,
      %swap3A_1180 = vector.shape_cast %swap3A_1179 : vector<16xi32> to vector<16xi32>
      %swap3A_1181 = vector.shape_cast %add3A_1177 : vector<16xi32> to vector<16xi32>
      tpu.vector_store %arg21[%swap3A_1178], %swap3A_1181 {strides = array<i32>} : memref<80xi32, #tpu.memory_space<vmem>>, vector<16xi32>,
      %get3A_1182 = arith.constant 320 : index
      %get3A_1183 = tpu.vector_load %arg8[%get3A_1182] {strides = array<i32>} : memref<400xi32, #tpu.memory_space<vmem>>, vector<16xi32>,
      %get3A_1184 = vector.shape_cast %get3A_1183 : vector<16xi32> to vector<16xi32>
      %mul3A_1185 = arith.constant 14 : i32
      %mul3A_1186 = vector.broadcast %mul3A_1185 : i32 to vector<16xi32>
      %mul3A_1187 = arith.muli %get3A_1184, %mul3A_1186 : vector<16xi32>
      %get3A_1188 = arith.constant 320 : index
      %get3A_1189 = tpu.vector_load %arg10[%get3A_1188] {strides = array<i32>} : memref<400xi32, #tpu.memory_space<vmem>>, vector<16xi32>,
      %get3A_1190 = vector.shape_cast %get3A_1189 : vector<16xi32> to vector<16xi32>
      %mul3A_1191 = arith.constant 2 : i32
      %mul3A_1192 = vector.broadcast %mul3A_1191 : i32 to vector<16xi32>
      %mul3A_1193 = arith.muli %get3A_1190, %mul3A_1192 : vector<16xi32>
      %add3A_1194 = arith.addi %mul3A_1187, %mul3A_1193 : vector<16xi32>
      %get3A_1195 = arith.constant 320 : index
      %get3A_1196 = tpu.vector_load %arg12[%get3A_1195] {strides = array<i32>} : memref<400xi32, #tpu.memory_space<vmem>>, vector<16xi32>,
      %get3A_1197 = vector.shape_cast %get3A_1196 : vector<16xi32> to vector<16xi32>
      %add3A_1198 = arith.addi %add3A_1194, %get3A_1197 : vector<16xi32>
      %swap3A_1199 = arith.constant 0 : index
      %swap3A_1200 = tpu.vector_load %arg22[%swap3A_1199] {strides = array<i32>} : memref<80xi32, #tpu.memory_space<vmem>>, vector<16xi32>,
      %swap3A_1201 = vector.shape_cast %swap3A_1200 : vector<16xi32> to vector<16xi32>
      %swap3A_1202 = vector.shape_cast %add3A_1198 : vector<16xi32> to vector<16xi32>
      tpu.vector_store %arg22[%swap3A_1199], %swap3A_1202 {strides = array<i32>} : memref<80xi32, #tpu.memory_space<vmem>>, vector<16xi32>,
      %get3A_1203 = arith.constant 336 : index
      %get3A_1204 = tpu.vector_load %arg8[%get3A_1203] {strides = array<i32>} : memref<400xi32, #tpu.memory_space<vmem>>, vector<16xi32>,
      %get3A_1205 = vector.shape_cast %get3A_1204 : vector<16xi32> to vector<16xi32>
      %mul3A_1206 = arith.constant 14 : i32
      %mul3A_1207 = vector.broadcast %mul3A_1206 : i32 to vector<16xi32>
      %mul3A_1208 = arith.muli %get3A_1205, %mul3A_1207 : vector<16xi32>
      %get3A_1209 = arith.constant 336 : index
      %get3A_1210 = tpu.vector_load %arg10[%get3A_1209] {strides = array<i32>} : memref<400xi32, #tpu.memory_space<vmem>>, vector<16xi32>,
      %get3A_1211 = vector.shape_cast %get3A_1210 : vector<16xi32> to vector<16xi32>
      %mul3A_1212 = arith.constant 2 : i32
      %mul3A_1213 = vector.broadcast %mul3A_1212 : i32 to vector<16xi32>
      %mul3A_1214 = arith.muli %get3A_1211, %mul3A_1213 : vector<16xi32>
      %add3A_1215 = arith.addi %mul3A_1208, %mul3A_1214 : vector<16xi32>
      %get3A_1216 = arith.constant 336 : index
      %get3A_1217 = tpu.vector_load %arg12[%get3A_1216] {strides = array<i32>} : memref<400xi32, #tpu.memory_space<vmem>>, vector<16xi32>,
      %get3A_1218 = vector.shape_cast %get3A_1217 : vector<16xi32> to vector<16xi32>
      %add3A_1219 = arith.addi %add3A_1215, %get3A_1218 : vector<16xi32>
      %swap3A_1220 = arith.constant 16 : index
      %swap3A_1221 = tpu.vector_load %arg22[%swap3A_1220] {strides = array<i32>} : memref<80xi32, #tpu.memory_space<vmem>>, vector<16xi32>,
      %swap3A_1222 = vector.shape_cast %swap3A_1221 : vector<16xi32> to vector<16xi32>
      %swap3A_1223 = vector.shape_cast %add3A_1219 : vector<16xi32> to vector<16xi32>
      tpu.vector_store %arg22[%swap3A_1220], %swap3A_1223 {strides = array<i32>} : memref<80xi32, #tpu.memory_space<vmem>>, vector<16xi32>,
      %get3A_1224 = arith.constant 352 : index
      %get3A_1225 = tpu.vector_load %arg8[%get3A_1224] {strides = array<i32>} : memref<400xi32, #tpu.memory_space<vmem>>, vector<16xi32>,
      %get3A_1226 = vector.shape_cast %get3A_1225 : vector<16xi32> to vector<16xi32>
      %mul3A_1227 = arith.constant 14 : i32
      %mul3A_1228 = vector.broadcast %mul3A_1227 : i32 to vector<16xi32>
      %mul3A_1229 = arith.muli %get3A_1226, %mul3A_1228 : vector<16xi32>
      %get3A_1230 = arith.constant 352 : index
      %get3A_1231 = tpu.vector_load %arg10[%get3A_1230] {strides = array<i32>} : memref<400xi32, #tpu.memory_space<vmem>>, vector<16xi32>,
      %get3A_1232 = vector.shape_cast %get3A_1231 : vector<16xi32> to vector<16xi32>
      %mul3A_1233 = arith.constant 2 : i32
      %mul3A_1234 = vector.broadcast %mul3A_1233 : i32 to vector<16xi32>
      %mul3A_1235 = arith.muli %get3A_1232, %mul3A_1234 : vector<16xi32>
      %add3A_1236 = arith.addi %mul3A_1229, %mul3A_1235 : vector<16xi32>
      %get3A_1237 = arith.constant 352 : index
      %get3A_1238 = tpu.vector_load %arg12[%get3A_1237] {strides = array<i32>} : memref<400xi32, #tpu.memory_space<vmem>>, vector<16xi32>,
      %get3A_1239 = vector.shape_cast %get3A_1238 : vector<16xi32> to vector<16xi32>
      %add3A_1240 = arith.addi %add3A_1236, %get3A_1239 : vector<16xi32>
      %swap3A_1241 = arith.constant 32 : index
      %swap3A_1242 = tpu.vector_load %arg22[%swap3A_1241] {strides = array<i32>} : memref<80xi32, #tpu.memory_space<vmem>>, vector<16xi32>,
      %swap3A_1243 = vector.shape_cast %swap3A_1242 : vector<16xi32> to vector<16xi32>
      %swap3A_1244 = vector.shape_cast %add3A_1240 : vector<16xi32> to vector<16xi32>
      tpu.vector_store %arg22[%swap3A_1241], %swap3A_1244 {strides = array<i32>} : memref<80xi32, #tpu.memory_space<vmem>>, vector<16xi32>,
      %get3A_1245 = arith.constant 368 : index
      %get3A_1246 = tpu.vector_load %arg8[%get3A_1245] {strides = array<i32>} : memref<400xi32, #tpu.memory_space<vmem>>, vector<16xi32>,
      %get3A_1247 = vector.shape_cast %get3A_1246 : vector<16xi32> to vector<16xi32>
      %mul3A_1248 = arith.constant 14 : i32
      %mul3A_1249 = vector.broadcast %mul3A_1248 : i32 to vector<16xi32>
      %mul3A_1250 = arith.muli %get3A_1247, %mul3A_1249 : vector<16xi32>
      %get3A_1251 = arith.constant 368 : index
      %get3A_1252 = tpu.vector_load %arg10[%get3A_1251] {strides = array<i32>} : memref<400xi32, #tpu.memory_space<vmem>>, vector<16xi32>,
      %get3A_1253 = vector.shape_cast %get3A_1252 : vector<16xi32> to vector<16xi32>
      %mul3A_1254 = arith.constant 2 : i32
      %mul3A_1255 = vector.broadcast %mul3A_1254 : i32 to vector<16xi32>
      %mul3A_1256 = arith.muli %get3A_1253, %mul3A_1255 : vector<16xi32>
      %add3A_1257 = arith.addi %mul3A_1250, %mul3A_1256 : vector<16xi32>
      %get3A_1258 = arith.constant 368 : index
      %get3A_1259 = tpu.vector_load %arg12[%get3A_1258] {strides = array<i32>} : memref<400xi32, #tpu.memory_space<vmem>>, vector<16xi32>,
      %get3A_1260 = vector.shape_cast %get3A_1259 : vector<16xi32> to vector<16xi32>
      %add3A_1261 = arith.addi %add3A_1257, %get3A_1260 : vector<16xi32>
      %swap3A_1262 = arith.constant 48 : index
      %swap3A_1263 = tpu.vector_load %arg22[%swap3A_1262] {strides = array<i32>} : memref<80xi32, #tpu.memory_space<vmem>>, vector<16xi32>,
      %swap3A_1264 = vector.shape_cast %swap3A_1263 : vector<16xi32> to vector<16xi32>
      %swap3A_1265 = vector.shape_cast %add3A_1261 : vector<16xi32> to vector<16xi32>
      tpu.vector_store %arg22[%swap3A_1262], %swap3A_1265 {strides = array<i32>} : memref<80xi32, #tpu.memory_space<vmem>>, vector<16xi32>,
      %get3A_1266 = arith.constant 384 : index
      %get3A_1267 = tpu.vector_load %arg8[%get3A_1266] {strides = array<i32>} : memref<400xi32, #tpu.memory_space<vmem>>, vector<16xi32>,
      %get3A_1268 = vector.shape_cast %get3A_1267 : vector<16xi32> to vector<16xi32>
      %mul3A_1269 = arith.constant 14 : i32
      %mul3A_1270 = vector.broadcast %mul3A_1269 : i32 to vector<16xi32>
      %mul3A_1271 = arith.muli %get3A_1268, %mul3A_1270 : vector<16xi32>
      %get3A_1272 = arith.constant 384 : index
      %get3A_1273 = tpu.vector_load %arg10[%get3A_1272] {strides = array<i32>} : memref<400xi32, #tpu.memory_space<vmem>>, vector<16xi32>,
      %get3A_1274 = vector.shape_cast %get3A_1273 : vector<16xi32> to vector<16xi32>
      %mul3A_1275 = arith.constant 2 : i32
      %mul3A_1276 = vector.broadcast %mul3A_1275 : i32 to vector<16xi32>
      %mul3A_1277 = arith.muli %get3A_1274, %mul3A_1276 : vector<16xi32>
      %add3A_1278 = arith.addi %mul3A_1271, %mul3A_1277 : vector<16xi32>
      %get3A_1279 = arith.constant 384 : index
      %get3A_1280 = tpu.vector_load %arg12[%get3A_1279] {strides = array<i32>} : memref<400xi32, #tpu.memory_space<vmem>>, vector<16xi32>,
      %get3A_1281 = vector.shape_cast %get3A_1280 : vector<16xi32> to vector<16xi32>
      %add3A_1282 = arith.addi %add3A_1278, %get3A_1281 : vector<16xi32>
      %swap3A_1283 = arith.constant 64 : index
      %swap3A_1284 = tpu.vector_load %arg22[%swap3A_1283] {strides = array<i32>} : memref<80xi32, #tpu.memory_space<vmem>>, vector<16xi32>,
      %swap3A_1285 = vector.shape_cast %swap3A_1284 : vector<16xi32> to vector<16xi32>
      %swap3A_1286 = vector.shape_cast %add3A_1282 : vector<16xi32> to vector<16xi32>
      tpu.vector_store %arg22[%swap3A_1283], %swap3A_1286 {strides = array<i32>} : memref<80xi32, #tpu.memory_space<vmem>>, vector<16xi32>,
      %dma_start3A_1287 = arith.constant 0 : i32
      %dma_start3A_1288 = arith.constant 0 : i32
      %dma_start3A_1289 = tpu.memref_slice %arg24[%dma_start3A_1287, %dma_start3A_1288] : memref<400x128xf32, #tpu.memory_space<vmem>> -> memref<80x128xf32, #tpu.memory_space<vmem>>
      %dma_start3A_1290 = arith.constant 0 : i32
      %dma_start3A_1291 = arith.constant 0 : i32
      %dma_start3A_1292 = tpu.memref_slice %arg25[%dma_start3A_1290, %dma_start3A_1291] : memref<328x128xf32, #tpu.memory_space<vmem_shared>> -> memref<328x128xf32, #tpu.memory_space<vmem_shared>>
      tpu.enqueue_indirect_dma source(%dma_start3A_1292 : memref<328x128xf32, #tpu.memory_space<vmem_shared>>) target(%dma_start3A_1289 : memref<80x128xf32, #tpu.memory_space<vmem>>) offsets(%arg18 : memref<80xi32, #tpu.memory_space<vmem>>) semaphore(%arg29 : memref<!tpu.dma_semaphore, #tpu.memory_space<semaphore_mem>>)
      %dma_start3A_1293 = arith.constant 80 : i32
      %dma_start3A_1294 = arith.constant 0 : i32
      %dma_start3A_1295 = tpu.memref_slice %arg24[%dma_start3A_1293, %dma_start3A_1294] : memref<400x128xf32, #tpu.memory_space<vmem>> -> memref<80x128xf32, #tpu.memory_space<vmem>>
      %dma_start3A_1296 = arith.constant 0 : i32
      %dma_start3A_1297 = arith.constant 0 : i32
      %dma_start3A_1298 = tpu.memref_slice %arg25[%dma_start3A_1296, %dma_start3A_1297] : memref<328x128xf32, #tpu.memory_space<vmem_shared>> -> memref<328x128xf32, #tpu.memory_space<vmem_shared>>
      tpu.enqueue_indirect_dma source(%dma_start3A_1298 : memref<328x128xf32, #tpu.memory_space<vmem_shared>>) target(%dma_start3A_1295 : memref<80x128xf32, #tpu.memory_space<vmem>>) offsets(%arg19 : memref<80xi32, #tpu.memory_space<vmem>>) semaphore(%arg29 : memref<!tpu.dma_semaphore, #tpu.memory_space<semaphore_mem>>)
      %dma_start3A_1299 = arith.constant 160 : i32
      %dma_start3A_1300 = arith.constant 0 : i32
      %dma_start3A_1301 = tpu.memref_slice %arg24[%dma_start3A_1299, %dma_start3A_1300] : memref<400x128xf32, #tpu.memory_space<vmem>> -> memref<80x128xf32, #tpu.memory_space<vmem>>
      %dma_start3A_1302 = arith.constant 0 : i32
      %dma_start3A_1303 = arith.constant 0 : i32
      %dma_start3A_1304 = tpu.memref_slice %arg25[%dma_start3A_1302, %dma_start3A_1303] : memref<328x128xf32, #tpu.memory_space<vmem_shared>> -> memref<328x128xf32, #tpu.memory_space<vmem_shared>>
      tpu.enqueue_indirect_dma source(%dma_start3A_1304 : memref<328x128xf32, #tpu.memory_space<vmem_shared>>) target(%dma_start3A_1301 : memref<80x128xf32, #tpu.memory_space<vmem>>) offsets(%arg20 : memref<80xi32, #tpu.memory_space<vmem>>) semaphore(%arg29 : memref<!tpu.dma_semaphore, #tpu.memory_space<semaphore_mem>>)
      %dma_start3A_1305 = arith.constant 240 : i32
      %dma_start3A_1306 = arith.constant 0 : i32
      %dma_start3A_1307 = tpu.memref_slice %arg24[%dma_start3A_1305, %dma_start3A_1306] : memref<400x128xf32, #tpu.memory_space<vmem>> -> memref<80x128xf32, #tpu.memory_space<vmem>>
      %dma_start3A_1308 = arith.constant 0 : i32
      %dma_start3A_1309 = arith.constant 0 : i32
      %dma_start3A_1310 = tpu.memref_slice %arg25[%dma_start3A_1308, %dma_start3A_1309] : memref<328x128xf32, #tpu.memory_space<vmem_shared>> -> memref<328x128xf32, #tpu.memory_space<vmem_shared>>
      tpu.enqueue_indirect_dma source(%dma_start3A_1310 : memref<328x128xf32, #tpu.memory_space<vmem_shared>>) target(%dma_start3A_1307 : memref<80x128xf32, #tpu.memory_space<vmem>>) offsets(%arg21 : memref<80xi32, #tpu.memory_space<vmem>>) semaphore(%arg29 : memref<!tpu.dma_semaphore, #tpu.memory_space<semaphore_mem>>)
      %dma_start3A_1311 = arith.constant 320 : i32
      %dma_start3A_1312 = arith.constant 0 : i32
      %dma_start3A_1313 = tpu.memref_slice %arg24[%dma_start3A_1311, %dma_start3A_1312] : memref<400x128xf32, #tpu.memory_space<vmem>> -> memref<80x128xf32, #tpu.memory_space<vmem>>
      %dma_start3A_1314 = arith.constant 0 : i32
      %dma_start3A_1315 = arith.constant 0 : i32
      %dma_start3A_1316 = tpu.memref_slice %arg25[%dma_start3A_1314, %dma_start3A_1315] : memref<328x128xf32, #tpu.memory_space<vmem_shared>> -> memref<328x128xf32, #tpu.memory_space<vmem_shared>>
      tpu.enqueue_indirect_dma source(%dma_start3A_1316 : memref<328x128xf32, #tpu.memory_space<vmem_shared>>) target(%dma_start3A_1313 : memref<80x128xf32, #tpu.memory_space<vmem>>) offsets(%arg22 : memref<80xi32, #tpu.memory_space<vmem>>) semaphore(%arg29 : memref<!tpu.dma_semaphore, #tpu.memory_space<semaphore_mem>>)
      %mul3A_1317 = arith.constant 400 : i32
      %mul3A_1318 = arith.muli %add3A_749, %mul3A_1317 : i32
      %add3A_1319 = arith.addi %mul3A_2, %mul3A_1318 : i32
      %dma_start3A_1320 = tpu.memref_slice %arg2[%add3A_1319] : memref<320000xi32, #tpu.memory_space<hbm>> -> memref<400xi32, #tpu.memory_space<hbm>>
      %dma_start3A_1321 = tpu.memref_slice %arg2[%add3A_1319] : memref<320000xi32, #tpu.memory_space<hbm>> -> memref<400xi32, #tpu.memory_space<hbm>>
      tpu.enqueue_dma source(%dma_start3A_1321 : memref<400xi32, #tpu.memory_space<hbm>>) target(%arg7 : memref<400xi32, #tpu.memory_space<vmem>>) target_semaphore(%arg26 : memref<!tpu.dma_semaphore, #tpu.memory_space<semaphore_mem>>)
      %dma_start3A_1322 = tpu.memref_slice %arg3[%add3A_1319] : memref<320000xi32, #tpu.memory_space<hbm>> -> memref<400xi32, #tpu.memory_space<hbm>>
      %dma_start3A_1323 = tpu.memref_slice %arg3[%add3A_1319] : memref<320000xi32, #tpu.memory_space<hbm>> -> memref<400xi32, #tpu.memory_space<hbm>>
      tpu.enqueue_dma source(%dma_start3A_1323 : memref<400xi32, #tpu.memory_space<hbm>>) target(%arg9 : memref<400xi32, #tpu.memory_space<vmem>>) target_semaphore(%arg26 : memref<!tpu.dma_semaphore, #tpu.memory_space<semaphore_mem>>)
      %dma_start3A_1324 = tpu.memref_slice %arg4[%add3A_1319] : memref<320000xi32, #tpu.memory_space<hbm>> -> memref<400xi32, #tpu.memory_space<hbm>>
      %dma_start3A_1325 = tpu.memref_slice %arg4[%add3A_1319] : memref<320000xi32, #tpu.memory_space<hbm>> -> memref<400xi32, #tpu.memory_space<hbm>>
      tpu.enqueue_dma source(%dma_start3A_1325 : memref<400xi32, #tpu.memory_space<hbm>>) target(%arg11 : memref<400xi32, #tpu.memory_space<vmem>>) target_semaphore(%arg26 : memref<!tpu.dma_semaphore, #tpu.memory_space<semaphore_mem>>)
      %mul3A_1326 = arith.constant 400 : i32
      %mul3A_1327 = arith.muli %add3A_747, %mul3A_1326 : i32
      %add3A_1328 = arith.addi %mul3A_2, %mul3A_1327 : i32
      %dma_wait3A_1329 = arith.constant 0 : i32
      %dma_wait3A_1330 = arith.constant 0 : i32
      %dma_wait3A_1331 = tpu.memref_slice %arg24[%dma_wait3A_1329, %dma_wait3A_1330] : memref<400x128xf32, #tpu.memory_space<vmem>> -> memref<80x128xf32, #tpu.memory_space<vmem>>
      %dma_wait3A_1332 = arith.constant 0 : i32
      %dma_wait3A_1333 = arith.constant 0 : i32
      %dma_wait3A_1334 = tpu.memref_slice %arg25[%dma_wait3A_1332, %dma_wait3A_1333] : memref<328x128xf32, #tpu.memory_space<vmem_shared>> -> memref<328x128xf32, #tpu.memory_space<vmem_shared>>
      tpu.wait_indirect_dma semaphore(%arg29 : memref<!tpu.dma_semaphore, #tpu.memory_space<semaphore_mem>>) src(%dma_wait3A_1334 : memref<328x128xf32, #tpu.memory_space<vmem_shared>>) dst(%dma_wait3A_1331 : memref<80x128xf32, #tpu.memory_space<vmem>>)
      %add3A_1335 = arith.constant 0 : i32
      %add3A_1336 = arith.addi %add3A_1328, %add3A_1335 : i32
      %dma_start3A_1337 = arith.constant 0 : i32
      %dma_start3A_1338 = arith.constant 0 : i32
      %dma_start3A_1339 = tpu.memref_slice %arg24[%dma_start3A_1337, %dma_start3A_1338] : memref<400x128xf32, #tpu.memory_space<vmem>> -> memref<80x128xf32, #tpu.memory_space<vmem>>
      %dma_start3A_1340 = arith.constant 0 : i32
      %dma_start3A_1341 = tpu.memref_slice %arg6[%add3A_1336, %dma_start3A_1340] : memref<320000x128xf32, #tpu.memory_space<hbm>> -> memref<80x128xf32, #tpu.memory_space<hbm>>
      %dma_start3A_1342 = arith.constant 0 : i32
      %dma_start3A_1343 = tpu.memref_slice %arg6[%add3A_1336, %dma_start3A_1342] : memref<320000x128xf32, #tpu.memory_space<hbm>> -> memref<80x128xf32, #tpu.memory_space<hbm>>
      %dma_start3A_1344 = arith.constant 0 : i32
      %dma_start3A_1345 = arith.constant 0 : i32
      %dma_start3A_1346 = tpu.memref_slice %arg24[%dma_start3A_1344, %dma_start3A_1345] : memref<400x128xf32, #tpu.memory_space<vmem>> -> memref<80x128xf32, #tpu.memory_space<vmem>>
      tpu.enqueue_dma source(%dma_start3A_1346 : memref<80x128xf32, #tpu.memory_space<vmem>>) target(%dma_start3A_1343 : memref<80x128xf32, #tpu.memory_space<hbm>>) target_semaphore(%arg31 : memref<!tpu.dma_semaphore, #tpu.memory_space<semaphore_mem>>)
      %dma_wait3A_1347 = arith.constant 80 : i32
      %dma_wait3A_1348 = arith.constant 0 : i32
      %dma_wait3A_1349 = tpu.memref_slice %arg24[%dma_wait3A_1347, %dma_wait3A_1348] : memref<400x128xf32, #tpu.memory_space<vmem>> -> memref<80x128xf32, #tpu.memory_space<vmem>>
      %dma_wait3A_1350 = arith.constant 0 : i32
      %dma_wait3A_1351 = arith.constant 0 : i32
      %dma_wait3A_1352 = tpu.memref_slice %arg25[%dma_wait3A_1350, %dma_wait3A_1351] : memref<328x128xf32, #tpu.memory_space<vmem_shared>> -> memref<328x128xf32, #tpu.memory_space<vmem_shared>>
      tpu.wait_indirect_dma semaphore(%arg29 : memref<!tpu.dma_semaphore, #tpu.memory_space<semaphore_mem>>) src(%dma_wait3A_1352 : memref<328x128xf32, #tpu.memory_space<vmem_shared>>) dst(%dma_wait3A_1349 : memref<80x128xf32, #tpu.memory_space<vmem>>)
      %add3A_1353 = arith.constant 80 : i32
      %add3A_1354 = arith.addi %add3A_1328, %add3A_1353 : i32
      %dma_start3A_1355 = arith.constant 80 : i32
      %dma_start3A_1356 = arith.constant 0 : i32
      %dma_start3A_1357 = tpu.memref_slice %arg24[%dma_start3A_1355, %dma_start3A_1356] : memref<400x128xf32, #tpu.memory_space<vmem>> -> memref<80x128xf32, #tpu.memory_space<vmem>>
      %dma_start3A_1358 = arith.constant 0 : i32
      %dma_start3A_1359 = tpu.memref_slice %arg6[%add3A_1354, %dma_start3A_1358] : memref<320000x128xf32, #tpu.memory_space<hbm>> -> memref<80x128xf32, #tpu.memory_space<hbm>>
      %dma_start3A_1360 = arith.constant 0 : i32
      %dma_start3A_1361 = tpu.memref_slice %arg6[%add3A_1354, %dma_start3A_1360] : memref<320000x128xf32, #tpu.memory_space<hbm>> -> memref<80x128xf32, #tpu.memory_space<hbm>>
      %dma_start3A_1362 = arith.constant 80 : i32
      %dma_start3A_1363 = arith.constant 0 : i32
      %dma_start3A_1364 = tpu.memref_slice %arg24[%dma_start3A_1362, %dma_start3A_1363] : memref<400x128xf32, #tpu.memory_space<vmem>> -> memref<80x128xf32, #tpu.memory_space<vmem>>
      tpu.enqueue_dma source(%dma_start3A_1364 : memref<80x128xf32, #tpu.memory_space<vmem>>) target(%dma_start3A_1361 : memref<80x128xf32, #tpu.memory_space<hbm>>) target_semaphore(%arg31 : memref<!tpu.dma_semaphore, #tpu.memory_space<semaphore_mem>>)
      %dma_wait3A_1365 = arith.constant 160 : i32
      %dma_wait3A_1366 = arith.constant 0 : i32
      %dma_wait3A_1367 = tpu.memref_slice %arg24[%dma_wait3A_1365, %dma_wait3A_1366] : memref<400x128xf32, #tpu.memory_space<vmem>> -> memref<80x128xf32, #tpu.memory_space<vmem>>
      %dma_wait3A_1368 = arith.constant 0 : i32
      %dma_wait3A_1369 = arith.constant 0 : i32
      %dma_wait3A_1370 = tpu.memref_slice %arg25[%dma_wait3A_1368, %dma_wait3A_1369] : memref<328x128xf32, #tpu.memory_space<vmem_shared>> -> memref<328x128xf32, #tpu.memory_space<vmem_shared>>
      tpu.wait_indirect_dma semaphore(%arg29 : memref<!tpu.dma_semaphore, #tpu.memory_space<semaphore_mem>>) src(%dma_wait3A_1370 : memref<328x128xf32, #tpu.memory_space<vmem_shared>>) dst(%dma_wait3A_1367 : memref<80x128xf32, #tpu.memory_space<vmem>>)
      %add3A_1371 = arith.constant 160 : i32
      %add3A_1372 = arith.addi %add3A_1328, %add3A_1371 : i32
      %dma_start3A_1373 = arith.constant 160 : i32
      %dma_start3A_1374 = arith.constant 0 : i32
      %dma_start3A_1375 = tpu.memref_slice %arg24[%dma_start3A_1373, %dma_start3A_1374] : memref<400x128xf32, #tpu.memory_space<vmem>> -> memref<80x128xf32, #tpu.memory_space<vmem>>
      %dma_start3A_1376 = arith.constant 0 : i32
      %dma_start3A_1377 = tpu.memref_slice %arg6[%add3A_1372, %dma_start3A_1376] : memref<320000x128xf32, #tpu.memory_space<hbm>> -> memref<80x128xf32, #tpu.memory_space<hbm>>
      %dma_start3A_1378 = arith.constant 0 : i32
      %dma_start3A_1379 = tpu.memref_slice %arg6[%add3A_1372, %dma_start3A_1378] : memref<320000x128xf32, #tpu.memory_space<hbm>> -> memref<80x128xf32, #tpu.memory_space<hbm>>
      %dma_start3A_1380 = arith.constant 160 : i32
      %dma_start3A_1381 = arith.constant 0 : i32
      %dma_start3A_1382 = tpu.memref_slice %arg24[%dma_start3A_1380, %dma_start3A_1381] : memref<400x128xf32, #tpu.memory_space<vmem>> -> memref<80x128xf32, #tpu.memory_space<vmem>>
      tpu.enqueue_dma source(%dma_start3A_1382 : memref<80x128xf32, #tpu.memory_space<vmem>>) target(%dma_start3A_1379 : memref<80x128xf32, #tpu.memory_space<hbm>>) target_semaphore(%arg31 : memref<!tpu.dma_semaphore, #tpu.memory_space<semaphore_mem>>)
      %dma_wait3A_1383 = arith.constant 240 : i32
      %dma_wait3A_1384 = arith.constant 0 : i32
      %dma_wait3A_1385 = tpu.memref_slice %arg24[%dma_wait3A_1383, %dma_wait3A_1384] : memref<400x128xf32, #tpu.memory_space<vmem>> -> memref<80x128xf32, #tpu.memory_space<vmem>>
      %dma_wait3A_1386 = arith.constant 0 : i32
      %dma_wait3A_1387 = arith.constant 0 : i32
      %dma_wait3A_1388 = tpu.memref_slice %arg25[%dma_wait3A_1386, %dma_wait3A_1387] : memref<328x128xf32, #tpu.memory_space<vmem_shared>> -> memref<328x128xf32, #tpu.memory_space<vmem_shared>>
      tpu.wait_indirect_dma semaphore(%arg29 : memref<!tpu.dma_semaphore, #tpu.memory_space<semaphore_mem>>) src(%dma_wait3A_1388 : memref<328x128xf32, #tpu.memory_space<vmem_shared>>) dst(%dma_wait3A_1385 : memref<80x128xf32, #tpu.memory_space<vmem>>)
      %add3A_1389 = arith.constant 240 : i32
      %add3A_1390 = arith.addi %add3A_1328, %add3A_1389 : i32
      %dma_start3A_1391 = arith.constant 240 : i32
      %dma_start3A_1392 = arith.constant 0 : i32
      %dma_start3A_1393 = tpu.memref_slice %arg24[%dma_start3A_1391, %dma_start3A_1392] : memref<400x128xf32, #tpu.memory_space<vmem>> -> memref<80x128xf32, #tpu.memory_space<vmem>>
      %dma_start3A_1394 = arith.constant 0 : i32
      %dma_start3A_1395 = tpu.memref_slice %arg6[%add3A_1390, %dma_start3A_1394] : memref<320000x128xf32, #tpu.memory_space<hbm>> -> memref<80x128xf32, #tpu.memory_space<hbm>>
      %dma_start3A_1396 = arith.constant 0 : i32
      %dma_start3A_1397 = tpu.memref_slice %arg6[%add3A_1390, %dma_start3A_1396] : memref<320000x128xf32, #tpu.memory_space<hbm>> -> memref<80x128xf32, #tpu.memory_space<hbm>>
      %dma_start3A_1398 = arith.constant 240 : i32
      %dma_start3A_1399 = arith.constant 0 : i32
      %dma_start3A_1400 = tpu.memref_slice %arg24[%dma_start3A_1398, %dma_start3A_1399] : memref<400x128xf32, #tpu.memory_space<vmem>> -> memref<80x128xf32, #tpu.memory_space<vmem>>
      tpu.enqueue_dma source(%dma_start3A_1400 : memref<80x128xf32, #tpu.memory_space<vmem>>) target(%dma_start3A_1397 : memref<80x128xf32, #tpu.memory_space<hbm>>) target_semaphore(%arg31 : memref<!tpu.dma_semaphore, #tpu.memory_space<semaphore_mem>>)
      %dma_wait3A_1401 = arith.constant 320 : i32
      %dma_wait3A_1402 = arith.constant 0 : i32
      %dma_wait3A_1403 = tpu.memref_slice %arg24[%dma_wait3A_1401, %dma_wait3A_1402] : memref<400x128xf32, #tpu.memory_space<vmem>> -> memref<80x128xf32, #tpu.memory_space<vmem>>
      %dma_wait3A_1404 = arith.constant 0 : i32
      %dma_wait3A_1405 = arith.constant 0 : i32
      %dma_wait3A_1406 = tpu.memref_slice %arg25[%dma_wait3A_1404, %dma_wait3A_1405] : memref<328x128xf32, #tpu.memory_space<vmem_shared>> -> memref<328x128xf32, #tpu.memory_space<vmem_shared>>
      tpu.wait_indirect_dma semaphore(%arg29 : memref<!tpu.dma_semaphore, #tpu.memory_space<semaphore_mem>>) src(%dma_wait3A_1406 : memref<328x128xf32, #tpu.memory_space<vmem_shared>>) dst(%dma_wait3A_1403 : memref<80x128xf32, #tpu.memory_space<vmem>>)
      %add3A_1407 = arith.constant 320 : i32
      %add3A_1408 = arith.addi %add3A_1328, %add3A_1407 : i32
      %dma_start3A_1409 = arith.constant 320 : i32
      %dma_start3A_1410 = arith.constant 0 : i32
      %dma_start3A_1411 = tpu.memref_slice %arg24[%dma_start3A_1409, %dma_start3A_1410] : memref<400x128xf32, #tpu.memory_space<vmem>> -> memref<80x128xf32, #tpu.memory_space<vmem>>
      %dma_start3A_1412 = arith.constant 0 : i32
      %dma_start3A_1413 = tpu.memref_slice %arg6[%add3A_1408, %dma_start3A_1412] : memref<320000x128xf32, #tpu.memory_space<hbm>> -> memref<80x128xf32, #tpu.memory_space<hbm>>
      %dma_start3A_1414 = arith.constant 0 : i32
      %dma_start3A_1415 = tpu.memref_slice %arg6[%add3A_1408, %dma_start3A_1414] : memref<320000x128xf32, #tpu.memory_space<hbm>> -> memref<80x128xf32, #tpu.memory_space<hbm>>
      %dma_start3A_1416 = arith.constant 320 : i32
      %dma_start3A_1417 = arith.constant 0 : i32
      %dma_start3A_1418 = tpu.memref_slice %arg24[%dma_start3A_1416, %dma_start3A_1417] : memref<400x128xf32, #tpu.memory_space<vmem>> -> memref<80x128xf32, #tpu.memory_space<vmem>>
      tpu.enqueue_dma source(%dma_start3A_1418 : memref<80x128xf32, #tpu.memory_space<vmem>>) target(%dma_start3A_1415 : memref<80x128xf32, #tpu.memory_space<hbm>>) target_semaphore(%arg31 : memref<!tpu.dma_semaphore, #tpu.memory_space<semaphore_mem>>)
      %dma_wait3A_1419 = arith.constant 0 : i32
      %dma_wait3A_1420 = arith.constant 0 : i32
      %dma_wait3A_1421 = tpu.memref_slice %arg23[%dma_wait3A_1419, %dma_wait3A_1420] : memref<400x128xf32, #tpu.memory_space<vmem>> -> memref<80x128xf32, #tpu.memory_space<vmem>>
      %dma_wait3A_1422 = arith.constant 0 : i32
      %dma_wait3A_1423 = tpu.memref_slice %arg6[%mul3A_2, %dma_wait3A_1422] : memref<320000x128xf32, #tpu.memory_space<hbm>> -> memref<80x128xf32, #tpu.memory_space<hbm>>
      %dma_wait3A_1424 = arith.constant 0 : i32
      %dma_wait3A_1425 = tpu.memref_slice %arg6[%mul3A_2, %dma_wait3A_1424] : memref<320000x128xf32, #tpu.memory_space<hbm>> -> memref<80x128xf32, #tpu.memory_space<hbm>>
      %dma_wait3A_1426 = arith.constant 0 : i32
      %dma_wait3A_1427 = arith.constant 0 : i32
      %dma_wait3A_1428 = tpu.memref_slice %arg23[%dma_wait3A_1426, %dma_wait3A_1427] : memref<400x128xf32, #tpu.memory_space<vmem>> -> memref<80x128xf32, #tpu.memory_space<vmem>>
      tpu.wait_dma2 semaphore(%arg30 : memref<!tpu.dma_semaphore, #tpu.memory_space<semaphore_mem>>) src(%dma_wait3A_1428 : memref<80x128xf32, #tpu.memory_space<vmem>>) dst(%dma_wait3A_1425 : memref<80x128xf32, #tpu.memory_space<hbm>>)
      %dma_wait3A_1429 = arith.constant 80 : i32
      %dma_wait3A_1430 = arith.constant 0 : i32
      %dma_wait3A_1431 = tpu.memref_slice %arg23[%dma_wait3A_1429, %dma_wait3A_1430] : memref<400x128xf32, #tpu.memory_space<vmem>> -> memref<80x128xf32, #tpu.memory_space<vmem>>
      %dma_wait3A_1432 = arith.constant 0 : i32
      %dma_wait3A_1433 = tpu.memref_slice %arg6[%mul3A_2, %dma_wait3A_1432] : memref<320000x128xf32, #tpu.memory_space<hbm>> -> memref<80x128xf32, #tpu.memory_space<hbm>>
      %dma_wait3A_1434 = arith.constant 0 : i32
      %dma_wait3A_1435 = tpu.memref_slice %arg6[%mul3A_2, %dma_wait3A_1434] : memref<320000x128xf32, #tpu.memory_space<hbm>> -> memref<80x128xf32, #tpu.memory_space<hbm>>
      %dma_wait3A_1436 = arith.constant 80 : i32
      %dma_wait3A_1437 = arith.constant 0 : i32
      %dma_wait3A_1438 = tpu.memref_slice %arg23[%dma_wait3A_1436, %dma_wait3A_1437] : memref<400x128xf32, #tpu.memory_space<vmem>> -> memref<80x128xf32, #tpu.memory_space<vmem>>
      tpu.wait_dma2 semaphore(%arg30 : memref<!tpu.dma_semaphore, #tpu.memory_space<semaphore_mem>>) src(%dma_wait3A_1438 : memref<80x128xf32, #tpu.memory_space<vmem>>) dst(%dma_wait3A_1435 : memref<80x128xf32, #tpu.memory_space<hbm>>)
      %dma_wait3A_1439 = arith.constant 160 : i32
      %dma_wait3A_1440 = arith.constant 0 : i32
      %dma_wait3A_1441 = tpu.memref_slice %arg23[%dma_wait3A_1439, %dma_wait3A_1440] : memref<400x128xf32, #tpu.memory_space<vmem>> -> memref<80x128xf32, #tpu.memory_space<vmem>>
      %dma_wait3A_1442 = arith.constant 0 : i32
      %dma_wait3A_1443 = tpu.memref_slice %arg6[%mul3A_2, %dma_wait3A_1442] : memref<320000x128xf32, #tpu.memory_space<hbm>> -> memref<80x128xf32, #tpu.memory_space<hbm>>
      %dma_wait3A_1444 = arith.constant 0 : i32
      %dma_wait3A_1445 = tpu.memref_slice %arg6[%mul3A_2, %dma_wait3A_1444] : memref<320000x128xf32, #tpu.memory_space<hbm>> -> memref<80x128xf32, #tpu.memory_space<hbm>>
      %dma_wait3A_1446 = arith.constant 160 : i32
      %dma_wait3A_1447 = arith.constant 0 : i32
      %dma_wait3A_1448 = tpu.memref_slice %arg23[%dma_wait3A_1446, %dma_wait3A_1447] : memref<400x128xf32, #tpu.memory_space<vmem>> -> memref<80x128xf32, #tpu.memory_space<vmem>>
      tpu.wait_dma2 semaphore(%arg30 : memref<!tpu.dma_semaphore, #tpu.memory_space<semaphore_mem>>) src(%dma_wait3A_1448 : memref<80x128xf32, #tpu.memory_space<vmem>>) dst(%dma_wait3A_1445 : memref<80x128xf32, #tpu.memory_space<hbm>>)
      %dma_wait3A_1449 = arith.constant 240 : i32
      %dma_wait3A_1450 = arith.constant 0 : i32
      %dma_wait3A_1451 = tpu.memref_slice %arg23[%dma_wait3A_1449, %dma_wait3A_1450] : memref<400x128xf32, #tpu.memory_space<vmem>> -> memref<80x128xf32, #tpu.memory_space<vmem>>
      %dma_wait3A_1452 = arith.constant 0 : i32
      %dma_wait3A_1453 = tpu.memref_slice %arg6[%mul3A_2, %dma_wait3A_1452] : memref<320000x128xf32, #tpu.memory_space<hbm>> -> memref<80x128xf32, #tpu.memory_space<hbm>>
      %dma_wait3A_1454 = arith.constant 0 : i32
      %dma_wait3A_1455 = tpu.memref_slice %arg6[%mul3A_2, %dma_wait3A_1454] : memref<320000x128xf32, #tpu.memory_space<hbm>> -> memref<80x128xf32, #tpu.memory_space<hbm>>
      %dma_wait3A_1456 = arith.constant 240 : i32
      %dma_wait3A_1457 = arith.constant 0 : i32
      %dma_wait3A_1458 = tpu.memref_slice %arg23[%dma_wait3A_1456, %dma_wait3A_1457] : memref<400x128xf32, #tpu.memory_space<vmem>> -> memref<80x128xf32, #tpu.memory_space<vmem>>
      tpu.wait_dma2 semaphore(%arg30 : memref<!tpu.dma_semaphore, #tpu.memory_space<semaphore_mem>>) src(%dma_wait3A_1458 : memref<80x128xf32, #tpu.memory_space<vmem>>) dst(%dma_wait3A_1455 : memref<80x128xf32, #tpu.memory_space<hbm>>)
      %dma_wait3A_1459 = arith.constant 320 : i32
      %dma_wait3A_1460 = arith.constant 0 : i32
      %dma_wait3A_1461 = tpu.memref_slice %arg23[%dma_wait3A_1459, %dma_wait3A_1460] : memref<400x128xf32, #tpu.memory_space<vmem>> -> memref<80x128xf32, #tpu.memory_space<vmem>>
      %dma_wait3A_1462 = arith.constant 0 : i32
      %dma_wait3A_1463 = tpu.memref_slice %arg6[%mul3A_2, %dma_wait3A_1462] : memref<320000x128xf32, #tpu.memory_space<hbm>> -> memref<80x128xf32, #tpu.memory_space<hbm>>
      %dma_wait3A_1464 = arith.constant 0 : i32
      %dma_wait3A_1465 = tpu.memref_slice %arg6[%mul3A_2, %dma_wait3A_1464] : memref<320000x128xf32, #tpu.memory_space<hbm>> -> memref<80x128xf32, #tpu.memory_space<hbm>>
      %dma_wait3A_1466 = arith.constant 320 : i32
      %dma_wait3A_1467 = arith.constant 0 : i32
      %dma_wait3A_1468 = tpu.memref_slice %arg23[%dma_wait3A_1466, %dma_wait3A_1467] : memref<400x128xf32, #tpu.memory_space<vmem>> -> memref<80x128xf32, #tpu.memory_space<vmem>>
      tpu.wait_dma2 semaphore(%arg30 : memref<!tpu.dma_semaphore, #tpu.memory_space<semaphore_mem>>) src(%dma_wait3A_1468 : memref<80x128xf32, #tpu.memory_space<vmem>>) dst(%dma_wait3A_1465 : memref<80x128xf32, #tpu.memory_space<hbm>>)
      %dma_wait3A_1469 = arith.constant 0 : i32
      %dma_wait3A_1470 = tpu.memref_slice %arg2[%dma_wait3A_1469] : memref<320000xi32, #tpu.memory_space<hbm>> -> memref<400xi32, #tpu.memory_space<hbm>>
      %dma_wait3A_1471 = arith.constant 0 : i32
      %dma_wait3A_1472 = tpu.memref_slice %arg2[%dma_wait3A_1471] : memref<320000xi32, #tpu.memory_space<hbm>> -> memref<400xi32, #tpu.memory_space<hbm>>
      tpu.wait_dma2 semaphore(%arg26 : memref<!tpu.dma_semaphore, #tpu.memory_space<semaphore_mem>>) src(%dma_wait3A_1472 : memref<400xi32, #tpu.memory_space<hbm>>) dst(%arg7 : memref<400xi32, #tpu.memory_space<vmem>>)
      %dma_wait3A_1473 = arith.constant 0 : i32
      %dma_wait3A_1474 = tpu.memref_slice %arg2[%dma_wait3A_1473] : memref<320000xi32, #tpu.memory_space<hbm>> -> memref<400xi32, #tpu.memory_space<hbm>>
      %dma_wait3A_1475 = arith.constant 0 : i32
      %dma_wait3A_1476 = tpu.memref_slice %arg2[%dma_wait3A_1475] : memref<320000xi32, #tpu.memory_space<hbm>> -> memref<400xi32, #tpu.memory_space<hbm>>
      tpu.wait_dma2 semaphore(%arg26 : memref<!tpu.dma_semaphore, #tpu.memory_space<semaphore_mem>>) src(%dma_wait3A_1476 : memref<400xi32, #tpu.memory_space<hbm>>) dst(%arg9 : memref<400xi32, #tpu.memory_space<vmem>>)
      %dma_wait3A_1477 = arith.constant 0 : i32
      %dma_wait3A_1478 = tpu.memref_slice %arg2[%dma_wait3A_1477] : memref<320000xi32, #tpu.memory_space<hbm>> -> memref<400xi32, #tpu.memory_space<hbm>>
      %dma_wait3A_1479 = arith.constant 0 : i32
      %dma_wait3A_1480 = tpu.memref_slice %arg2[%dma_wait3A_1479] : memref<320000xi32, #tpu.memory_space<hbm>> -> memref<400xi32, #tpu.memory_space<hbm>>
      tpu.wait_dma2 semaphore(%arg26 : memref<!tpu.dma_semaphore, #tpu.memory_space<semaphore_mem>>) src(%dma_wait3A_1480 : memref<400xi32, #tpu.memory_space<hbm>>) dst(%arg11 : memref<400xi32, #tpu.memory_space<vmem>>)
      %get3A_1481 = arith.constant 0 : index
      %get3A_1482 = tpu.vector_load %arg7[%get3A_1481] {strides = array<i32>} : memref<400xi32, #tpu.memory_space<vmem>>, vector<16xi32>,
      %get3A_1483 = vector.shape_cast %get3A_1482 : vector<16xi32> to vector<16xi32>
      %mul3A_1484 = arith.constant 14 : i32
      %mul3A_1485 = vector.broadcast %mul3A_1484 : i32 to vector<16xi32>
      %mul3A_1486 = arith.muli %get3A_1483, %mul3A_1485 : vector<16xi32>
      %get3A_1487 = arith.constant 0 : index
      %get3A_1488 = tpu.vector_load %arg9[%get3A_1487] {strides = array<i32>} : memref<400xi32, #tpu.memory_space<vmem>>, vector<16xi32>,
      %get3A_1489 = vector.shape_cast %get3A_1488 : vector<16xi32> to vector<16xi32>
      %mul3A_1490 = arith.constant 2 : i32
      %mul3A_1491 = vector.broadcast %mul3A_1490 : i32 to vector<16xi32>
      %mul3A_1492 = arith.muli %get3A_1489, %mul3A_1491 : vector<16xi32>
      %add3A_1493 = arith.addi %mul3A_1486, %mul3A_1492 : vector<16xi32>
      %get3A_1494 = arith.constant 0 : index
      %get3A_1495 = tpu.vector_load %arg11[%get3A_1494] {strides = array<i32>} : memref<400xi32, #tpu.memory_space<vmem>>, vector<16xi32>,
      %get3A_1496 = vector.shape_cast %get3A_1495 : vector<16xi32> to vector<16xi32>
      %add3A_1497 = arith.addi %add3A_1493, %get3A_1496 : vector<16xi32>
      %swap3A_1498 = arith.constant 0 : index
      %swap3A_1499 = tpu.vector_load %arg13[%swap3A_1498] {strides = array<i32>} : memref<80xi32, #tpu.memory_space<vmem>>, vector<16xi32>,
      %swap3A_1500 = vector.shape_cast %swap3A_1499 : vector<16xi32> to vector<16xi32>
      %swap3A_1501 = vector.shape_cast %add3A_1497 : vector<16xi32> to vector<16xi32>
      tpu.vector_store %arg13[%swap3A_1498], %swap3A_1501 {strides = array<i32>} : memref<80xi32, #tpu.memory_space<vmem>>, vector<16xi32>,
      %get3A_1502 = arith.constant 16 : index
      %get3A_1503 = tpu.vector_load %arg7[%get3A_1502] {strides = array<i32>} : memref<400xi32, #tpu.memory_space<vmem>>, vector<16xi32>,
      %get3A_1504 = vector.shape_cast %get3A_1503 : vector<16xi32> to vector<16xi32>
      %mul3A_1505 = arith.constant 14 : i32
      %mul3A_1506 = vector.broadcast %mul3A_1505 : i32 to vector<16xi32>
      %mul3A_1507 = arith.muli %get3A_1504, %mul3A_1506 : vector<16xi32>
      %get3A_1508 = arith.constant 16 : index
      %get3A_1509 = tpu.vector_load %arg9[%get3A_1508] {strides = array<i32>} : memref<400xi32, #tpu.memory_space<vmem>>, vector<16xi32>,
      %get3A_1510 = vector.shape_cast %get3A_1509 : vector<16xi32> to vector<16xi32>
      %mul3A_1511 = arith.constant 2 : i32
      %mul3A_1512 = vector.broadcast %mul3A_1511 : i32 to vector<16xi32>
      %mul3A_1513 = arith.muli %get3A_1510, %mul3A_1512 : vector<16xi32>
      %add3A_1514 = arith.addi %mul3A_1507, %mul3A_1513 : vector<16xi32>
      %get3A_1515 = arith.constant 16 : index
      %get3A_1516 = tpu.vector_load %arg11[%get3A_1515] {strides = array<i32>} : memref<400xi32, #tpu.memory_space<vmem>>, vector<16xi32>,
      %get3A_1517 = vector.shape_cast %get3A_1516 : vector<16xi32> to vector<16xi32>
      %add3A_1518 = arith.addi %add3A_1514, %get3A_1517 : vector<16xi32>
      %swap3A_1519 = arith.constant 16 : index
      %swap3A_1520 = tpu.vector_load %arg13[%swap3A_1519] {strides = array<i32>} : memref<80xi32, #tpu.memory_space<vmem>>, vector<16xi32>,
      %swap3A_1521 = vector.shape_cast %swap3A_1520 : vector<16xi32> to vector<16xi32>
      %swap3A_1522 = vector.shape_cast %add3A_1518 : vector<16xi32> to vector<16xi32>
      tpu.vector_store %arg13[%swap3A_1519], %swap3A_1522 {strides = array<i32>} : memref<80xi32, #tpu.memory_space<vmem>>, vector<16xi32>,
      %get3A_1523 = arith.constant 32 : index
      %get3A_1524 = tpu.vector_load %arg7[%get3A_1523] {strides = array<i32>} : memref<400xi32, #tpu.memory_space<vmem>>, vector<16xi32>,
      %get3A_1525 = vector.shape_cast %get3A_1524 : vector<16xi32> to vector<16xi32>
      %mul3A_1526 = arith.constant 14 : i32
      %mul3A_1527 = vector.broadcast %mul3A_1526 : i32 to vector<16xi32>
      %mul3A_1528 = arith.muli %get3A_1525, %mul3A_1527 : vector<16xi32>
      %get3A_1529 = arith.constant 32 : index
      %get3A_1530 = tpu.vector_load %arg9[%get3A_1529] {strides = array<i32>} : memref<400xi32, #tpu.memory_space<vmem>>, vector<16xi32>,
      %get3A_1531 = vector.shape_cast %get3A_1530 : vector<16xi32> to vector<16xi32>
      %mul3A_1532 = arith.constant 2 : i32
      %mul3A_1533 = vector.broadcast %mul3A_1532 : i32 to vector<16xi32>
      %mul3A_1534 = arith.muli %get3A_1531, %mul3A_1533 : vector<16xi32>
      %add3A_1535 = arith.addi %mul3A_1528, %mul3A_1534 : vector<16xi32>
      %get3A_1536 = arith.constant 32 : index
      %get3A_1537 = tpu.vector_load %arg11[%get3A_1536] {strides = array<i32>} : memref<400xi32, #tpu.memory_space<vmem>>, vector<16xi32>,
      %get3A_1538 = vector.shape_cast %get3A_1537 : vector<16xi32> to vector<16xi32>
      %add3A_1539 = arith.addi %add3A_1535, %get3A_1538 : vector<16xi32>
      %swap3A_1540 = arith.constant 32 : index
      %swap3A_1541 = tpu.vector_load %arg13[%swap3A_1540] {strides = array<i32>} : memref<80xi32, #tpu.memory_space<vmem>>, vector<16xi32>,
      %swap3A_1542 = vector.shape_cast %swap3A_1541 : vector<16xi32> to vector<16xi32>
      %swap3A_1543 = vector.shape_cast %add3A_1539 : vector<16xi32> to vector<16xi32>
      tpu.vector_store %arg13[%swap3A_1540], %swap3A_1543 {strides = array<i32>} : memref<80xi32, #tpu.memory_space<vmem>>, vector<16xi32>,
      %get3A_1544 = arith.constant 48 : index
      %get3A_1545 = tpu.vector_load %arg7[%get3A_1544] {strides = array<i32>} : memref<400xi32, #tpu.memory_space<vmem>>, vector<16xi32>,
      %get3A_1546 = vector.shape_cast %get3A_1545 : vector<16xi32> to vector<16xi32>
      %mul3A_1547 = arith.constant 14 : i32
      %mul3A_1548 = vector.broadcast %mul3A_1547 : i32 to vector<16xi32>
      %mul3A_1549 = arith.muli %get3A_1546, %mul3A_1548 : vector<16xi32>
      %get3A_1550 = arith.constant 48 : index
      %get3A_1551 = tpu.vector_load %arg9[%get3A_1550] {strides = array<i32>} : memref<400xi32, #tpu.memory_space<vmem>>, vector<16xi32>,
      %get3A_1552 = vector.shape_cast %get3A_1551 : vector<16xi32> to vector<16xi32>
      %mul3A_1553 = arith.constant 2 : i32
      %mul3A_1554 = vector.broadcast %mul3A_1553 : i32 to vector<16xi32>
      %mul3A_1555 = arith.muli %get3A_1552, %mul3A_1554 : vector<16xi32>
      %add3A_1556 = arith.addi %mul3A_1549, %mul3A_1555 : vector<16xi32>
      %get3A_1557 = arith.constant 48 : index
      %get3A_1558 = tpu.vector_load %arg11[%get3A_1557] {strides = array<i32>} : memref<400xi32, #tpu.memory_space<vmem>>, vector<16xi32>,
      %get3A_1559 = vector.shape_cast %get3A_1558 : vector<16xi32> to vector<16xi32>
      %add3A_1560 = arith.addi %add3A_1556, %get3A_1559 : vector<16xi32>
      %swap3A_1561 = arith.constant 48 : index
      %swap3A_1562 = tpu.vector_load %arg13[%swap3A_1561] {strides = array<i32>} : memref<80xi32, #tpu.memory_space<vmem>>, vector<16xi32>,
      %swap3A_1563 = vector.shape_cast %swap3A_1562 : vector<16xi32> to vector<16xi32>
      %swap3A_1564 = vector.shape_cast %add3A_1560 : vector<16xi32> to vector<16xi32>
      tpu.vector_store %arg13[%swap3A_1561], %swap3A_1564 {strides = array<i32>} : memref<80xi32, #tpu.memory_space<vmem>>, vector<16xi32>,
      %get3A_1565 = arith.constant 64 : index
      %get3A_1566 = tpu.vector_load %arg7[%get3A_1565] {strides = array<i32>} : memref<400xi32, #tpu.memory_space<vmem>>, vector<16xi32>,
      %get3A_1567 = vector.shape_cast %get3A_1566 : vector<16xi32> to vector<16xi32>
      %mul3A_1568 = arith.constant 14 : i32
      %mul3A_1569 = vector.broadcast %mul3A_1568 : i32 to vector<16xi32>
      %mul3A_1570 = arith.muli %get3A_1567, %mul3A_1569 : vector<16xi32>
      %get3A_1571 = arith.constant 64 : index
      %get3A_1572 = tpu.vector_load %arg9[%get3A_1571] {strides = array<i32>} : memref<400xi32, #tpu.memory_space<vmem>>, vector<16xi32>,
      %get3A_1573 = vector.shape_cast %get3A_1572 : vector<16xi32> to vector<16xi32>
      %mul3A_1574 = arith.constant 2 : i32
      %mul3A_1575 = vector.broadcast %mul3A_1574 : i32 to vector<16xi32>
      %mul3A_1576 = arith.muli %get3A_1573, %mul3A_1575 : vector<16xi32>
      %add3A_1577 = arith.addi %mul3A_1570, %mul3A_1576 : vector<16xi32>
      %get3A_1578 = arith.constant 64 : index
      %get3A_1579 = tpu.vector_load %arg11[%get3A_1578] {strides = array<i32>} : memref<400xi32, #tpu.memory_space<vmem>>, vector<16xi32>,
      %get3A_1580 = vector.shape_cast %get3A_1579 : vector<16xi32> to vector<16xi32>
      %add3A_1581 = arith.addi %add3A_1577, %get3A_1580 : vector<16xi32>
      %swap3A_1582 = arith.constant 64 : index
      %swap3A_1583 = tpu.vector_load %arg13[%swap3A_1582] {strides = array<i32>} : memref<80xi32, #tpu.memory_space<vmem>>, vector<16xi32>,
      %swap3A_1584 = vector.shape_cast %swap3A_1583 : vector<16xi32> to vector<16xi32>
      %swap3A_1585 = vector.shape_cast %add3A_1581 : vector<16xi32> to vector<16xi32>
      tpu.vector_store %arg13[%swap3A_1582], %swap3A_1585 {strides = array<i32>} : memref<80xi32, #tpu.memory_space<vmem>>, vector<16xi32>,
      %get3A_1586 = arith.constant 80 : index
      %get3A_1587 = tpu.vector_load %arg7[%get3A_1586] {strides = array<i32>} : memref<400xi32, #tpu.memory_space<vmem>>, vector<16xi32>,
      %get3A_1588 = vector.shape_cast %get3A_1587 : vector<16xi32> to vector<16xi32>
      %mul3A_1589 = arith.constant 14 : i32
      %mul3A_1590 = vector.broadcast %mul3A_1589 : i32 to vector<16xi32>
      %mul3A_1591 = arith.muli %get3A_1588, %mul3A_1590 : vector<16xi32>
      %get3A_1592 = arith.constant 80 : index
      %get3A_1593 = tpu.vector_load %arg9[%get3A_1592] {strides = array<i32>} : memref<400xi32, #tpu.memory_space<vmem>>, vector<16xi32>,
      %get3A_1594 = vector.shape_cast %get3A_1593 : vector<16xi32> to vector<16xi32>
      %mul3A_1595 = arith.constant 2 : i32
      %mul3A_1596 = vector.broadcast %mul3A_1595 : i32 to vector<16xi32>
      %mul3A_1597 = arith.muli %get3A_1594, %mul3A_1596 : vector<16xi32>
      %add3A_1598 = arith.addi %mul3A_1591, %mul3A_1597 : vector<16xi32>
      %get3A_1599 = arith.constant 80 : index
      %get3A_1600 = tpu.vector_load %arg11[%get3A_1599] {strides = array<i32>} : memref<400xi32, #tpu.memory_space<vmem>>, vector<16xi32>,
      %get3A_1601 = vector.shape_cast %get3A_1600 : vector<16xi32> to vector<16xi32>
      %add3A_1602 = arith.addi %add3A_1598, %get3A_1601 : vector<16xi32>
      %swap3A_1603 = arith.constant 0 : index
      %swap3A_1604 = tpu.vector_load %arg14[%swap3A_1603] {strides = array<i32>} : memref<80xi32, #tpu.memory_space<vmem>>, vector<16xi32>,
      %swap3A_1605 = vector.shape_cast %swap3A_1604 : vector<16xi32> to vector<16xi32>
      %swap3A_1606 = vector.shape_cast %add3A_1602 : vector<16xi32> to vector<16xi32>
      tpu.vector_store %arg14[%swap3A_1603], %swap3A_1606 {strides = array<i32>} : memref<80xi32, #tpu.memory_space<vmem>>, vector<16xi32>,
      %get3A_1607 = arith.constant 96 : index
      %get3A_1608 = tpu.vector_load %arg7[%get3A_1607] {strides = array<i32>} : memref<400xi32, #tpu.memory_space<vmem>>, vector<16xi32>,
      %get3A_1609 = vector.shape_cast %get3A_1608 : vector<16xi32> to vector<16xi32>
      %mul3A_1610 = arith.constant 14 : i32
      %mul3A_1611 = vector.broadcast %mul3A_1610 : i32 to vector<16xi32>
      %mul3A_1612 = arith.muli %get3A_1609, %mul3A_1611 : vector<16xi32>
      %get3A_1613 = arith.constant 96 : index
      %get3A_1614 = tpu.vector_load %arg9[%get3A_1613] {strides = array<i32>} : memref<400xi32, #tpu.memory_space<vmem>>, vector<16xi32>,
      %get3A_1615 = vector.shape_cast %get3A_1614 : vector<16xi32> to vector<16xi32>
      %mul3A_1616 = arith.constant 2 : i32
      %mul3A_1617 = vector.broadcast %mul3A_1616 : i32 to vector<16xi32>
      %mul3A_1618 = arith.muli %get3A_1615, %mul3A_1617 : vector<16xi32>
      %add3A_1619 = arith.addi %mul3A_1612, %mul3A_1618 : vector<16xi32>
      %get3A_1620 = arith.constant 96 : index
      %get3A_1621 = tpu.vector_load %arg11[%get3A_1620] {strides = array<i32>} : memref<400xi32, #tpu.memory_space<vmem>>, vector<16xi32>,
      %get3A_1622 = vector.shape_cast %get3A_1621 : vector<16xi32> to vector<16xi32>
      %add3A_1623 = arith.addi %add3A_1619, %get3A_1622 : vector<16xi32>
      %swap3A_1624 = arith.constant 16 : index
      %swap3A_1625 = tpu.vector_load %arg14[%swap3A_1624] {strides = array<i32>} : memref<80xi32, #tpu.memory_space<vmem>>, vector<16xi32>,
      %swap3A_1626 = vector.shape_cast %swap3A_1625 : vector<16xi32> to vector<16xi32>
      %swap3A_1627 = vector.shape_cast %add3A_1623 : vector<16xi32> to vector<16xi32>
      tpu.vector_store %arg14[%swap3A_1624], %swap3A_1627 {strides = array<i32>} : memref<80xi32, #tpu.memory_space<vmem>>, vector<16xi32>,
      %get3A_1628 = arith.constant 112 : index
      %get3A_1629 = tpu.vector_load %arg7[%get3A_1628] {strides = array<i32>} : memref<400xi32, #tpu.memory_space<vmem>>, vector<16xi32>,
      %get3A_1630 = vector.shape_cast %get3A_1629 : vector<16xi32> to vector<16xi32>
      %mul3A_1631 = arith.constant 14 : i32
      %mul3A_1632 = vector.broadcast %mul3A_1631 : i32 to vector<16xi32>
      %mul3A_1633 = arith.muli %get3A_1630, %mul3A_1632 : vector<16xi32>
      %get3A_1634 = arith.constant 112 : index
      %get3A_1635 = tpu.vector_load %arg9[%get3A_1634] {strides = array<i32>} : memref<400xi32, #tpu.memory_space<vmem>>, vector<16xi32>,
      %get3A_1636 = vector.shape_cast %get3A_1635 : vector<16xi32> to vector<16xi32>
      %mul3A_1637 = arith.constant 2 : i32
      %mul3A_1638 = vector.broadcast %mul3A_1637 : i32 to vector<16xi32>
      %mul3A_1639 = arith.muli %get3A_1636, %mul3A_1638 : vector<16xi32>
      %add3A_1640 = arith.addi %mul3A_1633, %mul3A_1639 : vector<16xi32>
      %get3A_1641 = arith.constant 112 : index
      %get3A_1642 = tpu.vector_load %arg11[%get3A_1641] {strides = array<i32>} : memref<400xi32, #tpu.memory_space<vmem>>, vector<16xi32>,
      %get3A_1643 = vector.shape_cast %get3A_1642 : vector<16xi32> to vector<16xi32>
      %add3A_1644 = arith.addi %add3A_1640, %get3A_1643 : vector<16xi32>
      %swap3A_1645 = arith.constant 32 : index
      %swap3A_1646 = tpu.vector_load %arg14[%swap3A_1645] {strides = array<i32>} : memref<80xi32, #tpu.memory_space<vmem>>, vector<16xi32>,
      %swap3A_1647 = vector.shape_cast %swap3A_1646 : vector<16xi32> to vector<16xi32>
      %swap3A_1648 = vector.shape_cast %add3A_1644 : vector<16xi32> to vector<16xi32>
      tpu.vector_store %arg14[%swap3A_1645], %swap3A_1648 {strides = array<i32>} : memref<80xi32, #tpu.memory_space<vmem>>, vector<16xi32>,
      %get3A_1649 = arith.constant 128 : index
      %get3A_1650 = tpu.vector_load %arg7[%get3A_1649] {strides = array<i32>} : memref<400xi32, #tpu.memory_space<vmem>>, vector<16xi32>,
      %get3A_1651 = vector.shape_cast %get3A_1650 : vector<16xi32> to vector<16xi32>
      %mul3A_1652 = arith.constant 14 : i32
      %mul3A_1653 = vector.broadcast %mul3A_1652 : i32 to vector<16xi32>
      %mul3A_1654 = arith.muli %get3A_1651, %mul3A_1653 : vector<16xi32>
      %get3A_1655 = arith.constant 128 : index
      %get3A_1656 = tpu.vector_load %arg9[%get3A_1655] {strides = array<i32>} : memref<400xi32, #tpu.memory_space<vmem>>, vector<16xi32>,
      %get3A_1657 = vector.shape_cast %get3A_1656 : vector<16xi32> to vector<16xi32>
      %mul3A_1658 = arith.constant 2 : i32
      %mul3A_1659 = vector.broadcast %mul3A_1658 : i32 to vector<16xi32>
      %mul3A_1660 = arith.muli %get3A_1657, %mul3A_1659 : vector<16xi32>
      %add3A_1661 = arith.addi %mul3A_1654, %mul3A_1660 : vector<16xi32>
      %get3A_1662 = arith.constant 128 : index
      %get3A_1663 = tpu.vector_load %arg11[%get3A_1662] {strides = array<i32>} : memref<400xi32, #tpu.memory_space<vmem>>, vector<16xi32>,
      %get3A_1664 = vector.shape_cast %get3A_1663 : vector<16xi32> to vector<16xi32>
      %add3A_1665 = arith.addi %add3A_1661, %get3A_1664 : vector<16xi32>
      %swap3A_1666 = arith.constant 48 : index
      %swap3A_1667 = tpu.vector_load %arg14[%swap3A_1666] {strides = array<i32>} : memref<80xi32, #tpu.memory_space<vmem>>, vector<16xi32>,
      %swap3A_1668 = vector.shape_cast %swap3A_1667 : vector<16xi32> to vector<16xi32>
      %swap3A_1669 = vector.shape_cast %add3A_1665 : vector<16xi32> to vector<16xi32>
      tpu.vector_store %arg14[%swap3A_1666], %swap3A_1669 {strides = array<i32>} : memref<80xi32, #tpu.memory_space<vmem>>, vector<16xi32>,
      %get3A_1670 = arith.constant 144 : index
      %get3A_1671 = tpu.vector_load %arg7[%get3A_1670] {strides = array<i32>} : memref<400xi32, #tpu.memory_space<vmem>>, vector<16xi32>,
      %get3A_1672 = vector.shape_cast %get3A_1671 : vector<16xi32> to vector<16xi32>
      %mul3A_1673 = arith.constant 14 : i32
      %mul3A_1674 = vector.broadcast %mul3A_1673 : i32 to vector<16xi32>
      %mul3A_1675 = arith.muli %get3A_1672, %mul3A_1674 : vector<16xi32>
      %get3A_1676 = arith.constant 144 : index
      %get3A_1677 = tpu.vector_load %arg9[%get3A_1676] {strides = array<i32>} : memref<400xi32, #tpu.memory_space<vmem>>, vector<16xi32>,
      %get3A_1678 = vector.shape_cast %get3A_1677 : vector<16xi32> to vector<16xi32>
      %mul3A_1679 = arith.constant 2 : i32
      %mul3A_1680 = vector.broadcast %mul3A_1679 : i32 to vector<16xi32>
      %mul3A_1681 = arith.muli %get3A_1678, %mul3A_1680 : vector<16xi32>
      %add3A_1682 = arith.addi %mul3A_1675, %mul3A_1681 : vector<16xi32>
      %get3A_1683 = arith.constant 144 : index
      %get3A_1684 = tpu.vector_load %arg11[%get3A_1683] {strides = array<i32>} : memref<400xi32, #tpu.memory_space<vmem>>, vector<16xi32>,
      %get3A_1685 = vector.shape_cast %get3A_1684 : vector<16xi32> to vector<16xi32>
      %add3A_1686 = arith.addi %add3A_1682, %get3A_1685 : vector<16xi32>
      %swap3A_1687 = arith.constant 64 : index
      %swap3A_1688 = tpu.vector_load %arg14[%swap3A_1687] {strides = array<i32>} : memref<80xi32, #tpu.memory_space<vmem>>, vector<16xi32>,
      %swap3A_1689 = vector.shape_cast %swap3A_1688 : vector<16xi32> to vector<16xi32>
      %swap3A_1690 = vector.shape_cast %add3A_1686 : vector<16xi32> to vector<16xi32>
      tpu.vector_store %arg14[%swap3A_1687], %swap3A_1690 {strides = array<i32>} : memref<80xi32, #tpu.memory_space<vmem>>, vector<16xi32>,
      %get3A_1691 = arith.constant 160 : index
      %get3A_1692 = tpu.vector_load %arg7[%get3A_1691] {strides = array<i32>} : memref<400xi32, #tpu.memory_space<vmem>>, vector<16xi32>,
      %get3A_1693 = vector.shape_cast %get3A_1692 : vector<16xi32> to vector<16xi32>
      %mul3A_1694 = arith.constant 14 : i32
      %mul3A_1695 = vector.broadcast %mul3A_1694 : i32 to vector<16xi32>
      %mul3A_1696 = arith.muli %get3A_1693, %mul3A_1695 : vector<16xi32>
      %get3A_1697 = arith.constant 160 : index
      %get3A_1698 = tpu.vector_load %arg9[%get3A_1697] {strides = array<i32>} : memref<400xi32, #tpu.memory_space<vmem>>, vector<16xi32>,
      %get3A_1699 = vector.shape_cast %get3A_1698 : vector<16xi32> to vector<16xi32>
      %mul3A_1700 = arith.constant 2 : i32
      %mul3A_1701 = vector.broadcast %mul3A_1700 : i32 to vector<16xi32>
      %mul3A_1702 = arith.muli %get3A_1699, %mul3A_1701 : vector<16xi32>
      %add3A_1703 = arith.addi %mul3A_1696, %mul3A_1702 : vector<16xi32>
      %get3A_1704 = arith.constant 160 : index
      %get3A_1705 = tpu.vector_load %arg11[%get3A_1704] {strides = array<i32>} : memref<400xi32, #tpu.memory_space<vmem>>, vector<16xi32>,
      %get3A_1706 = vector.shape_cast %get3A_1705 : vector<16xi32> to vector<16xi32>
      %add3A_1707 = arith.addi %add3A_1703, %get3A_1706 : vector<16xi32>
      %swap3A_1708 = arith.constant 0 : index
      %swap3A_1709 = tpu.vector_load %arg15[%swap3A_1708] {strides = array<i32>} : memref<80xi32, #tpu.memory_space<vmem>>, vector<16xi32>,
      %swap3A_1710 = vector.shape_cast %swap3A_1709 : vector<16xi32> to vector<16xi32>
      %swap3A_1711 = vector.shape_cast %add3A_1707 : vector<16xi32> to vector<16xi32>
      tpu.vector_store %arg15[%swap3A_1708], %swap3A_1711 {strides = array<i32>} : memref<80xi32, #tpu.memory_space<vmem>>, vector<16xi32>,
      %get3A_1712 = arith.constant 176 : index
      %get3A_1713 = tpu.vector_load %arg7[%get3A_1712] {strides = array<i32>} : memref<400xi32, #tpu.memory_space<vmem>>, vector<16xi32>,
      %get3A_1714 = vector.shape_cast %get3A_1713 : vector<16xi32> to vector<16xi32>
      %mul3A_1715 = arith.constant 14 : i32
      %mul3A_1716 = vector.broadcast %mul3A_1715 : i32 to vector<16xi32>
      %mul3A_1717 = arith.muli %get3A_1714, %mul3A_1716 : vector<16xi32>
      %get3A_1718 = arith.constant 176 : index
      %get3A_1719 = tpu.vector_load %arg9[%get3A_1718] {strides = array<i32>} : memref<400xi32, #tpu.memory_space<vmem>>, vector<16xi32>,
      %get3A_1720 = vector.shape_cast %get3A_1719 : vector<16xi32> to vector<16xi32>
      %mul3A_1721 = arith.constant 2 : i32
      %mul3A_1722 = vector.broadcast %mul3A_1721 : i32 to vector<16xi32>
      %mul3A_1723 = arith.muli %get3A_1720, %mul3A_1722 : vector<16xi32>
      %add3A_1724 = arith.addi %mul3A_1717, %mul3A_1723 : vector<16xi32>
      %get3A_1725 = arith.constant 176 : index
      %get3A_1726 = tpu.vector_load %arg11[%get3A_1725] {strides = array<i32>} : memref<400xi32, #tpu.memory_space<vmem>>, vector<16xi32>,
      %get3A_1727 = vector.shape_cast %get3A_1726 : vector<16xi32> to vector<16xi32>
      %add3A_1728 = arith.addi %add3A_1724, %get3A_1727 : vector<16xi32>
      %swap3A_1729 = arith.constant 16 : index
      %swap3A_1730 = tpu.vector_load %arg15[%swap3A_1729] {strides = array<i32>} : memref<80xi32, #tpu.memory_space<vmem>>, vector<16xi32>,
      %swap3A_1731 = vector.shape_cast %swap3A_1730 : vector<16xi32> to vector<16xi32>
      %swap3A_1732 = vector.shape_cast %add3A_1728 : vector<16xi32> to vector<16xi32>
      tpu.vector_store %arg15[%swap3A_1729], %swap3A_1732 {strides = array<i32>} : memref<80xi32, #tpu.memory_space<vmem>>, vector<16xi32>,
      %get3A_1733 = arith.constant 192 : index
      %get3A_1734 = tpu.vector_load %arg7[%get3A_1733] {strides = array<i32>} : memref<400xi32, #tpu.memory_space<vmem>>, vector<16xi32>,
      %get3A_1735 = vector.shape_cast %get3A_1734 : vector<16xi32> to vector<16xi32>
      %mul3A_1736 = arith.constant 14 : i32
      %mul3A_1737 = vector.broadcast %mul3A_1736 : i32 to vector<16xi32>
      %mul3A_1738 = arith.muli %get3A_1735, %mul3A_1737 : vector<16xi32>
      %get3A_1739 = arith.constant 192 : index
      %get3A_1740 = tpu.vector_load %arg9[%get3A_1739] {strides = array<i32>} : memref<400xi32, #tpu.memory_space<vmem>>, vector<16xi32>,
      %get3A_1741 = vector.shape_cast %get3A_1740 : vector<16xi32> to vector<16xi32>
      %mul3A_1742 = arith.constant 2 : i32
      %mul3A_1743 = vector.broadcast %mul3A_1742 : i32 to vector<16xi32>
      %mul3A_1744 = arith.muli %get3A_1741, %mul3A_1743 : vector<16xi32>
      %add3A_1745 = arith.addi %mul3A_1738, %mul3A_1744 : vector<16xi32>
      %get3A_1746 = arith.constant 192 : index
      %get3A_1747 = tpu.vector_load %arg11[%get3A_1746] {strides = array<i32>} : memref<400xi32, #tpu.memory_space<vmem>>, vector<16xi32>,
      %get3A_1748 = vector.shape_cast %get3A_1747 : vector<16xi32> to vector<16xi32>
      %add3A_1749 = arith.addi %add3A_1745, %get3A_1748 : vector<16xi32>
      %swap3A_1750 = arith.constant 32 : index
      %swap3A_1751 = tpu.vector_load %arg15[%swap3A_1750] {strides = array<i32>} : memref<80xi32, #tpu.memory_space<vmem>>, vector<16xi32>,
      %swap3A_1752 = vector.shape_cast %swap3A_1751 : vector<16xi32> to vector<16xi32>
      %swap3A_1753 = vector.shape_cast %add3A_1749 : vector<16xi32> to vector<16xi32>
      tpu.vector_store %arg15[%swap3A_1750], %swap3A_1753 {strides = array<i32>} : memref<80xi32, #tpu.memory_space<vmem>>, vector<16xi32>,
      %get3A_1754 = arith.constant 208 : index
      %get3A_1755 = tpu.vector_load %arg7[%get3A_1754] {strides = array<i32>} : memref<400xi32, #tpu.memory_space<vmem>>, vector<16xi32>,
      %get3A_1756 = vector.shape_cast %get3A_1755 : vector<16xi32> to vector<16xi32>
      %mul3A_1757 = arith.constant 14 : i32
      %mul3A_1758 = vector.broadcast %mul3A_1757 : i32 to vector<16xi32>
      %mul3A_1759 = arith.muli %get3A_1756, %mul3A_1758 : vector<16xi32>
      %get3A_1760 = arith.constant 208 : index
      %get3A_1761 = tpu.vector_load %arg9[%get3A_1760] {strides = array<i32>} : memref<400xi32, #tpu.memory_space<vmem>>, vector<16xi32>,
      %get3A_1762 = vector.shape_cast %get3A_1761 : vector<16xi32> to vector<16xi32>
      %mul3A_1763 = arith.constant 2 : i32
      %mul3A_1764 = vector.broadcast %mul3A_1763 : i32 to vector<16xi32>
      %mul3A_1765 = arith.muli %get3A_1762, %mul3A_1764 : vector<16xi32>
      %add3A_1766 = arith.addi %mul3A_1759, %mul3A_1765 : vector<16xi32>
      %get3A_1767 = arith.constant 208 : index
      %get3A_1768 = tpu.vector_load %arg11[%get3A_1767] {strides = array<i32>} : memref<400xi32, #tpu.memory_space<vmem>>, vector<16xi32>,
      %get3A_1769 = vector.shape_cast %get3A_1768 : vector<16xi32> to vector<16xi32>
      %add3A_1770 = arith.addi %add3A_1766, %get3A_1769 : vector<16xi32>
      %swap3A_1771 = arith.constant 48 : index
      %swap3A_1772 = tpu.vector_load %arg15[%swap3A_1771] {strides = array<i32>} : memref<80xi32, #tpu.memory_space<vmem>>, vector<16xi32>,
      %swap3A_1773 = vector.shape_cast %swap3A_1772 : vector<16xi32> to vector<16xi32>
      %swap3A_1774 = vector.shape_cast %add3A_1770 : vector<16xi32> to vector<16xi32>
      tpu.vector_store %arg15[%swap3A_1771], %swap3A_1774 {strides = array<i32>} : memref<80xi32, #tpu.memory_space<vmem>>, vector<16xi32>,
      %get3A_1775 = arith.constant 224 : index
      %get3A_1776 = tpu.vector_load %arg7[%get3A_1775] {strides = array<i32>} : memref<400xi32, #tpu.memory_space<vmem>>, vector<16xi32>,
      %get3A_1777 = vector.shape_cast %get3A_1776 : vector<16xi32> to vector<16xi32>
      %mul3A_1778 = arith.constant 14 : i32
      %mul3A_1779 = vector.broadcast %mul3A_1778 : i32 to vector<16xi32>
      %mul3A_1780 = arith.muli %get3A_1777, %mul3A_1779 : vector<16xi32>
      %get3A_1781 = arith.constant 224 : index
      %get3A_1782 = tpu.vector_load %arg9[%get3A_1781] {strides = array<i32>} : memref<400xi32, #tpu.memory_space<vmem>>, vector<16xi32>,
      %get3A_1783 = vector.shape_cast %get3A_1782 : vector<16xi32> to vector<16xi32>
      %mul3A_1784 = arith.constant 2 : i32
      %mul3A_1785 = vector.broadcast %mul3A_1784 : i32 to vector<16xi32>
      %mul3A_1786 = arith.muli %get3A_1783, %mul3A_1785 : vector<16xi32>
      %add3A_1787 = arith.addi %mul3A_1780, %mul3A_1786 : vector<16xi32>
      %get3A_1788 = arith.constant 224 : index
      %get3A_1789 = tpu.vector_load %arg11[%get3A_1788] {strides = array<i32>} : memref<400xi32, #tpu.memory_space<vmem>>, vector<16xi32>,
      %get3A_1790 = vector.shape_cast %get3A_1789 : vector<16xi32> to vector<16xi32>
      %add3A_1791 = arith.addi %add3A_1787, %get3A_1790 : vector<16xi32>
      %swap3A_1792 = arith.constant 64 : index
      %swap3A_1793 = tpu.vector_load %arg15[%swap3A_1792] {strides = array<i32>} : memref<80xi32, #tpu.memory_space<vmem>>, vector<16xi32>,
      %swap3A_1794 = vector.shape_cast %swap3A_1793 : vector<16xi32> to vector<16xi32>
      %swap3A_1795 = vector.shape_cast %add3A_1791 : vector<16xi32> to vector<16xi32>
      tpu.vector_store %arg15[%swap3A_1792], %swap3A_1795 {strides = array<i32>} : memref<80xi32, #tpu.memory_space<vmem>>, vector<16xi32>,
      %get3A_1796 = arith.constant 240 : index
      %get3A_1797 = tpu.vector_load %arg7[%get3A_1796] {strides = array<i32>} : memref<400xi32, #tpu.memory_space<vmem>>, vector<16xi32>,
      %get3A_1798 = vector.shape_cast %get3A_1797 : vector<16xi32> to vector<16xi32>
      %mul3A_1799 = arith.constant 14 : i32
      %mul3A_1800 = vector.broadcast %mul3A_1799 : i32 to vector<16xi32>
      %mul3A_1801 = arith.muli %get3A_1798, %mul3A_1800 : vector<16xi32>
      %get3A_1802 = arith.constant 240 : index
      %get3A_1803 = tpu.vector_load %arg9[%get3A_1802] {strides = array<i32>} : memref<400xi32, #tpu.memory_space<vmem>>, vector<16xi32>,
      %get3A_1804 = vector.shape_cast %get3A_1803 : vector<16xi32> to vector<16xi32>
      %mul3A_1805 = arith.constant 2 : i32
      %mul3A_1806 = vector.broadcast %mul3A_1805 : i32 to vector<16xi32>
      %mul3A_1807 = arith.muli %get3A_1804, %mul3A_1806 : vector<16xi32>
      %add3A_1808 = arith.addi %mul3A_1801, %mul3A_1807 : vector<16xi32>
      %get3A_1809 = arith.constant 240 : index
      %get3A_1810 = tpu.vector_load %arg11[%get3A_1809] {strides = array<i32>} : memref<400xi32, #tpu.memory_space<vmem>>, vector<16xi32>,
      %get3A_1811 = vector.shape_cast %get3A_1810 : vector<16xi32> to vector<16xi32>
      %add3A_1812 = arith.addi %add3A_1808, %get3A_1811 : vector<16xi32>
      %swap3A_1813 = arith.constant 0 : index
      %swap3A_1814 = tpu.vector_load %arg16[%swap3A_1813] {strides = array<i32>} : memref<80xi32, #tpu.memory_space<vmem>>, vector<16xi32>,
      %swap3A_1815 = vector.shape_cast %swap3A_1814 : vector<16xi32> to vector<16xi32>
      %swap3A_1816 = vector.shape_cast %add3A_1812 : vector<16xi32> to vector<16xi32>
      tpu.vector_store %arg16[%swap3A_1813], %swap3A_1816 {strides = array<i32>} : memref<80xi32, #tpu.memory_space<vmem>>, vector<16xi32>,
      %get3A_1817 = arith.constant 256 : index
      %get3A_1818 = tpu.vector_load %arg7[%get3A_1817] {strides = array<i32>} : memref<400xi32, #tpu.memory_space<vmem>>, vector<16xi32>,
      %get3A_1819 = vector.shape_cast %get3A_1818 : vector<16xi32> to vector<16xi32>
      %mul3A_1820 = arith.constant 14 : i32
      %mul3A_1821 = vector.broadcast %mul3A_1820 : i32 to vector<16xi32>
      %mul3A_1822 = arith.muli %get3A_1819, %mul3A_1821 : vector<16xi32>
      %get3A_1823 = arith.constant 256 : index
      %get3A_1824 = tpu.vector_load %arg9[%get3A_1823] {strides = array<i32>} : memref<400xi32, #tpu.memory_space<vmem>>, vector<16xi32>,
      %get3A_1825 = vector.shape_cast %get3A_1824 : vector<16xi32> to vector<16xi32>
      %mul3A_1826 = arith.constant 2 : i32
      %mul3A_1827 = vector.broadcast %mul3A_1826 : i32 to vector<16xi32>
      %mul3A_1828 = arith.muli %get3A_1825, %mul3A_1827 : vector<16xi32>
      %add3A_1829 = arith.addi %mul3A_1822, %mul3A_1828 : vector<16xi32>
      %get3A_1830 = arith.constant 256 : index
      %get3A_1831 = tpu.vector_load %arg11[%get3A_1830] {strides = array<i32>} : memref<400xi32, #tpu.memory_space<vmem>>, vector<16xi32>,
      %get3A_1832 = vector.shape_cast %get3A_1831 : vector<16xi32> to vector<16xi32>
      %add3A_1833 = arith.addi %add3A_1829, %get3A_1832 : vector<16xi32>
      %swap3A_1834 = arith.constant 16 : index
      %swap3A_1835 = tpu.vector_load %arg16[%swap3A_1834] {strides = array<i32>} : memref<80xi32, #tpu.memory_space<vmem>>, vector<16xi32>,
      %swap3A_1836 = vector.shape_cast %swap3A_1835 : vector<16xi32> to vector<16xi32>
      %swap3A_1837 = vector.shape_cast %add3A_1833 : vector<16xi32> to vector<16xi32>
      tpu.vector_store %arg16[%swap3A_1834], %swap3A_1837 {strides = array<i32>} : memref<80xi32, #tpu.memory_space<vmem>>, vector<16xi32>,
      %get3A_1838 = arith.constant 272 : index
      %get3A_1839 = tpu.vector_load %arg7[%get3A_1838] {strides = array<i32>} : memref<400xi32, #tpu.memory_space<vmem>>, vector<16xi32>,
      %get3A_1840 = vector.shape_cast %get3A_1839 : vector<16xi32> to vector<16xi32>
      %mul3A_1841 = arith.constant 14 : i32
      %mul3A_1842 = vector.broadcast %mul3A_1841 : i32 to vector<16xi32>
      %mul3A_1843 = arith.muli %get3A_1840, %mul3A_1842 : vector<16xi32>
      %get3A_1844 = arith.constant 272 : index
      %get3A_1845 = tpu.vector_load %arg9[%get3A_1844] {strides = array<i32>} : memref<400xi32, #tpu.memory_space<vmem>>, vector<16xi32>,
      %get3A_1846 = vector.shape_cast %get3A_1845 : vector<16xi32> to vector<16xi32>
      %mul3A_1847 = arith.constant 2 : i32
      %mul3A_1848 = vector.broadcast %mul3A_1847 : i32 to vector<16xi32>
      %mul3A_1849 = arith.muli %get3A_1846, %mul3A_1848 : vector<16xi32>
      %add3A_1850 = arith.addi %mul3A_1843, %mul3A_1849 : vector<16xi32>
      %get3A_1851 = arith.constant 272 : index
      %get3A_1852 = tpu.vector_load %arg11[%get3A_1851] {strides = array<i32>} : memref<400xi32, #tpu.memory_space<vmem>>, vector<16xi32>,
      %get3A_1853 = vector.shape_cast %get3A_1852 : vector<16xi32> to vector<16xi32>
      %add3A_1854 = arith.addi %add3A_1850, %get3A_1853 : vector<16xi32>
      %swap3A_1855 = arith.constant 32 : index
      %swap3A_1856 = tpu.vector_load %arg16[%swap3A_1855] {strides = array<i32>} : memref<80xi32, #tpu.memory_space<vmem>>, vector<16xi32>,
      %swap3A_1857 = vector.shape_cast %swap3A_1856 : vector<16xi32> to vector<16xi32>
      %swap3A_1858 = vector.shape_cast %add3A_1854 : vector<16xi32> to vector<16xi32>
      tpu.vector_store %arg16[%swap3A_1855], %swap3A_1858 {strides = array<i32>} : memref<80xi32, #tpu.memory_space<vmem>>, vector<16xi32>,
      %get3A_1859 = arith.constant 288 : index
      %get3A_1860 = tpu.vector_load %arg7[%get3A_1859] {strides = array<i32>} : memref<400xi32, #tpu.memory_space<vmem>>, vector<16xi32>,
      %get3A_1861 = vector.shape_cast %get3A_1860 : vector<16xi32> to vector<16xi32>
      %mul3A_1862 = arith.constant 14 : i32
      %mul3A_1863 = vector.broadcast %mul3A_1862 : i32 to vector<16xi32>
      %mul3A_1864 = arith.muli %get3A_1861, %mul3A_1863 : vector<16xi32>
      %get3A_1865 = arith.constant 288 : index
      %get3A_1866 = tpu.vector_load %arg9[%get3A_1865] {strides = array<i32>} : memref<400xi32, #tpu.memory_space<vmem>>, vector<16xi32>,
      %get3A_1867 = vector.shape_cast %get3A_1866 : vector<16xi32> to vector<16xi32>
      %mul3A_1868 = arith.constant 2 : i32
      %mul3A_1869 = vector.broadcast %mul3A_1868 : i32 to vector<16xi32>
      %mul3A_1870 = arith.muli %get3A_1867, %mul3A_1869 : vector<16xi32>
      %add3A_1871 = arith.addi %mul3A_1864, %mul3A_1870 : vector<16xi32>
      %get3A_1872 = arith.constant 288 : index
      %get3A_1873 = tpu.vector_load %arg11[%get3A_1872] {strides = array<i32>} : memref<400xi32, #tpu.memory_space<vmem>>, vector<16xi32>,
      %get3A_1874 = vector.shape_cast %get3A_1873 : vector<16xi32> to vector<16xi32>
      %add3A_1875 = arith.addi %add3A_1871, %get3A_1874 : vector<16xi32>
      %swap3A_1876 = arith.constant 48 : index
      %swap3A_1877 = tpu.vector_load %arg16[%swap3A_1876] {strides = array<i32>} : memref<80xi32, #tpu.memory_space<vmem>>, vector<16xi32>,
      %swap3A_1878 = vector.shape_cast %swap3A_1877 : vector<16xi32> to vector<16xi32>
      %swap3A_1879 = vector.shape_cast %add3A_1875 : vector<16xi32> to vector<16xi32>
      tpu.vector_store %arg16[%swap3A_1876], %swap3A_1879 {strides = array<i32>} : memref<80xi32, #tpu.memory_space<vmem>>, vector<16xi32>,
      %get3A_1880 = arith.constant 304 : index
      %get3A_1881 = tpu.vector_load %arg7[%get3A_1880] {strides = array<i32>} : memref<400xi32, #tpu.memory_space<vmem>>, vector<16xi32>,
      %get3A_1882 = vector.shape_cast %get3A_1881 : vector<16xi32> to vector<16xi32>
      %mul3A_1883 = arith.constant 14 : i32
      %mul3A_1884 = vector.broadcast %mul3A_1883 : i32 to vector<16xi32>
      %mul3A_1885 = arith.muli %get3A_1882, %mul3A_1884 : vector<16xi32>
      %get3A_1886 = arith.constant 304 : index
      %get3A_1887 = tpu.vector_load %arg9[%get3A_1886] {strides = array<i32>} : memref<400xi32, #tpu.memory_space<vmem>>, vector<16xi32>,
      %get3A_1888 = vector.shape_cast %get3A_1887 : vector<16xi32> to vector<16xi32>
      %mul3A_1889 = arith.constant 2 : i32
      %mul3A_1890 = vector.broadcast %mul3A_1889 : i32 to vector<16xi32>
      %mul3A_1891 = arith.muli %get3A_1888, %mul3A_1890 : vector<16xi32>
      %add3A_1892 = arith.addi %mul3A_1885, %mul3A_1891 : vector<16xi32>
      %get3A_1893 = arith.constant 304 : index
      %get3A_1894 = tpu.vector_load %arg11[%get3A_1893] {strides = array<i32>} : memref<400xi32, #tpu.memory_space<vmem>>, vector<16xi32>,
      %get3A_1895 = vector.shape_cast %get3A_1894 : vector<16xi32> to vector<16xi32>
      %add3A_1896 = arith.addi %add3A_1892, %get3A_1895 : vector<16xi32>
      %swap3A_1897 = arith.constant 64 : index
      %swap3A_1898 = tpu.vector_load %arg16[%swap3A_1897] {strides = array<i32>} : memref<80xi32, #tpu.memory_space<vmem>>, vector<16xi32>,
      %swap3A_1899 = vector.shape_cast %swap3A_1898 : vector<16xi32> to vector<16xi32>
      %swap3A_1900 = vector.shape_cast %add3A_1896 : vector<16xi32> to vector<16xi32>
      tpu.vector_store %arg16[%swap3A_1897], %swap3A_1900 {strides = array<i32>} : memref<80xi32, #tpu.memory_space<vmem>>, vector<16xi32>,
      %get3A_1901 = arith.constant 320 : index
      %get3A_1902 = tpu.vector_load %arg7[%get3A_1901] {strides = array<i32>} : memref<400xi32, #tpu.memory_space<vmem>>, vector<16xi32>,
      %get3A_1903 = vector.shape_cast %get3A_1902 : vector<16xi32> to vector<16xi32>
      %mul3A_1904 = arith.constant 14 : i32
      %mul3A_1905 = vector.broadcast %mul3A_1904 : i32 to vector<16xi32>
      %mul3A_1906 = arith.muli %get3A_1903, %mul3A_1905 : vector<16xi32>
      %get3A_1907 = arith.constant 320 : index
      %get3A_1908 = tpu.vector_load %arg9[%get3A_1907] {strides = array<i32>} : memref<400xi32, #tpu.memory_space<vmem>>, vector<16xi32>,
      %get3A_1909 = vector.shape_cast %get3A_1908 : vector<16xi32> to vector<16xi32>
      %mul3A_1910 = arith.constant 2 : i32
      %mul3A_1911 = vector.broadcast %mul3A_1910 : i32 to vector<16xi32>
      %mul3A_1912 = arith.muli %get3A_1909, %mul3A_1911 : vector<16xi32>
      %add3A_1913 = arith.addi %mul3A_1906, %mul3A_1912 : vector<16xi32>
      %get3A_1914 = arith.constant 320 : index
      %get3A_1915 = tpu.vector_load %arg11[%get3A_1914] {strides = array<i32>} : memref<400xi32, #tpu.memory_space<vmem>>, vector<16xi32>,
      %get3A_1916 = vector.shape_cast %get3A_1915 : vector<16xi32> to vector<16xi32>
      %add3A_1917 = arith.addi %add3A_1913, %get3A_1916 : vector<16xi32>
      %swap3A_1918 = arith.constant 0 : index
      %swap3A_1919 = tpu.vector_load %arg17[%swap3A_1918] {strides = array<i32>} : memref<80xi32, #tpu.memory_space<vmem>>, vector<16xi32>,
      %swap3A_1920 = vector.shape_cast %swap3A_1919 : vector<16xi32> to vector<16xi32>
      %swap3A_1921 = vector.shape_cast %add3A_1917 : vector<16xi32> to vector<16xi32>
      tpu.vector_store %arg17[%swap3A_1918], %swap3A_1921 {strides = array<i32>} : memref<80xi32, #tpu.memory_space<vmem>>, vector<16xi32>,
      %get3A_1922 = arith.constant 336 : index
      %get3A_1923 = tpu.vector_load %arg7[%get3A_1922] {strides = array<i32>} : memref<400xi32, #tpu.memory_space<vmem>>, vector<16xi32>,
      %get3A_1924 = vector.shape_cast %get3A_1923 : vector<16xi32> to vector<16xi32>
      %mul3A_1925 = arith.constant 14 : i32
      %mul3A_1926 = vector.broadcast %mul3A_1925 : i32 to vector<16xi32>
      %mul3A_1927 = arith.muli %get3A_1924, %mul3A_1926 : vector<16xi32>
      %get3A_1928 = arith.constant 336 : index
      %get3A_1929 = tpu.vector_load %arg9[%get3A_1928] {strides = array<i32>} : memref<400xi32, #tpu.memory_space<vmem>>, vector<16xi32>,
      %get3A_1930 = vector.shape_cast %get3A_1929 : vector<16xi32> to vector<16xi32>
      %mul3A_1931 = arith.constant 2 : i32
      %mul3A_1932 = vector.broadcast %mul3A_1931 : i32 to vector<16xi32>
      %mul3A_1933 = arith.muli %get3A_1930, %mul3A_1932 : vector<16xi32>
      %add3A_1934 = arith.addi %mul3A_1927, %mul3A_1933 : vector<16xi32>
      %get3A_1935 = arith.constant 336 : index
      %get3A_1936 = tpu.vector_load %arg11[%get3A_1935] {strides = array<i32>} : memref<400xi32, #tpu.memory_space<vmem>>, vector<16xi32>,
      %get3A_1937 = vector.shape_cast %get3A_1936 : vector<16xi32> to vector<16xi32>
      %add3A_1938 = arith.addi %add3A_1934, %get3A_1937 : vector<16xi32>
      %swap3A_1939 = arith.constant 16 : index
      %swap3A_1940 = tpu.vector_load %arg17[%swap3A_1939] {strides = array<i32>} : memref<80xi32, #tpu.memory_space<vmem>>, vector<16xi32>,
      %swap3A_1941 = vector.shape_cast %swap3A_1940 : vector<16xi32> to vector<16xi32>
      %swap3A_1942 = vector.shape_cast %add3A_1938 : vector<16xi32> to vector<16xi32>
      tpu.vector_store %arg17[%swap3A_1939], %swap3A_1942 {strides = array<i32>} : memref<80xi32, #tpu.memory_space<vmem>>, vector<16xi32>,
      %get3A_1943 = arith.constant 352 : index
      %get3A_1944 = tpu.vector_load %arg7[%get3A_1943] {strides = array<i32>} : memref<400xi32, #tpu.memory_space<vmem>>, vector<16xi32>,
      %get3A_1945 = vector.shape_cast %get3A_1944 : vector<16xi32> to vector<16xi32>
      %mul3A_1946 = arith.constant 14 : i32
      %mul3A_1947 = vector.broadcast %mul3A_1946 : i32 to vector<16xi32>
      %mul3A_1948 = arith.muli %get3A_1945, %mul3A_1947 : vector<16xi32>
      %get3A_1949 = arith.constant 352 : index
      %get3A_1950 = tpu.vector_load %arg9[%get3A_1949] {strides = array<i32>} : memref<400xi32, #tpu.memory_space<vmem>>, vector<16xi32>,
      %get3A_1951 = vector.shape_cast %get3A_1950 : vector<16xi32> to vector<16xi32>
      %mul3A_1952 = arith.constant 2 : i32
      %mul3A_1953 = vector.broadcast %mul3A_1952 : i32 to vector<16xi32>
      %mul3A_1954 = arith.muli %get3A_1951, %mul3A_1953 : vector<16xi32>
      %add3A_1955 = arith.addi %mul3A_1948, %mul3A_1954 : vector<16xi32>
      %get3A_1956 = arith.constant 352 : index
      %get3A_1957 = tpu.vector_load %arg11[%get3A_1956] {strides = array<i32>} : memref<400xi32, #tpu.memory_space<vmem>>, vector<16xi32>,
      %get3A_1958 = vector.shape_cast %get3A_1957 : vector<16xi32> to vector<16xi32>
      %add3A_1959 = arith.addi %add3A_1955, %get3A_1958 : vector<16xi32>
      %swap3A_1960 = arith.constant 32 : index
      %swap3A_1961 = tpu.vector_load %arg17[%swap3A_1960] {strides = array<i32>} : memref<80xi32, #tpu.memory_space<vmem>>, vector<16xi32>,
      %swap3A_1962 = vector.shape_cast %swap3A_1961 : vector<16xi32> to vector<16xi32>
      %swap3A_1963 = vector.shape_cast %add3A_1959 : vector<16xi32> to vector<16xi32>
      tpu.vector_store %arg17[%swap3A_1960], %swap3A_1963 {strides = array<i32>} : memref<80xi32, #tpu.memory_space<vmem>>, vector<16xi32>,
      %get3A_1964 = arith.constant 368 : index
      %get3A_1965 = tpu.vector_load %arg7[%get3A_1964] {strides = array<i32>} : memref<400xi32, #tpu.memory_space<vmem>>, vector<16xi32>,
      %get3A_1966 = vector.shape_cast %get3A_1965 : vector<16xi32> to vector<16xi32>
      %mul3A_1967 = arith.constant 14 : i32
      %mul3A_1968 = vector.broadcast %mul3A_1967 : i32 to vector<16xi32>
      %mul3A_1969 = arith.muli %get3A_1966, %mul3A_1968 : vector<16xi32>
      %get3A_1970 = arith.constant 368 : index
      %get3A_1971 = tpu.vector_load %arg9[%get3A_1970] {strides = array<i32>} : memref<400xi32, #tpu.memory_space<vmem>>, vector<16xi32>,
      %get3A_1972 = vector.shape_cast %get3A_1971 : vector<16xi32> to vector<16xi32>
      %mul3A_1973 = arith.constant 2 : i32
      %mul3A_1974 = vector.broadcast %mul3A_1973 : i32 to vector<16xi32>
      %mul3A_1975 = arith.muli %get3A_1972, %mul3A_1974 : vector<16xi32>
      %add3A_1976 = arith.addi %mul3A_1969, %mul3A_1975 : vector<16xi32>
      %get3A_1977 = arith.constant 368 : index
      %get3A_1978 = tpu.vector_load %arg11[%get3A_1977] {strides = array<i32>} : memref<400xi32, #tpu.memory_space<vmem>>, vector<16xi32>,
      %get3A_1979 = vector.shape_cast %get3A_1978 : vector<16xi32> to vector<16xi32>
      %add3A_1980 = arith.addi %add3A_1976, %get3A_1979 : vector<16xi32>
      %swap3A_1981 = arith.constant 48 : index
      %swap3A_1982 = tpu.vector_load %arg17[%swap3A_1981] {strides = array<i32>} : memref<80xi32, #tpu.memory_space<vmem>>, vector<16xi32>,
      %swap3A_1983 = vector.shape_cast %swap3A_1982 : vector<16xi32> to vector<16xi32>
      %swap3A_1984 = vector.shape_cast %add3A_1980 : vector<16xi32> to vector<16xi32>
      tpu.vector_store %arg17[%swap3A_1981], %swap3A_1984 {strides = array<i32>} : memref<80xi32, #tpu.memory_space<vmem>>, vector<16xi32>,
      %get3A_1985 = arith.constant 384 : index
      %get3A_1986 = tpu.vector_load %arg7[%get3A_1985] {strides = array<i32>} : memref<400xi32, #tpu.memory_space<vmem>>, vector<16xi32>,
      %get3A_1987 = vector.shape_cast %get3A_1986 : vector<16xi32> to vector<16xi32>
      %mul3A_1988 = arith.constant 14 : i32
      %mul3A_1989 = vector.broadcast %mul3A_1988 : i32 to vector<16xi32>
      %mul3A_1990 = arith.muli %get3A_1987, %mul3A_1989 : vector<16xi32>
      %get3A_1991 = arith.constant 384 : index
      %get3A_1992 = tpu.vector_load %arg9[%get3A_1991] {strides = array<i32>} : memref<400xi32, #tpu.memory_space<vmem>>, vector<16xi32>,
      %get3A_1993 = vector.shape_cast %get3A_1992 : vector<16xi32> to vector<16xi32>
      %mul3A_1994 = arith.constant 2 : i32
      %mul3A_1995 = vector.broadcast %mul3A_1994 : i32 to vector<16xi32>
      %mul3A_1996 = arith.muli %get3A_1993, %mul3A_1995 : vector<16xi32>
      %add3A_1997 = arith.addi %mul3A_1990, %mul3A_1996 : vector<16xi32>
      %get3A_1998 = arith.constant 384 : index
      %get3A_1999 = tpu.vector_load %arg11[%get3A_1998] {strides = array<i32>} : memref<400xi32, #tpu.memory_space<vmem>>, vector<16xi32>,
      %get3A_2000 = vector.shape_cast %get3A_1999 : vector<16xi32> to vector<16xi32>
      %add3A_2001 = arith.addi %add3A_1997, %get3A_2000 : vector<16xi32>
      %swap3A_2002 = arith.constant 64 : index
      %swap3A_2003 = tpu.vector_load %arg17[%swap3A_2002] {strides = array<i32>} : memref<80xi32, #tpu.memory_space<vmem>>, vector<16xi32>,
      %swap3A_2004 = vector.shape_cast %swap3A_2003 : vector<16xi32> to vector<16xi32>
      %swap3A_2005 = vector.shape_cast %add3A_2001 : vector<16xi32> to vector<16xi32>
      tpu.vector_store %arg17[%swap3A_2002], %swap3A_2005 {strides = array<i32>} : memref<80xi32, #tpu.memory_space<vmem>>, vector<16xi32>,
      %dma_start3A_2006 = arith.constant 0 : i32
      %dma_start3A_2007 = arith.constant 0 : i32
      %dma_start3A_2008 = tpu.memref_slice %arg23[%dma_start3A_2006, %dma_start3A_2007] : memref<400x128xf32, #tpu.memory_space<vmem>> -> memref<80x128xf32, #tpu.memory_space<vmem>>
      %dma_start3A_2009 = arith.constant 0 : i32
      %dma_start3A_2010 = arith.constant 0 : i32
      %dma_start3A_2011 = tpu.memref_slice %arg25[%dma_start3A_2009, %dma_start3A_2010] : memref<328x128xf32, #tpu.memory_space<vmem_shared>> -> memref<328x128xf32, #tpu.memory_space<vmem_shared>>
      tpu.enqueue_indirect_dma source(%dma_start3A_2011 : memref<328x128xf32, #tpu.memory_space<vmem_shared>>) target(%dma_start3A_2008 : memref<80x128xf32, #tpu.memory_space<vmem>>) offsets(%arg13 : memref<80xi32, #tpu.memory_space<vmem>>) semaphore(%arg28 : memref<!tpu.dma_semaphore, #tpu.memory_space<semaphore_mem>>)
      %dma_start3A_2012 = arith.constant 80 : i32
      %dma_start3A_2013 = arith.constant 0 : i32
      %dma_start3A_2014 = tpu.memref_slice %arg23[%dma_start3A_2012, %dma_start3A_2013] : memref<400x128xf32, #tpu.memory_space<vmem>> -> memref<80x128xf32, #tpu.memory_space<vmem>>
      %dma_start3A_2015 = arith.constant 0 : i32
      %dma_start3A_2016 = arith.constant 0 : i32
      %dma_start3A_2017 = tpu.memref_slice %arg25[%dma_start3A_2015, %dma_start3A_2016] : memref<328x128xf32, #tpu.memory_space<vmem_shared>> -> memref<328x128xf32, #tpu.memory_space<vmem_shared>>
      tpu.enqueue_indirect_dma source(%dma_start3A_2017 : memref<328x128xf32, #tpu.memory_space<vmem_shared>>) target(%dma_start3A_2014 : memref<80x128xf32, #tpu.memory_space<vmem>>) offsets(%arg14 : memref<80xi32, #tpu.memory_space<vmem>>) semaphore(%arg28 : memref<!tpu.dma_semaphore, #tpu.memory_space<semaphore_mem>>)
      %dma_start3A_2018 = arith.constant 160 : i32
      %dma_start3A_2019 = arith.constant 0 : i32
      %dma_start3A_2020 = tpu.memref_slice %arg23[%dma_start3A_2018, %dma_start3A_2019] : memref<400x128xf32, #tpu.memory_space<vmem>> -> memref<80x128xf32, #tpu.memory_space<vmem>>
      %dma_start3A_2021 = arith.constant 0 : i32
      %dma_start3A_2022 = arith.constant 0 : i32
      %dma_start3A_2023 = tpu.memref_slice %arg25[%dma_start3A_2021, %dma_start3A_2022] : memref<328x128xf32, #tpu.memory_space<vmem_shared>> -> memref<328x128xf32, #tpu.memory_space<vmem_shared>>
      tpu.enqueue_indirect_dma source(%dma_start3A_2023 : memref<328x128xf32, #tpu.memory_space<vmem_shared>>) target(%dma_start3A_2020 : memref<80x128xf32, #tpu.memory_space<vmem>>) offsets(%arg15 : memref<80xi32, #tpu.memory_space<vmem>>) semaphore(%arg28 : memref<!tpu.dma_semaphore, #tpu.memory_space<semaphore_mem>>)
      %dma_start3A_2024 = arith.constant 240 : i32
      %dma_start3A_2025 = arith.constant 0 : i32
      %dma_start3A_2026 = tpu.memref_slice %arg23[%dma_start3A_2024, %dma_start3A_2025] : memref<400x128xf32, #tpu.memory_space<vmem>> -> memref<80x128xf32, #tpu.memory_space<vmem>>
      %dma_start3A_2027 = arith.constant 0 : i32
      %dma_start3A_2028 = arith.constant 0 : i32
      %dma_start3A_2029 = tpu.memref_slice %arg25[%dma_start3A_2027, %dma_start3A_2028] : memref<328x128xf32, #tpu.memory_space<vmem_shared>> -> memref<328x128xf32, #tpu.memory_space<vmem_shared>>
      tpu.enqueue_indirect_dma source(%dma_start3A_2029 : memref<328x128xf32, #tpu.memory_space<vmem_shared>>) target(%dma_start3A_2026 : memref<80x128xf32, #tpu.memory_space<vmem>>) offsets(%arg16 : memref<80xi32, #tpu.memory_space<vmem>>) semaphore(%arg28 : memref<!tpu.dma_semaphore, #tpu.memory_space<semaphore_mem>>)
      %dma_start3A_2030 = arith.constant 320 : i32
      %dma_start3A_2031 = arith.constant 0 : i32
      %dma_start3A_2032 = tpu.memref_slice %arg23[%dma_start3A_2030, %dma_start3A_2031] : memref<400x128xf32, #tpu.memory_space<vmem>> -> memref<80x128xf32, #tpu.memory_space<vmem>>
      %dma_start3A_2033 = arith.constant 0 : i32
      %dma_start3A_2034 = arith.constant 0 : i32
      %dma_start3A_2035 = tpu.memref_slice %arg25[%dma_start3A_2033, %dma_start3A_2034] : memref<328x128xf32, #tpu.memory_space<vmem_shared>> -> memref<328x128xf32, #tpu.memory_space<vmem_shared>>
      tpu.enqueue_indirect_dma source(%dma_start3A_2035 : memref<328x128xf32, #tpu.memory_space<vmem_shared>>) target(%dma_start3A_2032 : memref<80x128xf32, #tpu.memory_space<vmem>>) offsets(%arg17 : memref<80xi32, #tpu.memory_space<vmem>>) semaphore(%arg28 : memref<!tpu.dma_semaphore, #tpu.memory_space<semaphore_mem>>)
      %add3A_2036 = arith.constant 1 : i32
      %add3A_2037 = arith.addi %add3A_749, %add3A_2036 : i32
      %min3A = arith.constant 24 : i32
      %min3A_2038 = arith.minsi %add3A_2037, %min3A : i32
      %mul3A_2039 = arith.constant 400 : i32
      %mul3A_2040 = arith.muli %min3A_2038, %mul3A_2039 : i32
      %add3A_2041 = arith.addi %mul3A_2, %mul3A_2040 : i32
      %dma_start3A_2042 = tpu.memref_slice %arg2[%add3A_2041] : memref<320000xi32, #tpu.memory_space<hbm>> -> memref<400xi32, #tpu.memory_space<hbm>>
      %dma_start3A_2043 = tpu.memref_slice %arg2[%add3A_2041] : memref<320000xi32, #tpu.memory_space<hbm>> -> memref<400xi32, #tpu.memory_space<hbm>>
      tpu.enqueue_dma source(%dma_start3A_2043 : memref<400xi32, #tpu.memory_space<hbm>>) target(%arg8 : memref<400xi32, #tpu.memory_space<vmem>>) target_semaphore(%arg27 : memref<!tpu.dma_semaphore, #tpu.memory_space<semaphore_mem>>)
      %dma_start3A_2044 = tpu.memref_slice %arg3[%add3A_2041] : memref<320000xi32, #tpu.memory_space<hbm>> -> memref<400xi32, #tpu.memory_space<hbm>>
      %dma_start3A_2045 = tpu.memref_slice %arg3[%add3A_2041] : memref<320000xi32, #tpu.memory_space<hbm>> -> memref<400xi32, #tpu.memory_space<hbm>>
      tpu.enqueue_dma source(%dma_start3A_2045 : memref<400xi32, #tpu.memory_space<hbm>>) target(%arg10 : memref<400xi32, #tpu.memory_space<vmem>>) target_semaphore(%arg27 : memref<!tpu.dma_semaphore, #tpu.memory_space<semaphore_mem>>)
      %dma_start3A_2046 = tpu.memref_slice %arg4[%add3A_2041] : memref<320000xi32, #tpu.memory_space<hbm>> -> memref<400xi32, #tpu.memory_space<hbm>>
      %dma_start3A_2047 = tpu.memref_slice %arg4[%add3A_2041] : memref<320000xi32, #tpu.memory_space<hbm>> -> memref<400xi32, #tpu.memory_space<hbm>>
      tpu.enqueue_dma source(%dma_start3A_2047 : memref<400xi32, #tpu.memory_space<hbm>>) target(%arg12 : memref<400xi32, #tpu.memory_space<vmem>>) target_semaphore(%arg27 : memref<!tpu.dma_semaphore, #tpu.memory_space<semaphore_mem>>)
      %mul3A_2048 = arith.constant 400 : i32
      %mul3A_2049 = arith.muli %add3A_749, %mul3A_2048 : i32
      %add3A_2050 = arith.addi %mul3A_2, %mul3A_2049 : i32
      %dma_wait3A_2051 = arith.constant 0 : i32
      %dma_wait3A_2052 = arith.constant 0 : i32
      %dma_wait3A_2053 = tpu.memref_slice %arg23[%dma_wait3A_2051, %dma_wait3A_2052] : memref<400x128xf32, #tpu.memory_space<vmem>> -> memref<80x128xf32, #tpu.memory_space<vmem>>
      %dma_wait3A_2054 = arith.constant 0 : i32
      %dma_wait3A_2055 = arith.constant 0 : i32
      %dma_wait3A_2056 = tpu.memref_slice %arg25[%dma_wait3A_2054, %dma_wait3A_2055] : memref<328x128xf32, #tpu.memory_space<vmem_shared>> -> memref<328x128xf32, #tpu.memory_space<vmem_shared>>
      tpu.wait_indirect_dma semaphore(%arg28 : memref<!tpu.dma_semaphore, #tpu.memory_space<semaphore_mem>>) src(%dma_wait3A_2056 : memref<328x128xf32, #tpu.memory_space<vmem_shared>>) dst(%dma_wait3A_2053 : memref<80x128xf32, #tpu.memory_space<vmem>>)
      %add3A_2057 = arith.constant 0 : i32
      %add3A_2058 = arith.addi %add3A_2050, %add3A_2057 : i32
      %dma_start3A_2059 = arith.constant 0 : i32
      %dma_start3A_2060 = arith.constant 0 : i32
      %dma_start3A_2061 = tpu.memref_slice %arg23[%dma_start3A_2059, %dma_start3A_2060] : memref<400x128xf32, #tpu.memory_space<vmem>> -> memref<80x128xf32, #tpu.memory_space<vmem>>
      %dma_start3A_2062 = arith.constant 0 : i32
      %dma_start3A_2063 = tpu.memref_slice %arg6[%add3A_2058, %dma_start3A_2062] : memref<320000x128xf32, #tpu.memory_space<hbm>> -> memref<80x128xf32, #tpu.memory_space<hbm>>
      %dma_start3A_2064 = arith.constant 0 : i32
      %dma_start3A_2065 = tpu.memref_slice %arg6[%add3A_2058, %dma_start3A_2064] : memref<320000x128xf32, #tpu.memory_space<hbm>> -> memref<80x128xf32, #tpu.memory_space<hbm>>
      %dma_start3A_2066 = arith.constant 0 : i32
      %dma_start3A_2067 = arith.constant 0 : i32
      %dma_start3A_2068 = tpu.memref_slice %arg23[%dma_start3A_2066, %dma_start3A_2067] : memref<400x128xf32, #tpu.memory_space<vmem>> -> memref<80x128xf32, #tpu.memory_space<vmem>>
      tpu.enqueue_dma source(%dma_start3A_2068 : memref<80x128xf32, #tpu.memory_space<vmem>>) target(%dma_start3A_2065 : memref<80x128xf32, #tpu.memory_space<hbm>>) target_semaphore(%arg30 : memref<!tpu.dma_semaphore, #tpu.memory_space<semaphore_mem>>)
      %dma_wait3A_2069 = arith.constant 80 : i32
      %dma_wait3A_2070 = arith.constant 0 : i32
      %dma_wait3A_2071 = tpu.memref_slice %arg23[%dma_wait3A_2069, %dma_wait3A_2070] : memref<400x128xf32, #tpu.memory_space<vmem>> -> memref<80x128xf32, #tpu.memory_space<vmem>>
      %dma_wait3A_2072 = arith.constant 0 : i32
      %dma_wait3A_2073 = arith.constant 0 : i32
      %dma_wait3A_2074 = tpu.memref_slice %arg25[%dma_wait3A_2072, %dma_wait3A_2073] : memref<328x128xf32, #tpu.memory_space<vmem_shared>> -> memref<328x128xf32, #tpu.memory_space<vmem_shared>>
      tpu.wait_indirect_dma semaphore(%arg28 : memref<!tpu.dma_semaphore, #tpu.memory_space<semaphore_mem>>) src(%dma_wait3A_2074 : memref<328x128xf32, #tpu.memory_space<vmem_shared>>) dst(%dma_wait3A_2071 : memref<80x128xf32, #tpu.memory_space<vmem>>)
      %add3A_2075 = arith.constant 80 : i32
      %add3A_2076 = arith.addi %add3A_2050, %add3A_2075 : i32
      %dma_start3A_2077 = arith.constant 80 : i32
      %dma_start3A_2078 = arith.constant 0 : i32
      %dma_start3A_2079 = tpu.memref_slice %arg23[%dma_start3A_2077, %dma_start3A_2078] : memref<400x128xf32, #tpu.memory_space<vmem>> -> memref<80x128xf32, #tpu.memory_space<vmem>>
      %dma_start3A_2080 = arith.constant 0 : i32
      %dma_start3A_2081 = tpu.memref_slice %arg6[%add3A_2076, %dma_start3A_2080] : memref<320000x128xf32, #tpu.memory_space<hbm>> -> memref<80x128xf32, #tpu.memory_space<hbm>>
      %dma_start3A_2082 = arith.constant 0 : i32
      %dma_start3A_2083 = tpu.memref_slice %arg6[%add3A_2076, %dma_start3A_2082] : memref<320000x128xf32, #tpu.memory_space<hbm>> -> memref<80x128xf32, #tpu.memory_space<hbm>>
      %dma_start3A_2084 = arith.constant 80 : i32
      %dma_start3A_2085 = arith.constant 0 : i32
      %dma_start3A_2086 = tpu.memref_slice %arg23[%dma_start3A_2084, %dma_start3A_2085] : memref<400x128xf32, #tpu.memory_space<vmem>> -> memref<80x128xf32, #tpu.memory_space<vmem>>
      tpu.enqueue_dma source(%dma_start3A_2086 : memref<80x128xf32, #tpu.memory_space<vmem>>) target(%dma_start3A_2083 : memref<80x128xf32, #tpu.memory_space<hbm>>) target_semaphore(%arg30 : memref<!tpu.dma_semaphore, #tpu.memory_space<semaphore_mem>>)
      %dma_wait3A_2087 = arith.constant 160 : i32
      %dma_wait3A_2088 = arith.constant 0 : i32
      %dma_wait3A_2089 = tpu.memref_slice %arg23[%dma_wait3A_2087, %dma_wait3A_2088] : memref<400x128xf32, #tpu.memory_space<vmem>> -> memref<80x128xf32, #tpu.memory_space<vmem>>
      %dma_wait3A_2090 = arith.constant 0 : i32
      %dma_wait3A_2091 = arith.constant 0 : i32
      %dma_wait3A_2092 = tpu.memref_slice %arg25[%dma_wait3A_2090, %dma_wait3A_2091] : memref<328x128xf32, #tpu.memory_space<vmem_shared>> -> memref<328x128xf32, #tpu.memory_space<vmem_shared>>
      tpu.wait_indirect_dma semaphore(%arg28 : memref<!tpu.dma_semaphore, #tpu.memory_space<semaphore_mem>>) src(%dma_wait3A_2092 : memref<328x128xf32, #tpu.memory_space<vmem_shared>>) dst(%dma_wait3A_2089 : memref<80x128xf32, #tpu.memory_space<vmem>>)
      %add3A_2093 = arith.constant 160 : i32
      %add3A_2094 = arith.addi %add3A_2050, %add3A_2093 : i32
      %dma_start3A_2095 = arith.constant 160 : i32
      %dma_start3A_2096 = arith.constant 0 : i32
      %dma_start3A_2097 = tpu.memref_slice %arg23[%dma_start3A_2095, %dma_start3A_2096] : memref<400x128xf32, #tpu.memory_space<vmem>> -> memref<80x128xf32, #tpu.memory_space<vmem>>
      %dma_start3A_2098 = arith.constant 0 : i32
      %dma_start3A_2099 = tpu.memref_slice %arg6[%add3A_2094, %dma_start3A_2098] : memref<320000x128xf32, #tpu.memory_space<hbm>> -> memref<80x128xf32, #tpu.memory_space<hbm>>
      %dma_start3A_2100 = arith.constant 0 : i32
      %dma_start3A_2101 = tpu.memref_slice %arg6[%add3A_2094, %dma_start3A_2100] : memref<320000x128xf32, #tpu.memory_space<hbm>> -> memref<80x128xf32, #tpu.memory_space<hbm>>
      %dma_start3A_2102 = arith.constant 160 : i32
      %dma_start3A_2103 = arith.constant 0 : i32
      %dma_start3A_2104 = tpu.memref_slice %arg23[%dma_start3A_2102, %dma_start3A_2103] : memref<400x128xf32, #tpu.memory_space<vmem>> -> memref<80x128xf32, #tpu.memory_space<vmem>>
      tpu.enqueue_dma source(%dma_start3A_2104 : memref<80x128xf32, #tpu.memory_space<vmem>>) target(%dma_start3A_2101 : memref<80x128xf32, #tpu.memory_space<hbm>>) target_semaphore(%arg30 : memref<!tpu.dma_semaphore, #tpu.memory_space<semaphore_mem>>)
      %dma_wait3A_2105 = arith.constant 240 : i32
      %dma_wait3A_2106 = arith.constant 0 : i32
      %dma_wait3A_2107 = tpu.memref_slice %arg23[%dma_wait3A_2105, %dma_wait3A_2106] : memref<400x128xf32, #tpu.memory_space<vmem>> -> memref<80x128xf32, #tpu.memory_space<vmem>>
      %dma_wait3A_2108 = arith.constant 0 : i32
      %dma_wait3A_2109 = arith.constant 0 : i32
      %dma_wait3A_2110 = tpu.memref_slice %arg25[%dma_wait3A_2108, %dma_wait3A_2109] : memref<328x128xf32, #tpu.memory_space<vmem_shared>> -> memref<328x128xf32, #tpu.memory_space<vmem_shared>>
      tpu.wait_indirect_dma semaphore(%arg28 : memref<!tpu.dma_semaphore, #tpu.memory_space<semaphore_mem>>) src(%dma_wait3A_2110 : memref<328x128xf32, #tpu.memory_space<vmem_shared>>) dst(%dma_wait3A_2107 : memref<80x128xf32, #tpu.memory_space<vmem>>)
      %add3A_2111 = arith.constant 240 : i32
      %add3A_2112 = arith.addi %add3A_2050, %add3A_2111 : i32
      %dma_start3A_2113 = arith.constant 240 : i32
      %dma_start3A_2114 = arith.constant 0 : i32
      %dma_start3A_2115 = tpu.memref_slice %arg23[%dma_start3A_2113, %dma_start3A_2114] : memref<400x128xf32, #tpu.memory_space<vmem>> -> memref<80x128xf32, #tpu.memory_space<vmem>>
      %dma_start3A_2116 = arith.constant 0 : i32
      %dma_start3A_2117 = tpu.memref_slice %arg6[%add3A_2112, %dma_start3A_2116] : memref<320000x128xf32, #tpu.memory_space<hbm>> -> memref<80x128xf32, #tpu.memory_space<hbm>>
      %dma_start3A_2118 = arith.constant 0 : i32
      %dma_start3A_2119 = tpu.memref_slice %arg6[%add3A_2112, %dma_start3A_2118] : memref<320000x128xf32, #tpu.memory_space<hbm>> -> memref<80x128xf32, #tpu.memory_space<hbm>>
      %dma_start3A_2120 = arith.constant 240 : i32
      %dma_start3A_2121 = arith.constant 0 : i32
      %dma_start3A_2122 = tpu.memref_slice %arg23[%dma_start3A_2120, %dma_start3A_2121] : memref<400x128xf32, #tpu.memory_space<vmem>> -> memref<80x128xf32, #tpu.memory_space<vmem>>
      tpu.enqueue_dma source(%dma_start3A_2122 : memref<80x128xf32, #tpu.memory_space<vmem>>) target(%dma_start3A_2119 : memref<80x128xf32, #tpu.memory_space<hbm>>) target_semaphore(%arg30 : memref<!tpu.dma_semaphore, #tpu.memory_space<semaphore_mem>>)
      %dma_wait3A_2123 = arith.constant 320 : i32
      %dma_wait3A_2124 = arith.constant 0 : i32
      %dma_wait3A_2125 = tpu.memref_slice %arg23[%dma_wait3A_2123, %dma_wait3A_2124] : memref<400x128xf32, #tpu.memory_space<vmem>> -> memref<80x128xf32, #tpu.memory_space<vmem>>
      %dma_wait3A_2126 = arith.constant 0 : i32
      %dma_wait3A_2127 = arith.constant 0 : i32
      %dma_wait3A_2128 = tpu.memref_slice %arg25[%dma_wait3A_2126, %dma_wait3A_2127] : memref<328x128xf32, #tpu.memory_space<vmem_shared>> -> memref<328x128xf32, #tpu.memory_space<vmem_shared>>
      tpu.wait_indirect_dma semaphore(%arg28 : memref<!tpu.dma_semaphore, #tpu.memory_space<semaphore_mem>>) src(%dma_wait3A_2128 : memref<328x128xf32, #tpu.memory_space<vmem_shared>>) dst(%dma_wait3A_2125 : memref<80x128xf32, #tpu.memory_space<vmem>>)
      %add3A_2129 = arith.constant 320 : i32
      %add3A_2130 = arith.addi %add3A_2050, %add3A_2129 : i32
      %dma_start3A_2131 = arith.constant 320 : i32
      %dma_start3A_2132 = arith.constant 0 : i32
      %dma_start3A_2133 = tpu.memref_slice %arg23[%dma_start3A_2131, %dma_start3A_2132] : memref<400x128xf32, #tpu.memory_space<vmem>> -> memref<80x128xf32, #tpu.memory_space<vmem>>
      %dma_start3A_2134 = arith.constant 0 : i32
      %dma_start3A_2135 = tpu.memref_slice %arg6[%add3A_2130, %dma_start3A_2134] : memref<320000x128xf32, #tpu.memory_space<hbm>> -> memref<80x128xf32, #tpu.memory_space<hbm>>
      %dma_start3A_2136 = arith.constant 0 : i32
      %dma_start3A_2137 = tpu.memref_slice %arg6[%add3A_2130, %dma_start3A_2136] : memref<320000x128xf32, #tpu.memory_space<hbm>> -> memref<80x128xf32, #tpu.memory_space<hbm>>
      %dma_start3A_2138 = arith.constant 320 : i32
      %dma_start3A_2139 = arith.constant 0 : i32
      %dma_start3A_2140 = tpu.memref_slice %arg23[%dma_start3A_2138, %dma_start3A_2139] : memref<400x128xf32, #tpu.memory_space<vmem>> -> memref<80x128xf32, #tpu.memory_space<vmem>>
      tpu.enqueue_dma source(%dma_start3A_2140 : memref<80x128xf32, #tpu.memory_space<vmem>>) target(%dma_start3A_2137 : memref<80x128xf32, #tpu.memory_space<hbm>>) target_semaphore(%arg30 : memref<!tpu.dma_semaphore, #tpu.memory_space<semaphore_mem>>)
      %dma_wait3A_2141 = arith.constant 0 : i32
      %dma_wait3A_2142 = arith.constant 0 : i32
      %dma_wait3A_2143 = tpu.memref_slice %arg24[%dma_wait3A_2141, %dma_wait3A_2142] : memref<400x128xf32, #tpu.memory_space<vmem>> -> memref<80x128xf32, #tpu.memory_space<vmem>>
      %dma_wait3A_2144 = arith.constant 0 : i32
      %dma_wait3A_2145 = tpu.memref_slice %arg6[%mul3A_2, %dma_wait3A_2144] : memref<320000x128xf32, #tpu.memory_space<hbm>> -> memref<80x128xf32, #tpu.memory_space<hbm>>
      %dma_wait3A_2146 = arith.constant 0 : i32
      %dma_wait3A_2147 = tpu.memref_slice %arg6[%mul3A_2, %dma_wait3A_2146] : memref<320000x128xf32, #tpu.memory_space<hbm>> -> memref<80x128xf32, #tpu.memory_space<hbm>>
      %dma_wait3A_2148 = arith.constant 0 : i32
      %dma_wait3A_2149 = arith.constant 0 : i32
      %dma_wait3A_2150 = tpu.memref_slice %arg24[%dma_wait3A_2148, %dma_wait3A_2149] : memref<400x128xf32, #tpu.memory_space<vmem>> -> memref<80x128xf32, #tpu.memory_space<vmem>>
      tpu.wait_dma2 semaphore(%arg31 : memref<!tpu.dma_semaphore, #tpu.memory_space<semaphore_mem>>) src(%dma_wait3A_2150 : memref<80x128xf32, #tpu.memory_space<vmem>>) dst(%dma_wait3A_2147 : memref<80x128xf32, #tpu.memory_space<hbm>>)
      %dma_wait3A_2151 = arith.constant 80 : i32
      %dma_wait3A_2152 = arith.constant 0 : i32
      %dma_wait3A_2153 = tpu.memref_slice %arg24[%dma_wait3A_2151, %dma_wait3A_2152] : memref<400x128xf32, #tpu.memory_space<vmem>> -> memref<80x128xf32, #tpu.memory_space<vmem>>
      %dma_wait3A_2154 = arith.constant 0 : i32
      %dma_wait3A_2155 = tpu.memref_slice %arg6[%mul3A_2, %dma_wait3A_2154] : memref<320000x128xf32, #tpu.memory_space<hbm>> -> memref<80x128xf32, #tpu.memory_space<hbm>>
      %dma_wait3A_2156 = arith.constant 0 : i32
      %dma_wait3A_2157 = tpu.memref_slice %arg6[%mul3A_2, %dma_wait3A_2156] : memref<320000x128xf32, #tpu.memory_space<hbm>> -> memref<80x128xf32, #tpu.memory_space<hbm>>
      %dma_wait3A_2158 = arith.constant 80 : i32
      %dma_wait3A_2159 = arith.constant 0 : i32
      %dma_wait3A_2160 = tpu.memref_slice %arg24[%dma_wait3A_2158, %dma_wait3A_2159] : memref<400x128xf32, #tpu.memory_space<vmem>> -> memref<80x128xf32, #tpu.memory_space<vmem>>
      tpu.wait_dma2 semaphore(%arg31 : memref<!tpu.dma_semaphore, #tpu.memory_space<semaphore_mem>>) src(%dma_wait3A_2160 : memref<80x128xf32, #tpu.memory_space<vmem>>) dst(%dma_wait3A_2157 : memref<80x128xf32, #tpu.memory_space<hbm>>)
      %dma_wait3A_2161 = arith.constant 160 : i32
      %dma_wait3A_2162 = arith.constant 0 : i32
      %dma_wait3A_2163 = tpu.memref_slice %arg24[%dma_wait3A_2161, %dma_wait3A_2162] : memref<400x128xf32, #tpu.memory_space<vmem>> -> memref<80x128xf32, #tpu.memory_space<vmem>>
      %dma_wait3A_2164 = arith.constant 0 : i32
      %dma_wait3A_2165 = tpu.memref_slice %arg6[%mul3A_2, %dma_wait3A_2164] : memref<320000x128xf32, #tpu.memory_space<hbm>> -> memref<80x128xf32, #tpu.memory_space<hbm>>
      %dma_wait3A_2166 = arith.constant 0 : i32
      %dma_wait3A_2167 = tpu.memref_slice %arg6[%mul3A_2, %dma_wait3A_2166] : memref<320000x128xf32, #tpu.memory_space<hbm>> -> memref<80x128xf32, #tpu.memory_space<hbm>>
      %dma_wait3A_2168 = arith.constant 160 : i32
      %dma_wait3A_2169 = arith.constant 0 : i32
      %dma_wait3A_2170 = tpu.memref_slice %arg24[%dma_wait3A_2168, %dma_wait3A_2169] : memref<400x128xf32, #tpu.memory_space<vmem>> -> memref<80x128xf32, #tpu.memory_space<vmem>>
      tpu.wait_dma2 semaphore(%arg31 : memref<!tpu.dma_semaphore, #tpu.memory_space<semaphore_mem>>) src(%dma_wait3A_2170 : memref<80x128xf32, #tpu.memory_space<vmem>>) dst(%dma_wait3A_2167 : memref<80x128xf32, #tpu.memory_space<hbm>>)
      %dma_wait3A_2171 = arith.constant 240 : i32
      %dma_wait3A_2172 = arith.constant 0 : i32
      %dma_wait3A_2173 = tpu.memref_slice %arg24[%dma_wait3A_2171, %dma_wait3A_2172] : memref<400x128xf32, #tpu.memory_space<vmem>> -> memref<80x128xf32, #tpu.memory_space<vmem>>
      %dma_wait3A_2174 = arith.constant 0 : i32
      %dma_wait3A_2175 = tpu.memref_slice %arg6[%mul3A_2, %dma_wait3A_2174] : memref<320000x128xf32, #tpu.memory_space<hbm>> -> memref<80x128xf32, #tpu.memory_space<hbm>>
      %dma_wait3A_2176 = arith.constant 0 : i32
      %dma_wait3A_2177 = tpu.memref_slice %arg6[%mul3A_2, %dma_wait3A_2176] : memref<320000x128xf32, #tpu.memory_space<hbm>> -> memref<80x128xf32, #tpu.memory_space<hbm>>
      %dma_wait3A_2178 = arith.constant 240 : i32
      %dma_wait3A_2179 = arith.constant 0 : i32
      %dma_wait3A_2180 = tpu.memref_slice %arg24[%dma_wait3A_2178, %dma_wait3A_2179] : memref<400x128xf32, #tpu.memory_space<vmem>> -> memref<80x128xf32, #tpu.memory_space<vmem>>
      tpu.wait_dma2 semaphore(%arg31 : memref<!tpu.dma_semaphore, #tpu.memory_space<semaphore_mem>>) src(%dma_wait3A_2180 : memref<80x128xf32, #tpu.memory_space<vmem>>) dst(%dma_wait3A_2177 : memref<80x128xf32, #tpu.memory_space<hbm>>)
      %dma_wait3A_2181 = arith.constant 320 : i32
      %dma_wait3A_2182 = arith.constant 0 : i32
      %dma_wait3A_2183 = tpu.memref_slice %arg24[%dma_wait3A_2181, %dma_wait3A_2182] : memref<400x128xf32, #tpu.memory_space<vmem>> -> memref<80x128xf32, #tpu.memory_space<vmem>>
      %dma_wait3A_2184 = arith.constant 0 : i32
      %dma_wait3A_2185 = tpu.memref_slice %arg6[%mul3A_2, %dma_wait3A_2184] : memref<320000x128xf32, #tpu.memory_space<hbm>> -> memref<80x128xf32, #tpu.memory_space<hbm>>
      %dma_wait3A_2186 = arith.constant 0 : i32
      %dma_wait3A_2187 = tpu.memref_slice %arg6[%mul3A_2, %dma_wait3A_2186] : memref<320000x128xf32, #tpu.memory_space<hbm>> -> memref<80x128xf32, #tpu.memory_space<hbm>>
      %dma_wait3A_2188 = arith.constant 320 : i32
      %dma_wait3A_2189 = arith.constant 0 : i32
      %dma_wait3A_2190 = tpu.memref_slice %arg24[%dma_wait3A_2188, %dma_wait3A_2189] : memref<400x128xf32, #tpu.memory_space<vmem>> -> memref<80x128xf32, #tpu.memory_space<vmem>>
      tpu.wait_dma2 semaphore(%arg31 : memref<!tpu.dma_semaphore, #tpu.memory_space<semaphore_mem>>) src(%dma_wait3A_2190 : memref<80x128xf32, #tpu.memory_space<vmem>>) dst(%dma_wait3A_2187 : memref<80x128xf32, #tpu.memory_space<hbm>>)
    }
    %scan3A_680 = arith.constant 12 : i32
    %dma_wait3A_681 = arith.constant 0 : i32
    %dma_wait3A_682 = arith.constant 0 : i32
    %dma_wait3A_683 = tpu.memref_slice %arg23[%dma_wait3A_681, %dma_wait3A_682] : memref<400x128xf32, #tpu.memory_space<vmem>> -> memref<80x128xf32, #tpu.memory_space<vmem>>
    %dma_wait3A_684 = arith.constant 0 : i32
    %dma_wait3A_685 = tpu.memref_slice %arg6[%mul3A_2, %dma_wait3A_684] : memref<320000x128xf32, #tpu.memory_space<hbm>> -> memref<80x128xf32, #tpu.memory_space<hbm>>
    %dma_wait3A_686 = arith.constant 0 : i32
    %dma_wait3A_687 = tpu.memref_slice %arg6[%mul3A_2, %dma_wait3A_686] : memref<320000x128xf32, #tpu.memory_space<hbm>> -> memref<80x128xf32, #tpu.memory_space<hbm>>
    %dma_wait3A_688 = arith.constant 0 : i32
    %dma_wait3A_689 = arith.constant 0 : i32
    %dma_wait3A_690 = tpu.memref_slice %arg23[%dma_wait3A_688, %dma_wait3A_689] : memref<400x128xf32, #tpu.memory_space<vmem>> -> memref<80x128xf32, #tpu.memory_space<vmem>>
    tpu.wait_dma2 semaphore(%arg30 : memref<!tpu.dma_semaphore, #tpu.memory_space<semaphore_mem>>) src(%dma_wait3A_690 : memref<80x128xf32, #tpu.memory_space<vmem>>) dst(%dma_wait3A_687 : memref<80x128xf32, #tpu.memory_space<hbm>>)
    %dma_wait3A_691 = arith.constant 80 : i32
    %dma_wait3A_692 = arith.constant 0 : i32
    %dma_wait3A_693 = tpu.memref_slice %arg23[%dma_wait3A_691, %dma_wait3A_692] : memref<400x128xf32, #tpu.memory_space<vmem>> -> memref<80x128xf32, #tpu.memory_space<vmem>>
    %dma_wait3A_694 = arith.constant 0 : i32
    %dma_wait3A_695 = tpu.memref_slice %arg6[%mul3A_2, %dma_wait3A_694] : memref<320000x128xf32, #tpu.memory_space<hbm>> -> memref<80x128xf32, #tpu.memory_space<hbm>>
    %dma_wait3A_696 = arith.constant 0 : i32
    %dma_wait3A_697 = tpu.memref_slice %arg6[%mul3A_2, %dma_wait3A_696] : memref<320000x128xf32, #tpu.memory_space<hbm>> -> memref<80x128xf32, #tpu.memory_space<hbm>>
    %dma_wait3A_698 = arith.constant 80 : i32
    %dma_wait3A_699 = arith.constant 0 : i32
    %dma_wait3A_700 = tpu.memref_slice %arg23[%dma_wait3A_698, %dma_wait3A_699] : memref<400x128xf32, #tpu.memory_space<vmem>> -> memref<80x128xf32, #tpu.memory_space<vmem>>
    tpu.wait_dma2 semaphore(%arg30 : memref<!tpu.dma_semaphore, #tpu.memory_space<semaphore_mem>>) src(%dma_wait3A_700 : memref<80x128xf32, #tpu.memory_space<vmem>>) dst(%dma_wait3A_697 : memref<80x128xf32, #tpu.memory_space<hbm>>)
    %dma_wait3A_701 = arith.constant 160 : i32
    %dma_wait3A_702 = arith.constant 0 : i32
    %dma_wait3A_703 = tpu.memref_slice %arg23[%dma_wait3A_701, %dma_wait3A_702] : memref<400x128xf32, #tpu.memory_space<vmem>> -> memref<80x128xf32, #tpu.memory_space<vmem>>
    %dma_wait3A_704 = arith.constant 0 : i32
    %dma_wait3A_705 = tpu.memref_slice %arg6[%mul3A_2, %dma_wait3A_704] : memref<320000x128xf32, #tpu.memory_space<hbm>> -> memref<80x128xf32, #tpu.memory_space<hbm>>
    %dma_wait3A_706 = arith.constant 0 : i32
    %dma_wait3A_707 = tpu.memref_slice %arg6[%mul3A_2, %dma_wait3A_706] : memref<320000x128xf32, #tpu.memory_space<hbm>> -> memref<80x128xf32, #tpu.memory_space<hbm>>
    %dma_wait3A_708 = arith.constant 160 : i32
    %dma_wait3A_709 = arith.constant 0 : i32
    %dma_wait3A_710 = tpu.memref_slice %arg23[%dma_wait3A_708, %dma_wait3A_709] : memref<400x128xf32, #tpu.memory_space<vmem>> -> memref<80x128xf32, #tpu.memory_space<vmem>>
    tpu.wait_dma2 semaphore(%arg30 : memref<!tpu.dma_semaphore, #tpu.memory_space<semaphore_mem>>) src(%dma_wait3A_710 : memref<80x128xf32, #tpu.memory_space<vmem>>) dst(%dma_wait3A_707 : memref<80x128xf32, #tpu.memory_space<hbm>>)
    %dma_wait3A_711 = arith.constant 240 : i32
    %dma_wait3A_712 = arith.constant 0 : i32
    %dma_wait3A_713 = tpu.memref_slice %arg23[%dma_wait3A_711, %dma_wait3A_712] : memref<400x128xf32, #tpu.memory_space<vmem>> -> memref<80x128xf32, #tpu.memory_space<vmem>>
    %dma_wait3A_714 = arith.constant 0 : i32
    %dma_wait3A_715 = tpu.memref_slice %arg6[%mul3A_2, %dma_wait3A_714] : memref<320000x128xf32, #tpu.memory_space<hbm>> -> memref<80x128xf32, #tpu.memory_space<hbm>>
    %dma_wait3A_716 = arith.constant 0 : i32
    %dma_wait3A_717 = tpu.memref_slice %arg6[%mul3A_2, %dma_wait3A_716] : memref<320000x128xf32, #tpu.memory_space<hbm>> -> memref<80x128xf32, #tpu.memory_space<hbm>>
    %dma_wait3A_718 = arith.constant 240 : i32
    %dma_wait3A_719 = arith.constant 0 : i32
    %dma_wait3A_720 = tpu.memref_slice %arg23[%dma_wait3A_718, %dma_wait3A_719] : memref<400x128xf32, #tpu.memory_space<vmem>> -> memref<80x128xf32, #tpu.memory_space<vmem>>
    tpu.wait_dma2 semaphore(%arg30 : memref<!tpu.dma_semaphore, #tpu.memory_space<semaphore_mem>>) src(%dma_wait3A_720 : memref<80x128xf32, #tpu.memory_space<vmem>>) dst(%dma_wait3A_717 : memref<80x128xf32, #tpu.memory_space<hbm>>)
    %dma_wait3A_721 = arith.constant 320 : i32
    %dma_wait3A_722 = arith.constant 0 : i32
    %dma_wait3A_723 = tpu.memref_slice %arg23[%dma_wait3A_721, %dma_wait3A_722] : memref<400x128xf32, #tpu.memory_space<vmem>> -> memref<80x128xf32, #tpu.memory_space<vmem>>
    %dma_wait3A_724 = arith.constant 0 : i32
    %dma_wait3A_725 = tpu.memref_slice %arg6[%mul3A_2, %dma_wait3A_724] : memref<320000x128xf32, #tpu.memory_space<hbm>> -> memref<80x128xf32, #tpu.memory_space<hbm>>
    %dma_wait3A_726 = arith.constant 0 : i32
    %dma_wait3A_727 = tpu.memref_slice %arg6[%mul3A_2, %dma_wait3A_726] : memref<320000x128xf32, #tpu.memory_space<hbm>> -> memref<80x128xf32, #tpu.memory_space<hbm>>
    %dma_wait3A_728 = arith.constant 320 : i32
    %dma_wait3A_729 = arith.constant 0 : i32
    %dma_wait3A_730 = tpu.memref_slice %arg23[%dma_wait3A_728, %dma_wait3A_729] : memref<400x128xf32, #tpu.memory_space<vmem>> -> memref<80x128xf32, #tpu.memory_space<vmem>>
    tpu.wait_dma2 semaphore(%arg30 : memref<!tpu.dma_semaphore, #tpu.memory_space<semaphore_mem>>) src(%dma_wait3A_730 : memref<80x128xf32, #tpu.memory_space<vmem>>) dst(%dma_wait3A_727 : memref<80x128xf32, #tpu.memory_space<hbm>>)
    %dma_wait3A_731 = arith.constant 0 : i32
    %dma_wait3A_732 = tpu.memref_slice %arg2[%dma_wait3A_731] : memref<320000xi32, #tpu.memory_space<hbm>> -> memref<400xi32, #tpu.memory_space<hbm>>
    %dma_wait3A_733 = arith.constant 0 : i32
    %dma_wait3A_734 = tpu.memref_slice %arg2[%dma_wait3A_733] : memref<320000xi32, #tpu.memory_space<hbm>> -> memref<400xi32, #tpu.memory_space<hbm>>
    tpu.wait_dma2 semaphore(%arg27 : memref<!tpu.dma_semaphore, #tpu.memory_space<semaphore_mem>>) src(%dma_wait3A_734 : memref<400xi32, #tpu.memory_space<hbm>>) dst(%arg8 : memref<400xi32, #tpu.memory_space<vmem>>)
    %dma_wait3A_735 = arith.constant 0 : i32
    %dma_wait3A_736 = tpu.memref_slice %arg2[%dma_wait3A_735] : memref<320000xi32, #tpu.memory_space<hbm>> -> memref<400xi32, #tpu.memory_space<hbm>>
    %dma_wait3A_737 = arith.constant 0 : i32
    %dma_wait3A_738 = tpu.memref_slice %arg2[%dma_wait3A_737] : memref<320000xi32, #tpu.memory_space<hbm>> -> memref<400xi32, #tpu.memory_space<hbm>>
    tpu.wait_dma2 semaphore(%arg27 : memref<!tpu.dma_semaphore, #tpu.memory_space<semaphore_mem>>) src(%dma_wait3A_738 : memref<400xi32, #tpu.memory_space<hbm>>) dst(%arg10 : memref<400xi32, #tpu.memory_space<vmem>>)
    %dma_wait3A_739 = arith.constant 0 : i32
    %dma_wait3A_740 = tpu.memref_slice %arg2[%dma_wait3A_739] : memref<320000xi32, #tpu.memory_space<hbm>> -> memref<400xi32, #tpu.memory_space<hbm>>
    %dma_wait3A_741 = arith.constant 0 : i32
    %dma_wait3A_742 = tpu.memref_slice %arg2[%dma_wait3A_741] : memref<320000xi32, #tpu.memory_space<hbm>> -> memref<400xi32, #tpu.memory_space<hbm>>
    tpu.wait_dma2 semaphore(%arg27 : memref<!tpu.dma_semaphore, #tpu.memory_space<semaphore_mem>>) src(%dma_wait3A_742 : memref<400xi32, #tpu.memory_space<hbm>>) dst(%arg12 : memref<400xi32, #tpu.memory_space<vmem>>)
    return
  }
}

module attributes {stable_mosaic.version = 14 : i64} {
  func.func @_table_body(%arg0: memref<328x23xf32, #tpu.memory_space<vmem>>, %arg1: memref<328x7xf32, #tpu.memory_space<vmem>>, %arg2: memref<328x2xf32, #tpu.memory_space<vmem>>, %arg3: memref<23x128xf32, #tpu.memory_space<vmem>>, %arg4: memref<7x128xf32, #tpu.memory_space<vmem>>, %arg5: memref<2x128xf32, #tpu.memory_space<vmem>>, %arg6: memref<384x128xf32, #tpu.memory_space<vmem>>, %arg7: memref<1x128xf32, #tpu.memory_space<vmem>>, %arg8: memref<328x128xf32, #tpu.memory_space<vmem>>) attributes {dimension_semantics = [], scalar_prefetch = 0 : i64, scratch_operands = 0 : i64, tpu.core_type = #tpu.core_type<tc>} {
    %get3A = arith.constant 0 : index
    %get3A_0 = arith.constant 0 : index
    %get3A_1 = vector.load %arg0[%get3A, %get3A_0] : memref<328x23xf32, #tpu.memory_space<vmem>>, vector<328x23xf32>
    %get3A_2 = arith.constant 0 : index
    %get3A_3 = arith.constant 0 : index
    %get3A_4 = vector.load %arg3[%get3A_2, %get3A_3] : memref<23x128xf32, #tpu.memory_space<vmem>>, vector<23x128xf32>
    %dot_general3A = arith.constant dense<0.000000e+00> : vector<328x128xf32>
    %dot_general3A_5 = tpu.matmul %get3A_1, %get3A_4, %dot_general3A {dimension_numbers = #tpu.dot_dimension_numbers<[1], [0], [0], [1], [0, 0, 1, 1], [], []>, transpose_lhs_hint = false} : vector<328x23xf32>, vector<23x128xf32>, vector<328x128xf32> -> vector<328x128xf32>
    %get3A_6 = arith.constant 0 : index
    %get3A_7 = arith.constant 0 : index
    %get3A_8 = vector.load %arg1[%get3A_6, %get3A_7] : memref<328x7xf32, #tpu.memory_space<vmem>>, vector<328x7xf32>
    %get3A_9 = arith.constant 0 : index
    %get3A_10 = arith.constant 0 : index
    %get3A_11 = vector.load %arg4[%get3A_9, %get3A_10] : memref<7x128xf32, #tpu.memory_space<vmem>>, vector<7x128xf32>
    %dot_general3A_12 = arith.constant dense<0.000000e+00> : vector<328x128xf32>
    %dot_general3A_13 = tpu.matmul %get3A_8, %get3A_11, %dot_general3A_12 {dimension_numbers = #tpu.dot_dimension_numbers<[1], [0], [0], [1], [0, 0, 1, 1], [], []>, transpose_lhs_hint = false} : vector<328x7xf32>, vector<7x128xf32>, vector<328x128xf32> -> vector<328x128xf32>
    %get3A_14 = arith.constant 0 : index
    %get3A_15 = arith.constant 0 : index
    %get3A_16 = vector.load %arg2[%get3A_14, %get3A_15] : memref<328x2xf32, #tpu.memory_space<vmem>>, vector<328x2xf32>
    %get3A_17 = arith.constant 0 : index
    %get3A_18 = arith.constant 0 : index
    %get3A_19 = vector.load %arg5[%get3A_17, %get3A_18] : memref<2x128xf32, #tpu.memory_space<vmem>>, vector<2x128xf32>
    %dot_general3A_20 = arith.constant dense<0.000000e+00> : vector<328x128xf32>
    %dot_general3A_21 = tpu.matmul %get3A_16, %get3A_19, %dot_general3A_20 {dimension_numbers = #tpu.dot_dimension_numbers<[1], [0], [0], [1], [0, 0, 1, 1], [], []>, transpose_lhs_hint = false} : vector<328x2xf32>, vector<2x128xf32>, vector<328x128xf32> -> vector<328x128xf32>
    %get3A_22 = arith.constant 0 : index
    %get3A_23 = arith.constant 0 : index
    %get3A_24 = vector.load %arg6[%get3A_22, %get3A_23] : memref<384x128xf32, #tpu.memory_space<vmem>>, vector<384x128xf32>
    %slice3A = vector.extract_strided_slice %get3A_24 {offsets = [0, 0], sizes = [128, 128], strides = [1, 1]} : vector<384x128xf32> to vector<128x128xf32>
    %dot_general3A_25 = arith.constant dense<0.000000e+00> : vector<328x128xf32>
    %dot_general3A_26 = tpu.matmul %dot_general3A_5, %slice3A, %dot_general3A_25 {dimension_numbers = #tpu.dot_dimension_numbers<[1], [0], [0], [1], [0, 0, 1, 1], [], []>, transpose_lhs_hint = false} : vector<328x128xf32>, vector<128x128xf32>, vector<328x128xf32> -> vector<328x128xf32>
    %slice3A_27 = vector.extract_strided_slice %get3A_24 {offsets = [128, 0], sizes = [128, 128], strides = [1, 1]} : vector<384x128xf32> to vector<128x128xf32>
    %dot_general3A_28 = arith.constant dense<0.000000e+00> : vector<328x128xf32>
    %dot_general3A_29 = tpu.matmul %dot_general3A_13, %slice3A_27, %dot_general3A_28 {dimension_numbers = #tpu.dot_dimension_numbers<[1], [0], [0], [1], [0, 0, 1, 1], [], []>, transpose_lhs_hint = false} : vector<328x128xf32>, vector<128x128xf32>, vector<328x128xf32> -> vector<328x128xf32>
    %add3A = arith.addf %dot_general3A_26, %dot_general3A_29 : vector<328x128xf32>
    %slice3A_30 = vector.extract_strided_slice %get3A_24 {offsets = [256, 0], sizes = [128, 128], strides = [1, 1]} : vector<384x128xf32> to vector<128x128xf32>
    %dot_general3A_31 = arith.constant dense<0.000000e+00> : vector<328x128xf32>
    %dot_general3A_32 = tpu.matmul %dot_general3A_21, %slice3A_30, %dot_general3A_31 {dimension_numbers = #tpu.dot_dimension_numbers<[1], [0], [0], [1], [0, 0, 1, 1], [], []>, transpose_lhs_hint = false} : vector<328x128xf32>, vector<128x128xf32>, vector<328x128xf32> -> vector<328x128xf32>
    %add3A_33 = arith.addf %add3A, %dot_general3A_32 : vector<328x128xf32>
    %get3A_34 = arith.constant 0 : index
    %get3A_35 = arith.constant 0 : index
    %get3A_36 = vector.load %arg7[%get3A_34, %get3A_35] : memref<1x128xf32, #tpu.memory_space<vmem>>, vector<1x128xf32>
    %add3A_37 = vector.broadcast %get3A_36 : vector<1x128xf32> to vector<328x128xf32>
    %add3A_38 = arith.addf %add3A_33, %add3A_37 : vector<328x128xf32>
    %swap3A = arith.constant 0 : index
    %swap3A_39 = arith.constant 0 : index
    %swap3A_40 = vector.load %arg8[%swap3A, %swap3A_39] : memref<328x128xf32, #tpu.memory_space<vmem>>, vector<328x128xf32>
    tpu.vector_store %arg8[%swap3A, %swap3A_39], %add3A_38 {strides = array<i32>} : memref<328x128xf32, #tpu.memory_space<vmem>>, vector<328x128xf32>,
    return
  }
}

</mosaic_0001>

<sc_bundles>
// kernel: kernel.4.cloned.1.call-start
scs
__scs_entry_jumppad:
0x0: {  	(pc) =	sbr.rel $0x88, $3  }
0x1: {  	(tag) =	ssettag $0x0;
	lr =	simm.s32 $0x1  }
0x2: {  	[smem:$0x3F9B] =	sst lr;
	_ =	strace $0xD0000000  }
0x3: {  	_ = 	snop  }
0x4: {  	_ = 	snop  }
0x5: {  	_ = 	snop  }
0x6: {  	_ = 	snop  }
0x7: {  	_ = 	snop  }
__scs_overlays_trampoline_lowered:
0x8: {  	[smem:$0x3FAA] =	sst s0  }
0x9: {  	[smem:$0x3FAB] =	sst s1  }
0xa: {  	[smem:$0x3FAC] =	sst s2  }
0xb: {  	[smem:$0x3FAD] =	sst s3  }
0xc: {  	[smem:$0x3FAE] =	sst s4  }
0xd: {  	[smem:$0x3FAF] =	sst s5  }
0xe: {  	[smem:$0x3FB0] =	sst s6  }
0xf: {  	[smem:$0x3FB1] =	sst s7  }
0x10: {  	[smem:$0x3FB2] =	sst s8  }
0x11: {  	[smem:$0x3FB3] =	sst s9;
	s0 =	simm.s32 @!p0 $0x0  }
0x12: {  	s1 =	sld [smem:$0x3F99];
	s0 =	simm.s32 @p0 $0x1  }
0x13: {  	[smem:$0x3FB4] =	sst s0;
	s0 =	simm.s32 @!p1 $0x0  }
0x14: {  	s2 =	sld [smem:$0x3F98];
	s0 =	simm.s32 @p1 $0x1  }
0x15: {  	[smem:$0x3FB5] =	sst s0;
	s0 =	simm.s32 @!p2 $0x0  }
0x16: {  	s3 =	sld [smem:$0x3FDB];
	s0 =	simm.s32 @p2 $0x1  }
0x17: {  	s4 =	simm.s32 $0x1BF5;
	[smem:$0x3FB7] =	sst s0  }
0x18: {  	s0 =	sld [smem:$0x3F9A];
	_ =	swait.ge [sflag:s4], $0x0  }
0x19: {  	s7 =	sld [smem:$0x3F9B]  }
0x1a: {  	s8 =	sadd.s32 $0xFFFFE003, lr  }
0x1b: {  	s9 =	sadd.s32 $0xFFFFFEF7, lr;
	s5 =	simm.s32 $0xFFFFFFFF;
	p2 =	slt.u32 s8, $0xFFFFF086  }
0x1c: {  	p1 =	slt.u32 s9, $0xF7A;
	s5 =	simm.s32 @!p2 $0x0  }
0x1d: {  	s5 =	simm.s32 @p1 $0x1;
	p0 =	seq.s32 s7, s2  }
0x1e: {  	s7 =	smul.u32 @!p0 $0xF7A, s2;
	p2 =	seq.s32 @!p0 s5, $0x0  }
0x1f: {  	s9 =	smul.u32 $0xF7A, s1;
	s8 =	simm.s32 @!p0 $0x1BF5;
	p2 =	por !p2, p0  }
0x20: {  	[sflag:s8] =	ssyncset.s32 @!p0 $0xFFFFF086;
	s6 =	sadd.s32 @!p0 s3, s7;
	s7 =	simm.s32 @!p0 $0x108  }
0x21: {  	s3 =	sadd.s32 s3, s9;
	s6 =	sadd.s32 @!p0 $0x88, s6;
	s7 =	simm.s32 @p2 $0x1082  }
0x22: {  	[simem:s7], [sflag:s8] =	dma.local @!p0 [hbm:s6], $0xF7A  }
0x23: {  	s9 =	sor.u32 $0xD0000000, s2;
	s6 =	simm.s32 $0x108;
	_ =	swait.ge @!p0 [sflag:s8], $0x0  }
0x24: {  	s3 =	sadd.s32 $0x88, s3;
	s6 =	simm.s32 @!p1 $0x1082;
	[sflag:s4] =	ssyncset.s32 $0xFFFFF086  }
0x25: {  	[simem:s6], [sflag:s4] =	dma.local [hbm:s3], $0xF7A  }
0x26: {  	[smem:$0x3F9B] =	sst s1;
	(tag) =	ssettag s2;
	_ =	strace s9  }
0x27: {  	s1 =	sld [smem:$0x3FAB]  }
0x28: {  	s2 =	sld [smem:$0x3FAC]  }
0x29: {  	s4 =	sld [smem:$0x3FAE]  }
0x2a: {  	p0 =	seq.s32 s5, $0x0;
	s5 =	sld [smem:$0x3FAF]  }
0x2b: {  	s6 =	sld [smem:$0x3FB0]  }
0x2c: {  	s7 =	sld [smem:$0x3FB1]  }
0x2d: {  	s3 =	simm.s32 $0x108;
	s8 =	sld [smem:$0x3FB2]  }
0x2e: {  	s3 =	simm.s32 @!p0 $0x1082;
	s9 =	sld [smem:$0x3FB3]  }
0x2f: {  	lr =	sadd.s32 s0, s3;
	s0 =	sld [smem:$0x3FAA]  }
0x30: {  	s3 =	sld [smem:$0x3FAD]  }
0x31: {  	[smem:$0x3FB6] =	sst s10  }
0x32: {  	s10 =	sld [smem:$0x3FB4];
	_ =	sdelay $0x3  }
0x33: {  	p0 =	seq.s32 s10, $0x1;
	s10 =	sld [smem:$0x3FB6];
	_ =	sdelay $0x3  }
0x34: {  	[smem:$0x3FB6] =	sst s10  }
0x35: {  	s10 =	sld [smem:$0x3FB5];
	_ =	sdelay $0x3  }
0x36: {  	p1 =	seq.s32 s10, $0x1;
	s10 =	sld [smem:$0x3FB6];
	_ =	sdelay $0x3  }
0x37: {  	[smem:$0x3FB6] =	sst s10  }
0x38: {  	s10 =	sld [smem:$0x3FB7]  }
0x39: {  	_ = 	snop;
	(pc) =	sbr.ind lr, $3  }
0x3a: {  	_ = 	snop  }
0x3b: {  	_ = 	snop  }
0x3c: {  	p2 =	seq.s32 s10, $0x1;
	s10 =	sld [smem:$0x3FB6]  }
0x3d: {  	_ =	shalt  }
0x3e: {  	_ =	shalt  }
0x3f: {  	_ =	shalt  }
0x40: {  	_ =	shalt  }
0x41: {  	_ =	shalt  }
0x42: {  	_ =	shalt  }
0x43: {  	_ =	shalt  }
0x44: {  	_ =	shalt  }
0x45: {  	_ =	shalt  }
0x46: {  	_ =	shalt  }
0x47: {  	_ =	shalt  }
0x48: {  	_ =	shalt  }
0x49: {  	_ =	shalt  }
0x4a: {  	_ =	shalt  }
0x4b: {  	_ =	shalt  }
0x4c: {  	_ =	shalt  }
0x4d: {  	_ =	shalt  }
0x4e: {  	_ =	shalt  }
0x4f: {  	_ =	shalt  }
0x50: {  	_ =	shalt  }
0x51: {  	_ =	shalt  }
0x52: {  	_ =	shalt  }
0x53: {  	_ =	shalt  }
0x54: {  	_ =	shalt  }
0x55: {  	_ =	shalt  }
0x56: {  	_ =	shalt  }
0x57: {  	_ =	shalt  }
0x58: {  	_ =	shalt  }
0x59: {  	_ =	shalt  }
0x5a: {  	_ =	shalt  }
0x5b: {  	_ =	shalt  }
0x5c: {  	_ =	shalt  }
0x5d: {  	_ =	shalt  }
0x5e: {  	_ =	shalt  }
0x5f: {  	_ =	shalt  }
0x60: {  	_ =	shalt  }
0x61: {  	_ =	shalt  }
0x62: {  	_ =	shalt  }
0x63: {  	_ =	shalt  }
0x64: {  	_ =	shalt  }
0x65: {  	_ =	shalt  }
0x66: {  	_ =	shalt  }
0x67: {  	_ =	shalt  }
0x68: {  	_ =	shalt  }
0x69: {  	_ =	shalt  }
0x6a: {  	_ =	shalt  }
0x6b: {  	_ =	shalt  }
0x6c: {  	_ =	shalt  }
0x6d: {  	_ =	shalt  }
0x6e: {  	_ =	shalt  }
0x6f: {  	_ =	shalt  }
0x70: {  	_ =	shalt  }
0x71: {  	_ =	shalt  }
0x72: {  	_ =	shalt  }
0x73: {  	_ =	shalt  }
0x74: {  	_ =	shalt  }
0x75: {  	_ =	shalt  }
0x76: {  	_ =	shalt  }
0x77: {  	_ =	shalt  }
0x78: {  	_ =	shalt  }
0x79: {  	_ =	shalt  }
0x7a: {  	_ =	shalt  }
0x7b: {  	_ =	shalt  }
0x7c: {  	_ =	shalt  }
0x7d: {  	_ =	shalt  }
0x7e: {  	_ =	shalt  }
0x7f: {  	_ =	shalt  }
0x80: {  	_ =	shalt  }
0x81: {  	_ =	shalt  }
0x82: {  	_ =	shalt  }
0x83: {  	_ =	shalt  }
0x84: {  	_ =	shalt  }
0x85: {  	_ =	shalt  }
0x86: {  	_ =	shalt  }
0x87: {  	_ =	shalt  }
.Lfunc_end0:
.L_simem_size_0:
called_computation_lowered:
.L_overlay_start_0:
0x88: {  	s2 =	sld [smem:$0x3FD9]  }
0x89: {  	s3 =	sld [smem:$0x3FFE];
	_ =	sdelay $0x1  }
0x8a: {  	s1 =	srdreg.scid  }
0x8b: {  	s0 =	sand.u32 $0x1, s1  }
0x8c: {  	s17 =	sshll.u32 s0, $0xA;
	s2 =	sadd.s32 s3, s2  }
0x8d: {  	s2 =	sadd.s32 s2, s17  }
0x8e: {  	[smem:$0x3FC2] =	sst s2  }
0x8f: {  	_ = 	snop  }
0x90: {  	s2 =	sld [smem:$0x3FD0];
	(tm) =	ssettm $0x1  }
0x91: {  	s18 =	sld [smem:$0x3FFB];
	_ =	sdelay $0x3  }
0x92: {  	_ =	strace s18  }
0x93: {  	s3 =	sld [smem:$0x3FFC];
	_ =	sdelay $0x3  }
0x94: {  	_ =	strace s3  }
0x95: {  	s3 =	sld [smem:$0x3FFD];
	_ =	sdelay $0x3  }
0x96: {  	_ =	strace s3  }
0x97: {  	_ =	strace $0x8FFFFFFF  }
0x98: {  	s19 =	sld [smem:$0x3FDB];
	_ =	sdelay $0x1  }
0x99: {  	s4 =	simm.s32 $_scs_section_size  }
0x9a: {  	s5 =	simm.s32 $_size__tile_overlayer_lowered;
	s6 =	simm.s32 $_tile_overlayer_lowered  }
0x9b: {  	s22 =	simm.s32 $0x1BFF;
	s21 =	sshll.u32 s6, $0x1;
	s3 =	sadd.s32 s4, s19  }
0x9c: {  	s7 =	simm.s32 $0x0;
	s20 =	sshll.u32 s5, $0x1;
	s5 =	sadd.s32 s21, s3  }
0x9d: {  	[timem:s7], [sflag:s22] =	dma.local [hbm:s5], s20  }
0x9e: {  	_ =	swait.ge [sflag:s22], s20  }
0x9f: {  	s4 =	ssub.s32 $0x0, s20;
	[sflag:s22] =	ssyncset.done $0x0  }
0xa0: {  	[sflag:s22] =	ssyncadd.s32 s4;
	_ =	sdelay $0x1  }
0xa1: {  	s23 =	simm.s32 $0x1B8B  }
0xa2: {  	_ =	swait.ge [sflag:s23], $0x1  }
0xa3: {  	[sflag:s23] =	ssyncset.done $0x0  }
0xa4: {  	s25 =	simm.s32 $0x1B8E;
	s24 =	sld [smem:$0x3FFE];
	[sflag:s23] =	ssyncadd.s32 $0xFFFFFFFF  }
0xa5: {  	s26 =	simm.s32 $execute0_lowered;
	[smem:$0x3FD2] =	sst s25  }
0xa6: {  	s5 =	sshll.u32 s26, $0x1;
	_ =	strace $0x80000046;
	[dreg:$0x1] =	wrdreg $0xFFFFFFFF  }
0xa7: {  	s28 =	simm.s32 $_size_execute0_lowered;
	s3 =	sadd.s32 s3, s5;
	[dreg:$0x0] =	wrdreg $0x0  }
0xa8: {  	s5 =	sshll.u32 s28, $0x1;
	[dreg:$0x2] =	wrdreg s3  }
0xa9: {  	[dreg:$0x3] =	wrdreg s5  }
0xaa: {  	[dreg:$0x4] =	wrdreg $0xC0  }
0xab: {  	_ =	task [dreg:s7], $0x5FFFF  }
0xac: {  	[dreg:$0x1] =	wrdreg $0xFFFFFFFF  }
0xad: {  	[dreg:$0x0] =	wrdreg $0x60  }
0xae: {  	[dreg:$0x2] =	wrdreg s24  }
0xaf: {  	[dreg:$0x3] =	wrdreg s2  }
0xb0: {  	[dreg:$0x4] =	wrdreg $0x1A1000  }
0xb1: {  	[dreg:$0x5] =	wrdreg $0x9  }
0xb2: {  	_ =	task.clear_ibuf [dreg:s7], $0x6FFFF;
	_ =	strace $0x90000046  }
0xb3: {  	s29 =	simm.s32 $0x9;
	_ =	strace $0x80000048  }
0xb4: {  	_ =	swait.ge [sflag:s29], $0x1  }
0xb5: {  	[sflag:s29] =	ssyncadd.s32 $0xFFFFFFFF  }
0xb6: {  	_ =	strace $0x90000048  }
0xb7: {  	_ =	sfence  }
0xb8: {  	s30 =	sld [smem:$0x0];
	_ =	sdelay $0x2  }
0xb9: {  	s31 =	sshll.u32 s1, $0xD;
	s1 =	sshrl.u32 s1, $0x2  }
0xba: {  	s3 =	sand.u32 $0x4000, s31;
	s1 =	sadd.s32 s1, s30  }
0xbb: {  	s0 =	sor.u32 s3, s0;
	s1 =	sshll.u32 s1, $0x11  }
0xbc: {  	s0 =	sor.u32 s1, s0  }
0xbd: {  	s0 =	sadd.s32 $0x8F2B, s0  }
0xbe: {  	[sflag:s0] =	ssyncadd.remote.s32 $0x1  }
0xbf: {  	_ =	sfence.sel $0xFFFF  }
0xc0: {  	[dreg:$0x0] =	wrdreg $0xFFFFFFFF;
	(pc) =	sbr.abs _section_cstart, $3  }
0xc1: {  	[dreg:$0x1] =	wrdreg $0xFFFFFFFF  }
0xc2: {  	_ =	task.clear_ibuf [dreg:s7], $0x2FFFF;
	_ =	strace $0x9FFFFFFF  }
0xc3: {  	(tm) =	ssettm $0x7FFFFFFF  }
tec
execute0_lowered:
.L_overlay_start_1:
0x0: {  	(tag) =	ssettag $0x1  }
0x1: {  	s0 =	rddreg [dreg:$0x0]  }
0x2: {  	s6 =	rddreg [dreg:$0x1]  }
0x3: {  	s1 =	rddreg [dreg:$0x2];
	s3 =	srdreg.scid  }
0x4: {  	s7 =	stileid.u32;
	s2 =	simm.s32 $0x0;
	s28 =	simm.s32 $0x3900  }
0x5: {  	s29 =	simm.s32 $0xD00;
	s30 =	simm.s32 $0x6100;
	s15 =	smul.u32 $0x4E200, s7  }
0x6: {  	s31 =	simm.s32 $0xD80;
	s8 =	sand.u32 $0x1, s3;
	s19 =	smul.u32 $0x4E20, s7  }
0x7: {  	s20 =	sshll.u32 s7, $0x1;
	[smem:$0x7FF] =	sst s2;
	s17 =	smul.u32 $0x27100, s8  }
0x8: {  	s9 =	sor.u32 s8, s20;
	s11 =	ssub.s32 $0x2, s8;
	s8 =	smul.u32 $0x2710, s8  }
0x9: {  	s3 =	sadd.s32 $0x14400, s0;
	s4 =	sadd.s32 $0xA600, s0;
	s10 =	smul.u32 $0x2710, s9  }
0xa: {  	s5 =	sadd.s32 $0x800, s0;
	s0 =	sadd.s32 $0x1E200, s0;
	s25 =	smul.u32 $0x138800, s9  }
0xb: {  	p0 =	sne.s32 s7, $0x0;
	s7 =	simm.s32 $0xB100;
	s9 =	smul.u32 $0x27100, s9  }
0xc: {  	_ =	strace $0x80000047;
	[dreg:$0xb] =	wrdreg s0;
	s12 =	sshrl.u32 s11, $0x1  }
0xd: {  	s21 =	ssub.s32 s11, s12;
	s8 =	sadd.s32 s8, s19;
	s9 =	sadd.s32 s6, s9  }
0xe: {  	s13 =	sshrl.u32 s10, $0x3;
	s10 =	sadd.s32 $0x4B0, s10;
	[dreg:$0x12] =	wrdreg s9  }
0xf: {  	s19 =	simm.s32 $0x5;
	s0 =	smax.u32 s21, $0x1;
	[dreg:$0x4] =	wrdreg s10  }
0x10: {  	s12 =	sshrl.u32 s25, $0x3;
	s21 =	sadd.s32 $0x320, s8;
	[dreg:$0x17] =	wrdreg s0  }
0x11: {  	s8 =	simm.s32 $0x400;
	s25 =	simm.s32 $0x1000;
	[dreg:$0x18] =	wrdreg s21  }
0x12: {  	s22 =	sadd.s32 s3, s13;
	s23 =	sadd.s32 s4, s13;
	[dreg:$0x9] =	wrdreg s25  }
0x13: {  	s24 =	sadd.s32 $0x32, s13;
	s13 =	sadd.s32 s5, s13;
	[dreg:$0xc] =	wrdreg s22  }
0x14: {  	s16 =	sadd.s32 s6, s12;
	s6 =	sadd.s32 s15, s6;
	[dreg:$0xd] =	wrdreg s23  }
0x15: {  	s9 =	simm.s32 $0x800;
	[dreg:$0xe] =	wrdreg s13;
	s26 =	sadd.s32 s3, s24  }
0x16: {  	s10 =	simm.s32 $0xC00;
	s14 =	sadd.s32 s4, s24;
	[dreg:$0xf] =	wrdreg s26  }
0x17: {  	s25 =	simm.s32 $0x1100;
	s11 =	sadd.s32 s5, s24;
	[dreg:$0x10] =	wrdreg s14  }
0x18: {  	s0 =	simm.s32 $0x8900;
	s18 =	sadd.s32 $0x500, s16;
	[dreg:$0x11] =	wrdreg s11  }
0x19: {  	s12 =	simm.s32 $0x2;
	s20 =	sadd.s32 $0xF00, s16;
	[dreg:$0x13] =	wrdreg s18  }
0x1a: {  	s15 =	simm.s32 $0x12900;
	s6 =	sadd.s32 s17, s6;
	[dreg:$0x15] =	wrdreg s20  }
0x1b: {  	s21 =	simm.s32 $0x0;
	s22 =	simm.s32 $0xE80;
	[dreg:$0x5] =	wrdreg s6  }
0x1c: {  	s23 =	simm.s32 $0xF00;
	s24 =	simm.s32 $0xF80;
	[dreg:$0x6] =	wrdreg s22  }
0x1d: {  	s13 =	simm.s32 $0xD900;
	s17 =	simm.s32 $0x17900;
	[dreg:$0x7] =	wrdreg s23  }
0x1e: {  	s14 =	sadd.s32 $0xA00, s16;
	s11 =	sadd.s32 $0x1400, s16;
	[dreg:$0x8] =	wrdreg s24  }
0x1f: {  	s22 =	simm.s32 $0x1;
	s23 =	simm.s32 $0x50;
	[dreg:$0x14] =	wrdreg s14  }
0x20: {  	s26 =	simm.s32 $0x1080;
	s16 =	simm.s32 $0x15100;
	[dreg:$0x16] =	wrdreg s11  }
0x21: {  	s18 =	simm.s32 $0x4;
	s20 =	simm.s32 $0x6;
	[dreg:$0xa] =	wrdreg s26  }
0x22: {  	s26 =	simm.s32 $0xC80;
	s11 =	simm.s32 $0x3;
	s14 =	simm.s32 $0x10100  }
.LBB2_1:
0x23: {  	[dreg:$0x19] =	wrdreg s21  }
0x24: {  	s21 =	sshrl.u32 @!p0 s1, $0x3;
	s24 =	simm.s32 @!p0 $0x1C07;
	s6 =	rddreg [dreg:$0xb]  }
0x25: {  	[spmem:s21], [sflag:s24] =	dma.local @!p0 [hbm:s6], $0x1480  }
0x26: {  	s21 =	simm.s32 @!p0 $0x7  }
0x27: {  	_ =	swait.ge @!p0 [sflag:s21], $0x1480  }
0x28: {  	[sflag:s21] =	ssyncset.done @!p0 $0x0  }
0x29: {  	[sflag:s21] =	ssyncadd.s32 @!p0 $0xFFFFEB80  }
0x2a: {  	[bflag:$0x0] =	sbarrier.arrive $0xFFFF  }
0x2b: {  	s21 =	rddreg [dreg:$0xc]  }
0x2c: {  	[tilespmem:s2], [sflag:$0x1] =	stream.linear.gather [hbm4b:s21+s2], $0x190, $0x38;
	[tilespmem:$0x1AB40] =	vst v63  }
0x2d: {  	s24 =	rddreg [dreg:$0xd]  }
0x2e: {  	[tilespmem:s8], [sflag:$0x1] =	stream.linear.gather [hbm4b:s24+s2], $0x190, $0x38;
	[tilespmem:$0x1AB40] =	vst v63  }
0x2f: {  	s8 =	rddreg [dreg:$0xe]  }
0x30: {  	[tilespmem:s9], [sflag:$0x1] =	stream.linear.gather [hbm4b:s8+s2], $0x190, $0x38;
	[tilespmem:$0x1AB40] =	vst v63  }
0x31: {  	_ =	swait.ge [sflag:s22], $0x190  }
0x32: {  	[sflag:s22] =	ssyncset.done $0x0  }
0x33: {  	[sflag:s22] =	ssyncadd.s32 $0xFFFFFE70  }
0x34: {  	_ =	swait.ge [sflag:s22], $0x190  }
0x35: {  	[sflag:s22] =	ssyncset.done $0x0  }
0x36: {  	[sflag:s22] =	ssyncadd.s32 $0xFFFFFE70  }
0x37: {  	_ =	swait.ge [sflag:s22], $0x190  }
0x38: {  	[sflag:s22] =	ssyncset.done $0x0  }
0x39: {  	[sflag:s22] =	ssyncadd.s32 $0xFFFFFE70  }
0x3a: {  	v0 =	vld [tilespmem:$0x0]  }
0x3b: {  	v1 =	vld [tilespmem:$0x400]  }
0x3c: {  	v2 =	vld [tilespmem:$0x800]  }
0x3d: {  	v3 =	vld [tilespmem:$0x10]  }
0x3e: {  	v4 =	vld [tilespmem:$0x410]  }
0x3f: {  	v5 =	vld [tilespmem:$0x810]  }
0x40: {  	v6 =	vld [tilespmem:$0x20]  }
0x41: {  	v7 =	vld [tilespmem:$0x420]  }
0x42: {  	v8 =	vld [tilespmem:$0x820]  }
0x43: {  	v9 =	vld [tilespmem:$0x30]  }
0x44: {  	v10 =	vld [tilespmem:$0x430]  }
0x45: {  	v11 =	vld [tilespmem:$0x830]  }
0x46: {  	v12 =	vld [tilespmem:$0x40]  }
0x47: {  	v13 =	vld [tilespmem:$0x440]  }
0x48: {  	v14 =	vld [tilespmem:$0x840]  }
0x49: {  	v15 =	vld [tilespmem:$0x50]  }
0x4a: {  	v16 =	vld [tilespmem:$0x450]  }
0x4b: {  	v17 =	vld [tilespmem:$0x850]  }
0x4c: {  	v18 =	vld [tilespmem:$0x60]  }
0x4d: {  	v19 =	vld [tilespmem:$0x460]  }
0x4e: {  	v20 =	vld [tilespmem:$0x860]  }
0x4f: {  	v21 =	vld [tilespmem:$0x70]  }
0x50: {  	v22 =	vld [tilespmem:$0x470]  }
0x51: {  	v23 =	vld [tilespmem:$0x870]  }
0x52: {  	v24 =	vld [tilespmem:$0x80]  }
0x53: {  	v25 =	vld [tilespmem:$0x480]  }
0x54: {  	v26 =	vld [tilespmem:$0x880]  }
0x55: {  	v27 =	vld [tilespmem:$0x90]  }
0x56: {  	v28 =	vld [tilespmem:$0x490]  }
0x57: {  	v29 =	vld [tilespmem:$0x890]  }
0x58: {  	v30 =	vld [tilespmem:$0xA0]  }
0x59: {  	v31 =	vld [tilespmem:$0x4A0]  }
0x5a: {  	v32 =	vld [tilespmem:$0x8A0]  }
0x5b: {  	v33 =	vld [tilespmem:$0xB0]  }
0x5c: {  	v34 =	vld [tilespmem:$0x4B0]  }
0x5d: {  	v35 =	vld [tilespmem:$0x8B0]  }
0x5e: {  	v36 =	vld [tilespmem:$0xC0]  }
0x5f: {  	v37 =	vld [tilespmem:$0x4C0]  }
0x60: {  	v38 =	vld [tilespmem:$0x8C0]  }
0x61: {  	v39 =	vld [tilespmem:$0xD0]  }
0x62: {  	v40 =	vld [tilespmem:$0x4D0]  }
0x63: {  	v41 =	vld [tilespmem:$0x8D0]  }
0x64: {  	v42 =	vld [tilespmem:$0xE0]  }
0x65: {  	v43 =	vld [tilespmem:$0x4E0]  }
0x66: {  	v44 =	vld [tilespmem:$0x8E0]  }
0x67: {  	v45 =	vld [tilespmem:$0xF0];
	v0 =	vmul.u32 $0xE, v0  }
0x68: {  	v1 =	vshll.u32 v1, $0x1;
	v47 =	vmul.u32 $0xE, v3;
	v3 =	vld [tilespmem:$0x4F0];
	v48 =	vshll.u32 v4, $0x1  }
0x69: {  	v49 =	vmul.u32 $0xE, v6;
	v6 =	vld [tilespmem:$0x8F0];
	v50 =	vshll.u32 v7, $0x1;
	v51 =	vmul.u32 $0xE, v9  }
0x6a: {  	v9 =	vld [tilespmem:$0x100];
	v52 =	vshll.u32 v10, $0x1;
	v53 =	vmul.u32 $0xE, v12;
	v54 =	vshll.u32 v13, $0x1  }
0x6b: {  	v55 =	vmul.u32 $0xE, v15;
	v12 =	vld [tilespmem:$0x110];
	v56 =	vshll.u32 v16, $0x1;
	v57 =	vmul.u32 $0xE, v18  }
0x6c: {  	v15 =	vld [tilespmem:$0x510];
	v58 =	vshll.u32 v19, $0x1;
	v59 =	vmul.u32 $0xE, v21;
	v60 =	vshll.u32 v22, $0x1  }
0x6d: {  	v16 =	vld [tilespmem:$0x120];
	v61 =	vmul.u32 $0xE, v24;
	v63 =	vshll.u32 v25, $0x1;
	v24 =	vmul.u32 $0xE, v27  }
0x6e: {  	v19 =	vld [tilespmem:$0x520];
	v27 =	vshll.u32 v28, $0x1;
	v30 =	vmul.u32 $0xE, v30;
	v31 =	vshll.u32 v31, $0x1  }
0x6f: {  	v18 =	vld [tilespmem:$0x130];
	v46 =	vmul.u32 $0xE, v33;
	v0 =	vadd.s32 v0, v1;
	v1 =	vadd.s32 v47, v48  }
0x70: {  	v22 =	vld [tilespmem:$0x930];
	v4 =	vadd.s32 v51, v52;
	v7 =	vadd.s32 v53, v54;
	v10 =	vadd.s32 v55, v56  }
0x71: {  	v62 =	vadd.s32 v59, v60;
	v25 =	vadd.s32 v61, v63;
	v51 =	vld [tilespmem:$0x540];
	v0 =	vadd.s32 v2, v0  }
0x72: {  	v28 =	vadd.s32 v24, v27;
	v47 =	vshll.u32 v34, $0x1;
	v53 =	vld [tilespmem:$0x940];
	v1 =	vadd.s32 v5, v1;
	[tilespmem:$0xC00] =	vst v0  }
0x73: {  	v48 =	vmul.u32 $0xE, v36;
	v52 =	vmul.u32 $0xE, v39;
	v61 =	vld [tilespmem:$0x550];
	v4 =	vadd.s32 v11, v4;
	[tilespmem:$0xC10] =	vst v1  }
0x74: {  	v55 =	vshll.u32 v40, $0x1;
	v56 =	vmul.u32 $0xE, v42;
	v63 =	vld [tilespmem:$0x950];
	v7 =	vadd.s32 v14, v7;
	[tilespmem:$0xC30] =	vst v4  }
0x75: {  	v59 =	vshll.u32 v43, $0x1;
	v27 =	vld [tilespmem:$0x160];
	v2 =	vadd.s32 v49, v50;
	v10 =	vadd.s32 v17, v10;
	[tilespmem:$0xC40] =	vst v7  }
0x76: {  	v60 =	vmul.u32 $0xE, v45;
	v36 =	vld [tilespmem:$0x170];
	v11 =	vadd.s32 v57, v58;
	v2 =	vadd.s32 v8, v2;
	[tilespmem:$0xC80] =	vst v10  }
0x77: {  	v39 =	vld [tilespmem:$0x570];
	v50 =	vshll.u32 v37, $0x1;
	v11 =	vadd.s32 v20, v11;
	v0 =	vadd.s32 v23, v62;
	[tilespmem:$0xC20] =	vst v2  }
0x78: {  	v5 =	vld [tilespmem:$0x500];
	v1 =	vadd.s32 v26, v25;
	v4 =	vadd.s32 v30, v31;
	v7 =	vadd.s32 v46, v47;
	[tilespmem:$0xC90] =	vst v11  }
0x79: {  	v14 =	vld [tilespmem:$0x910];
	v10 =	vadd.s32 v48, v50;
	v58 =	vadd.s32 v52, v55;
	v62 =	vadd.s32 v56, v59;
	[tilespmem:$0xCA0] =	vst v0  }
0x7a: {  	v17 =	vld [tilespmem:$0x530];
	v2 =	vadd.s32 v29, v28;
	v4 =	vadd.s32 v32, v4;
	v7 =	vadd.s32 v35, v7;
	[tilespmem:$0xCB0] =	vst v1  }
0x7b: {  	v49 =	vld [tilespmem:$0x140];
	v54 =	vadd.s32 v38, v10;
	v1 =	vadd.s32 v41, v58;
	v3 =	vshll.u32 v3, $0x1;
	[tilespmem:$0xCC0] =	vst v2  }
0x7c: {  	v57 =	vld [tilespmem:$0x150];
	v24 =	vmul.u32 $0xE, v9;
	v28 =	vmul.u32 $0xE, v12;
	v31 =	vshll.u32 v15, $0x1;
	[tilespmem:$0xD00] =	vst v4  }
0x7d: {  	v20 =	vld [tilespmem:$0x920];
	v32 =	vmul.u32 $0xE, v16;
	v35 =	vshll.u32 v19, $0x1;
	v3 =	vadd.s32 v60, v3;
	[tilespmem:$0xD10] =	vst v7  }
0x7e: {  	v8 =	vld [tilespmem:$0x900];
	v38 =	vmul.u32 $0xE, v18;
	v2 =	vadd.s32 v44, v62;
	[tilespmem:$0xD20] =	vst v54;
	v3 =	vadd.s32 v6, v3  }
0x7f: {  	v42 =	vld [tilespmem:$0x180];
	[tilespmem:$0xD30] =	vst v1;
	v34 =	vadd.s32 v28, v31;
	v37 =	vadd.s32 v32, v35;
	v44 =	vshll.u32 v51, $0x1  }
0x80: {  	v46 =	vld [tilespmem:$0x580];
	[tilespmem:$0xD40] =	vst v2;
	v48 =	vshll.u32 v61, $0x1;
	v51 =	vmul.u32 $0xE, v27;
	v6 =	vmul.u32 $0xE, v36  }
0x81: {  	v29 =	vld [tilespmem:$0x560];
	v5 =	vshll.u32 v5, $0x1;
	v1 =	vadd.s32 v14, v34;
	[tilespmem:$0xD80] =	vst v3;
	v40 =	vshll.u32 v17, $0x1  }
0x82: {  	v52 =	vld [tilespmem:$0x980];
	v41 =	vmul.u32 $0xE, v49;
	v30 =	vadd.s32 v24, v5;
	v2 =	vadd.s32 v20, v37;
	[tilespmem:$0xDA0] =	vst v1  }
0x83: {  	v33 =	vld [tilespmem:$0x960];
	v45 =	vmul.u32 $0xE, v57;
	v43 =	vadd.s32 v38, v40;
	v0 =	vadd.s32 v8, v30;
	[tilespmem:$0xDB0] =	vst v2  }
0x84: {  	v49 =	vld [tilespmem:$0x970];
	v57 =	vmul.u32 $0xE, v42;
	v47 =	vadd.s32 v41, v44;
	[tilespmem:$0xD90] =	vst v0;
	v0 =	vadd.s32 v22, v43  }
0x85: {  	v60 =	vshll.u32 v46, $0x1;
	v50 =	vadd.s32 v45, v48;
	v1 =	vadd.s32 v53, v47;
	[tilespmem:$0xDC0] =	vst v0  }
0x86: {  	v54 =	vshll.u32 v29, $0x1;
	v62 =	vadd.s32 v57, v60;
	v53 =	vadd.s32 v63, v50;
	[tilespmem:$0xE00] =	vst v1  }
0x87: {  	v56 =	vshll.u32 v39, $0x1;
	v55 =	vadd.s32 v51, v54;
	v63 =	vadd.s32 v52, v62;
	[tilespmem:$0xE10] =	vst v53  }
0x88: {  	v59 =	vadd.s32 v6, v56;
	v58 =	vadd.s32 v33, v55;
	[tilespmem:$0xE40] =	vst v63  }
0x89: {  	[tilespmem:$0xE20] =	vst v58;
	v61 =	vadd.s32 v49, v59  }
0x8a: {  	[tilespmem:$0xE30] =	vst v61  }
0x8b: {  	[tilespmem:s25], [sflag:$0x3] =	stream.indirect.gather [spmem:s1], $0x80, s10, s23, $0xb8;
	[tilespmem:$0x1AB40] =	vst v63  }
0x8c: {  	_ = 	snop  }
0x8d: {  	[tilespmem:s28], [sflag:$0x3] =	stream.indirect.gather [spmem:s1], $0x80, s26, s23, $0xb8;
	[tilespmem:$0x1AB40] =	vst v63  }
0x8e: {  	_ = 	snop  }
0x8f: {  	[tilespmem:s30], [sflag:$0x3] =	stream.indirect.gather [spmem:s1], $0x80, s29, s23, $0xb8;
	[tilespmem:$0x1AB40] =	vst v63  }
0x90: {  	_ = 	snop  }
0x91: {  	[tilespmem:s0], [sflag:$0x3] =	stream.indirect.gather [spmem:s1], $0x80, s31, s23, $0xb8;
	[tilespmem:$0x1AB40] =	vst v63  }
0x92: {  	s21 =	simm.s32 $0xE00  }
0x93: {  	[tilespmem:s7], [sflag:$0x3] =	stream.indirect.gather [spmem:s1], $0x80, s21, s23, $0xb8;
	[tilespmem:$0x1AB40] =	vst v63  }
0x94: {  	s24 =	rddreg [dreg:$0xf];
	s26 =	simm.s32 $0x200  }
0x95: {  	[tilespmem:s26], [sflag:$0x2] =	stream.linear.gather [hbm4b:s24+s2], $0x190, $0x38;
	[tilespmem:$0x1AB40] =	vst v63  }
0x96: {  	s29 =	rddreg [dreg:$0x10];
	s31 =	simm.s32 $0x600  }
0x97: {  	[tilespmem:s31], [sflag:$0x2] =	stream.linear.gather [hbm4b:s29+s2], $0x190, $0x38;
	[tilespmem:$0x1AB40] =	vst v63  }
0x98: {  	s9 =	rddreg [dreg:$0x11];
	s10 =	simm.s32 $0xA00  }
0x99: {  	[tilespmem:s10], [sflag:$0x2] =	stream.linear.gather [hbm4b:s9+s2], $0x190, $0x38;
	[tilespmem:$0x1AB40] =	vst v63  }
0x9a: {  	_ =	swait.ge [sflag:s11], $0x2800  }
0x9b: {  	[sflag:s11] =	ssyncset.done $0x0  }
0x9c: {  	s21 =	rddreg [dreg:$0x12];
	[sflag:s11] =	ssyncadd.s32 $0xFFFFD800  }
0x9d: {  	[hbm4b:s21+s2] =	stream.linear.scatter [tilespmem:s25], [sflag:$0x5], $0x2800, $0x38;
	[tilespmem:$0x1AB40] =	vst v63  }
0x9e: {  	_ =	swait.ge [sflag:s11], $0x2800  }
0x9f: {  	[sflag:s11] =	ssyncset.done $0x0  }
0xa0: {  	s24 =	rddreg [dreg:$0x13];
	[sflag:s11] =	ssyncadd.s32 $0xFFFFD800  }
0xa1: {  	[hbm4b:s24+s2] =	stream.linear.scatter [tilespmem:s28], [sflag:$0x5], $0x2800, $0x38;
	[tilespmem:$0x1AB40] =	vst v63  }
0xa2: {  	_ =	swait.ge [sflag:s11], $0x2800  }
0xa3: {  	[sflag:s11] =	ssyncset.done $0x0  }
0xa4: {  	s26 =	rddreg [dreg:$0x14];
	[sflag:s11] =	ssyncadd.s32 $0xFFFFD800  }
0xa5: {  	[hbm4b:s26+s2] =	stream.linear.scatter [tilespmem:s30], [sflag:$0x5], $0x2800, $0x38;
	[tilespmem:$0x1AB40] =	vst v63  }
0xa6: {  	_ =	swait.ge [sflag:s11], $0x2800  }
0xa7: {  	[sflag:s11] =	ssyncset.done $0x0  }
0xa8: {  	s29 =	rddreg [dreg:$0x15];
	[sflag:s11] =	ssyncadd.s32 $0xFFFFD800  }
0xa9: {  	[hbm4b:s29+s2] =	stream.linear.scatter [tilespmem:s0], [sflag:$0x5], $0x2800, $0x38;
	[tilespmem:$0x1AB40] =	vst v63  }
0xaa: {  	s9 =	simm.s32 $0xD00;
	s10 =	simm.s32 $0xD80;
	_ =	swait.ge [sflag:s11], $0x2800  }
0xab: {  	s21 =	simm.s32 $0x0;
	[sflag:s11] =	ssyncset.done $0x0;
	s31 =	rddreg [dreg:$0x16]  }
0xac: {  	s26 =	simm.s32 $0x0;
	s24 =	rddreg [dreg:$0x18];
	[sflag:s11] =	ssyncadd.s32 $0xFFFFD800  }
0xad: {  	[hbm4b:s31+s2] =	stream.linear.scatter [tilespmem:s7], [sflag:$0x5], $0x2800, $0x38;
	[tilespmem:$0x1AB40] =	vst v63  }
.LBB2_2:
0xae: {  	_ =	swait.ge [sflag:s12], $0x190  }
0xaf: {  	[sflag:s12] =	ssyncset.done $0x0  }
0xb0: {  	[sflag:s12] =	ssyncadd.s32 $0xFFFFFE70  }
0xb1: {  	_ =	swait.ge [sflag:s12], $0x190  }
0xb2: {  	[sflag:s12] =	ssyncset.done $0x0  }
0xb3: {  	[sflag:s12] =	ssyncadd.s32 $0xFFFFFE70  }
0xb4: {  	_ =	swait.ge [sflag:s12], $0x190  }
0xb5: {  	[sflag:s12] =	ssyncset.done $0x0  }
0xb6: {  	[sflag:s12] =	ssyncadd.s32 $0xFFFFFE70  }
0xb7: {  	v0 =	vld [tilespmem:$0x200]  }
0xb8: {  	v1 =	vld [tilespmem:$0x600]  }
0xb9: {  	v2 =	vld [tilespmem:$0xA00]  }
0xba: {  	v3 =	vld [tilespmem:$0x210]  }
0xbb: {  	v4 =	vld [tilespmem:$0x610]  }
0xbc: {  	v5 =	vld [tilespmem:$0xA10]  }
0xbd: {  	v6 =	vld [tilespmem:$0x220]  }
0xbe: {  	v7 =	vld [tilespmem:$0x620]  }
0xbf: {  	v8 =	vld [tilespmem:$0xA20]  }
0xc0: {  	v9 =	vld [tilespmem:$0x230]  }
0xc1: {  	v10 =	vld [tilespmem:$0x630]  }
0xc2: {  	v11 =	vld [tilespmem:$0xA30]  }
0xc3: {  	v12 =	vld [tilespmem:$0x240]  }
0xc4: {  	v13 =	vld [tilespmem:$0x640]  }
0xc5: {  	v14 =	vld [tilespmem:$0xA40]  }
0xc6: {  	v15 =	vld [tilespmem:$0x250]  }
0xc7: {  	v16 =	vld [tilespmem:$0x650]  }
0xc8: {  	v17 =	vld [tilespmem:$0xA50]  }
0xc9: {  	v18 =	vld [tilespmem:$0x260]  }
0xca: {  	v19 =	vld [tilespmem:$0x660]  }
0xcb: {  	v20 =	vld [tilespmem:$0xA60]  }
0xcc: {  	v21 =	vld [tilespmem:$0x270]  }
0xcd: {  	v22 =	vld [tilespmem:$0x670]  }
0xce: {  	v23 =	vld [tilespmem:$0xA70]  }
0xcf: {  	v24 =	vld [tilespmem:$0x280]  }
0xd0: {  	v25 =	vld [tilespmem:$0x680]  }
0xd1: {  	v26 =	vld [tilespmem:$0xA80]  }
0xd2: {  	v27 =	vld [tilespmem:$0x290]  }
0xd3: {  	v28 =	vld [tilespmem:$0x690]  }
0xd4: {  	v29 =	vld [tilespmem:$0xA90]  }
0xd5: {  	v30 =	vld [tilespmem:$0x2A0]  }
0xd6: {  	v31 =	vld [tilespmem:$0x6A0]  }
0xd7: {  	v32 =	vld [tilespmem:$0xAA0]  }
0xd8: {  	v33 =	vld [tilespmem:$0x2B0]  }
0xd9: {  	v34 =	vld [tilespmem:$0x6B0]  }
0xda: {  	v35 =	vld [tilespmem:$0xAB0]  }
0xdb: {  	v36 =	vld [tilespmem:$0x2C0]  }
0xdc: {  	v37 =	vld [tilespmem:$0x6C0]  }
0xdd: {  	v38 =	vld [tilespmem:$0xAC0]  }
0xde: {  	v39 =	vld [tilespmem:$0x2D0]  }
0xdf: {  	v40 =	vld [tilespmem:$0x6D0]  }
0xe0: {  	v41 =	vld [tilespmem:$0xAD0]  }
0xe1: {  	v42 =	vld [tilespmem:$0x2E0]  }
0xe2: {  	v43 =	vld [tilespmem:$0x6E0]  }
0xe3: {  	v44 =	vld [tilespmem:$0xAE0]  }
0xe4: {  	v45 =	vld [tilespmem:$0x2F0];
	v0 =	vmul.u32 $0xE, v0  }
0xe5: {  	v1 =	vshll.u32 v1, $0x1;
	v46 =	vmul.u32 $0xE, v3;
	v3 =	vld [tilespmem:$0x6F0];
	v47 =	vshll.u32 v4, $0x1  }
0xe6: {  	v48 =	vmul.u32 $0xE, v6;
	v6 =	vld [tilespmem:$0xAF0];
	v49 =	vshll.u32 v7, $0x1;
	v50 =	vmul.u32 $0xE, v9  }
0xe7: {  	v9 =	vld [tilespmem:$0x300];
	v51 =	vshll.u32 v10, $0x1;
	v52 =	vmul.u32 $0xE, v12;
	v53 =	vshll.u32 v13, $0x1  }
0xe8: {  	v54 =	vmul.u32 $0xE, v15;
	v12 =	vld [tilespmem:$0x310];
	v55 =	vshll.u32 v16, $0x1;
	v56 =	vmul.u32 $0xE, v18  }
0xe9: {  	v15 =	vld [tilespmem:$0x710];
	v57 =	vshll.u32 v19, $0x1;
	v58 =	vmul.u32 $0xE, v21;
	v59 =	vshll.u32 v22, $0x1  }
0xea: {  	v16 =	vld [tilespmem:$0x320];
	v60 =	vmul.u32 $0xE, v24;
	v62 =	vshll.u32 v25, $0x1;
	v63 =	vmul.u32 $0xE, v27  }
0xeb: {  	v19 =	vld [tilespmem:$0x720];
	v24 =	vshll.u32 v28, $0x1;
	v27 =	vshll.u32 v31, $0x1;
	v28 =	vmul.u32 $0xE, v33  }
0xec: {  	v18 =	vld [tilespmem:$0x330];
	v33 =	vshll.u32 v37, $0x1;
	v40 =	vshll.u32 v40, $0x1;
	v42 =	vmul.u32 $0xE, v42  }
0xed: {  	v22 =	vld [tilespmem:$0xB30];
	v0 =	vadd.s32 v0, v1;
	v1 =	vadd.s32 v46, v47;
	v4 =	vadd.s32 v50, v51  }
0xee: {  	v31 =	vld [tilespmem:$0x340];
	v7 =	vadd.s32 v52, v53;
	v10 =	vadd.s32 v54, v55;
	v0 =	vadd.s32 v2, v0  }
0xef: {  	v37 =	vld [tilespmem:$0xB40];
	v61 =	vadd.s32 v58, v59;
	v25 =	vadd.s32 v63, v24;
	v1 =	vadd.s32 v5, v1;
	[tilespmem:$0xE80] =	vst v0  }
0xf0: {  	v46 =	vld [tilespmem:$0x350];
	v2 =	vadd.s32 v48, v49;
	v4 =	vadd.s32 v11, v4;
	v7 =	vadd.s32 v14, v7;
	[tilespmem:$0xE90] =	vst v1  }
0xf1: {  	v50 =	vld [tilespmem:$0x750];
	v10 =	vadd.s32 v17, v10;
	v11 =	vadd.s32 v56, v57;
	v48 =	vshll.u32 v43, $0x1;
	[tilespmem:$0xEB0] =	vst v4  }
0xf2: {  	v52 =	vld [tilespmem:$0xB50];
	v49 =	vmul.u32 $0xE, v45;
	v2 =	vadd.s32 v8, v2;
	v11 =	vadd.s32 v20, v11;
	[tilespmem:$0xEC0] =	vst v7  }
0xf3: {  	v54 =	vld [tilespmem:$0x360];
	v0 =	vadd.s32 v23, v61;
	v23 =	vadd.s32 v60, v62;
	[tilespmem:$0xF00] =	vst v10;
	v51 =	vadd.s32 v42, v48  }
0xf4: {  	v63 =	vld [tilespmem:$0x370];
	[tilespmem:$0xEA0] =	vst v2;
	v1 =	vadd.s32 v26, v23;
	v26 =	vmul.u32 $0xE, v30;
	v2 =	vadd.s32 v29, v25  }
0xf5: {  	v5 =	vld [tilespmem:$0x700];
	v29 =	vshll.u32 v34, $0x1;
	v30 =	vmul.u32 $0xE, v36;
	[tilespmem:$0xF10] =	vst v11;
	v36 =	vmul.u32 $0xE, v39  }
0xf6: {  	v14 =	vld [tilespmem:$0xB10];
	[tilespmem:$0xF20] =	vst v0;
	v3 =	vshll.u32 v3, $0x1;
	v53 =	vmul.u32 $0xE, v9;
	v55 =	vmul.u32 $0xE, v12  }
0xf7: {  	v17 =	vld [tilespmem:$0x730];
	v58 =	vshll.u32 v15, $0x1;
	v59 =	vmul.u32 $0xE, v16;
	v62 =	vshll.u32 v19, $0x1;
	[tilespmem:$0xF30] =	vst v1  }
0xf8: {  	v56 =	vld [tilespmem:$0x760];
	v16 =	vmul.u32 $0xE, v18;
	v7 =	vadd.s32 v28, v29;
	[tilespmem:$0xF40] =	vst v2;
	v2 =	vadd.s32 v44, v51  }
0xf9: {  	v20 =	vld [tilespmem:$0xB20];
	v3 =	vadd.s32 v49, v3;
	v4 =	vadd.s32 v26, v27;
	v7 =	vadd.s32 v35, v7;
	[tilespmem:$0xFC0] =	vst v2  }
0xfa: {  	v8 =	vld [tilespmem:$0xB00];
	v10 =	vadd.s32 v30, v33;
	v47 =	vadd.s32 v36, v40;
	v3 =	vadd.s32 v6, v3;
	[tilespmem:$0xF90] =	vst v7  }
0xfb: {  	v34 =	vld [tilespmem:$0x740];
	v61 =	vadd.s32 v55, v58;
	v15 =	vadd.s32 v59, v62;
	v4 =	vadd.s32 v32, v4;
	[tilespmem:$0x1000] =	vst v3  }
0xfc: {  	v18 =	vld [tilespmem:$0x770];
	v28 =	vmul.u32 $0xE, v46;
	v6 =	vmul.u32 $0xE, v63;
	v39 =	vadd.s32 v38, v10;
	[tilespmem:$0xF80] =	vst v4  }
0xfd: {  	v23 =	vld [tilespmem:$0x380];
	v1 =	vadd.s32 v41, v47;
	v5 =	vshll.u32 v5, $0x1;
	v19 =	vshll.u32 v17, $0x1;
	[tilespmem:$0xFA0] =	vst v39  }
0xfe: {  	v29 =	vld [tilespmem:$0x780];
	v57 =	vadd.s32 v53, v5;
	[tilespmem:$0xFB0] =	vst v1;
	v1 =	vadd.s32 v14, v61;
	v2 =	vadd.s32 v20, v15  }
0xff: {  	v32 =	vld [tilespmem:$0xB70];
	v20 =	vmul.u32 $0xE, v31;
	v24 =	vadd.s32 v16, v19;
	v31 =	vshll.u32 v50, $0x1;
	[tilespmem:$0x1020] =	vst v1  }
0x100: {  	v35 =	vld [tilespmem:$0xB80];
	v0 =	vadd.s32 v8, v57;
	v27 =	vshll.u32 v34, $0x1;
	[tilespmem:$0x1030] =	vst v2;
	v33 =	vadd.s32 v28, v31  }
0x101: {  	v60 =	vld [tilespmem:$0xB60];
	v34 =	vmul.u32 $0xE, v54;
	v39 =	vshll.u32 v18, $0x1;
	[tilespmem:$0x1010] =	vst v0;
	v0 =	vadd.s32 v22, v24  }
0x102: {  	v40 =	vmul.u32 $0xE, v23;
	v30 =	vadd.s32 v20, v27;
	v36 =	vadd.s32 v52, v33;
	[tilespmem:$0x1040] =	vst v0  }
0x103: {  	v42 =	vadd.s32 v6, v39;
	v43 =	vshll.u32 v29, $0x1;
	v1 =	vadd.s32 v37, v30;
	[tilespmem:$0x1090] =	vst v36  }
0x104: {  	v37 =	vshll.u32 v56, $0x1;
	v45 =	vadd.s32 v40, v43;
	[tilespmem:$0x1080] =	vst v1;
	v44 =	vadd.s32 v32, v42  }
0x105: {  	v38 =	vadd.s32 v34, v37;
	v46 =	vadd.s32 v35, v45;
	[tilespmem:$0x10B0] =	vst v44  }
0x106: {  	v41 =	vadd.s32 v60, v38;
	[tilespmem:$0x10C0] =	vst v46  }
0x107: {  	s29 =	rddreg [dreg:$0x6];
	[tilespmem:$0x10A0] =	vst v41  }
0x108: {  	[tilespmem:s13], [sflag:$0x4] =	stream.indirect.gather [spmem:s1], $0x80, s29, s23, $0xb8;
	[tilespmem:$0x1AB40] =	vst v63  }
0x109: {  	s31 =	rddreg [dreg:$0x7]  }
0x10a: {  	[tilespmem:s14], [sflag:$0x4] =	stream.indirect.gather [spmem:s1], $0x80, s31, s23, $0xb8;
	[tilespmem:$0x1AB40] =	vst v63  }
0x10b: {  	s8 =	rddreg [dreg:$0x8]  }
0x10c: {  	[tilespmem:s15], [sflag:$0x4] =	stream.indirect.gather [spmem:s1], $0x80, s8, s23, $0xb8;
	[tilespmem:$0x1AB40] =	vst v63  }
0x10d: {  	s6 =	rddreg [dreg:$0x9]  }
0x10e: {  	[tilespmem:s16], [sflag:$0x4] =	stream.indirect.gather [spmem:s1], $0x80, s6, s23, $0xb8;
	[tilespmem:$0x1AB40] =	vst v63  }
0x10f: {  	s29 =	sshrl.u32 s24, $0x3;
	s8 =	rddreg [dreg:$0xa]  }
0x110: {  	[tilespmem:s17], [sflag:$0x4] =	stream.indirect.gather [spmem:s1], $0x80, s8, s23, $0xb8;
	[tilespmem:$0x1AB40] =	vst v63  }
0x111: {  	s6 =	sadd.s32 s3, s29  }
0x112: {  	[tilespmem:s2], [sflag:$0x1] =	stream.linear.gather [hbm4b:s6+s2], $0x190, $0x38;
	[tilespmem:$0x1AB40] =	vst v63  }
0x113: {  	s8 =	sadd.s32 s4, s29;
	s6 =	simm.s32 $0x400  }
0x114: {  	[tilespmem:s6], [sflag:$0x1] =	stream.linear.gather [hbm4b:s8+s2], $0x190, $0x38;
	[tilespmem:$0x1AB40] =	vst v63  }
0x115: {  	s29 =	sadd.s32 s5, s29;
	s8 =	simm.s32 $0x800  }
0x116: {  	[tilespmem:s8], [sflag:$0x1] =	stream.linear.gather [hbm4b:s29+s2], $0x190, $0x38;
	[tilespmem:$0x1AB40] =	vst v63  }
0x117: {  	_ =	swait.ge [sflag:s18], $0x2800  }
0x118: {  	s31 =	rddreg [dreg:$0x5]  }
0x119: {  	[sflag:s18] =	ssyncset.done $0x0;
	s29 =	sadd.s32 s26, s31  }
0x11a: {  	[sflag:s18] =	ssyncadd.s32 $0xFFFFD800;
	s6 =	sadd.s32 $0x1900, s29  }
0x11b: {  	[hbm4b:s6+s2] =	stream.linear.scatter [tilespmem:s13], [sflag:$0x6], $0x2800, $0x38;
	[tilespmem:$0x1AB40] =	vst v63  }
0x11c: {  	_ =	swait.ge [sflag:s18], $0x2800  }
0x11d: {  	[sflag:s18] =	ssyncset.done $0x0  }
0x11e: {  	s8 =	sadd.s32 $0x1E00, s29;
	[sflag:s18] =	ssyncadd.s32 $0xFFFFD800  }
0x11f: {  	[hbm4b:s8+s2] =	stream.linear.scatter [tilespmem:s14], [sflag:$0x6], $0x2800, $0x38;
	[tilespmem:$0x1AB40] =	vst v63  }
0x120: {  	_ =	swait.ge [sflag:s18], $0x2800  }
0x121: {  	[sflag:s18] =	ssyncset.done $0x0  }
0x122: {  	s6 =	sadd.s32 $0x2300, s29;
	[sflag:s18] =	ssyncadd.s32 $0xFFFFD800  }
0x123: {  	[hbm4b:s6+s2] =	stream.linear.scatter [tilespmem:s15], [sflag:$0x6], $0x2800, $0x38;
	[tilespmem:$0x1AB40] =	vst v63  }
0x124: {  	_ =	swait.ge [sflag:s18], $0x2800  }
0x125: {  	[sflag:s18] =	ssyncset.done $0x0  }
0x126: {  	s8 =	sadd.s32 $0x2800, s29;
	[sflag:s18] =	ssyncadd.s32 $0xFFFFD800  }
0x127: {  	[hbm4b:s8+s2] =	stream.linear.scatter [tilespmem:s16], [sflag:$0x6], $0x2800, $0x38;
	[tilespmem:$0x1AB40] =	vst v63  }
0x128: {  	_ =	swait.ge [sflag:s18], $0x2800  }
0x129: {  	[sflag:s18] =	ssyncset.done $0x0  }
0x12a: {  	s6 =	sadd.s32 $0x2D00, s29;
	[sflag:s18] =	ssyncadd.s32 $0xFFFFD800  }
0x12b: {  	[hbm4b:s6+s2] =	stream.linear.scatter [tilespmem:s17], [sflag:$0x6], $0x2800, $0x38;
	[tilespmem:$0x1AB40] =	vst v63  }
0x12c: {  	_ =	swait.ge [sflag:s19], $0x2800  }
0x12d: {  	[sflag:s19] =	ssyncset.done $0x0  }
0x12e: {  	[sflag:s19] =	ssyncadd.s32 $0xFFFFD800  }
0x12f: {  	_ =	swait.ge [sflag:s19], $0x2800  }
0x130: {  	[sflag:s19] =	ssyncset.done $0x0  }
0x131: {  	[sflag:s19] =	ssyncadd.s32 $0xFFFFD800  }
0x132: {  	_ =	swait.ge [sflag:s19], $0x2800  }
0x133: {  	[sflag:s19] =	ssyncset.done $0x0  }
0x134: {  	[sflag:s19] =	ssyncadd.s32 $0xFFFFD800  }
0x135: {  	_ =	swait.ge [sflag:s19], $0x2800  }
0x136: {  	[sflag:s19] =	ssyncset.done $0x0  }
0x137: {  	[sflag:s19] =	ssyncadd.s32 $0xFFFFD800  }
0x138: {  	_ =	swait.ge [sflag:s19], $0x2800  }
0x139: {  	[sflag:s19] =	ssyncset.done $0x0  }
0x13a: {  	[sflag:s19] =	ssyncadd.s32 $0xFFFFD800  }
0x13b: {  	_ =	swait.ge [sflag:s22], $0x190  }
0x13c: {  	[sflag:s22] =	ssyncset.done $0x0  }
0x13d: {  	[sflag:s22] =	ssyncadd.s32 $0xFFFFFE70  }
0x13e: {  	_ =	swait.ge [sflag:s22], $0x190  }
0x13f: {  	[sflag:s22] =	ssyncset.done $0x0  }
0x140: {  	[sflag:s22] =	ssyncadd.s32 $0xFFFFFE70  }
0x141: {  	_ =	swait.ge [sflag:s22], $0x190  }
0x142: {  	[sflag:s22] =	ssyncset.done $0x0  }
0x143: {  	[sflag:s22] =	ssyncadd.s32 $0xFFFFFE70  }
0x144: {  	v47 =	vld [tilespmem:$0x0]  }
0x145: {  	v1 =	vld [tilespmem:$0x400]  }
0x146: {  	v2 =	vld [tilespmem:$0x800]  }
0x147: {  	v48 =	vld [tilespmem:$0x10]  }
0x148: {  	v49 =	vld [tilespmem:$0x410]  }
0x149: {  	v5 =	vld [tilespmem:$0x810]  }
0x14a: {  	v50 =	vld [tilespmem:$0x20]  }
0x14b: {  	v51 =	vld [tilespmem:$0x420]  }
0x14c: {  	v8 =	vld [tilespmem:$0x820]  }
0x14d: {  	v52 =	vld [tilespmem:$0x30]  }
0x14e: {  	v53 =	vld [tilespmem:$0x430]  }
0x14f: {  	v11 =	vld [tilespmem:$0x830]  }
0x150: {  	v54 =	vld [tilespmem:$0x40]  }
0x151: {  	v55 =	vld [tilespmem:$0x440]  }
0x152: {  	v14 =	vld [tilespmem:$0x840]  }
0x153: {  	v56 =	vld [tilespmem:$0x50]  }
0x154: {  	v57 =	vld [tilespmem:$0x450]  }
0x155: {  	v17 =	vld [tilespmem:$0x850]  }
0x156: {  	v58 =	vld [tilespmem:$0x60]  }
0x157: {  	v59 =	vld [tilespmem:$0x460]  }
0x158: {  	v20 =	vld [tilespmem:$0x860]  }
0x159: {  	v60 =	vld [tilespmem:$0x70]  }
0x15a: {  	v61 =	vld [tilespmem:$0x470]  }
0x15b: {  	v23 =	vld [tilespmem:$0x870]  }
0x15c: {  	v62 =	vld [tilespmem:$0x80]  }
0x15d: {  	v63 =	vld [tilespmem:$0x480]  }
0x15e: {  	v26 =	vld [tilespmem:$0x880]  }
0x15f: {  	v27 =	vld [tilespmem:$0x90]  }
0x160: {  	v28 =	vld [tilespmem:$0x490]  }
0x161: {  	v29 =	vld [tilespmem:$0x890]  }
0x162: {  	v30 =	vld [tilespmem:$0xA0]  }
0x163: {  	v31 =	vld [tilespmem:$0x4A0]  }
0x164: {  	v32 =	vld [tilespmem:$0x8A0]  }
0x165: {  	v33 =	vld [tilespmem:$0xB0]  }
0x166: {  	v34 =	vld [tilespmem:$0x4B0]  }
0x167: {  	v35 =	vld [tilespmem:$0x8B0]  }
0x168: {  	v36 =	vld [tilespmem:$0xC0]  }
0x169: {  	v37 =	vld [tilespmem:$0x4C0]  }
0x16a: {  	v38 =	vld [tilespmem:$0x8C0]  }
0x16b: {  	v39 =	vld [tilespmem:$0xD0]  }
0x16c: {  	v40 =	vld [tilespmem:$0x4D0]  }
0x16d: {  	v41 =	vld [tilespmem:$0x8D0]  }
0x16e: {  	v42 =	vld [tilespmem:$0xE0]  }
0x16f: {  	v43 =	vld [tilespmem:$0x4E0]  }
0x170: {  	v44 =	vld [tilespmem:$0x8E0]  }
0x171: {  	v45 =	vld [tilespmem:$0xF0];
	v0 =	vmul.u32 $0xE, v47  }
0x172: {  	v3 =	vld [tilespmem:$0x4F0];
	v1 =	vshll.u32 v1, $0x1;
	v47 =	vmul.u32 $0xE, v48;
	v48 =	vshll.u32 v49, $0x1  }
0x173: {  	v6 =	vld [tilespmem:$0x8F0];
	v49 =	vmul.u32 $0xE, v50;
	v50 =	vshll.u32 v51, $0x1;
	v51 =	vmul.u32 $0xE, v52  }
0x174: {  	v9 =	vld [tilespmem:$0x100];
	v52 =	vshll.u32 v53, $0x1;
	v53 =	vmul.u32 $0xE, v54;
	v54 =	vshll.u32 v55, $0x1  }
0x175: {  	v12 =	vld [tilespmem:$0x110];
	v55 =	vmul.u32 $0xE, v56;
	v56 =	vshll.u32 v57, $0x1;
	v57 =	vmul.u32 $0xE, v58  }
0x176: {  	v15 =	vld [tilespmem:$0x510];
	v58 =	vshll.u32 v59, $0x1;
	v59 =	vmul.u32 $0xE, v60;
	v60 =	vshll.u32 v61, $0x1  }
0x177: {  	v16 =	vld [tilespmem:$0x120];
	v61 =	vmul.u32 $0xE, v62;
	v63 =	vshll.u32 v63, $0x1;
	v24 =	vmul.u32 $0xE, v27  }
0x178: {  	v19 =	vld [tilespmem:$0x520];
	v27 =	vshll.u32 v28, $0x1;
	v30 =	vmul.u32 $0xE, v30;
	v31 =	vshll.u32 v31, $0x1  }
0x179: {  	v18 =	vld [tilespmem:$0x130];
	v46 =	vmul.u32 $0xE, v33;
	v3 =	vshll.u32 v3, $0x1;
	v0 =	vadd.s32 v0, v1  }
0x17a: {  	v22 =	vld [tilespmem:$0x930];
	v1 =	vadd.s32 v47, v48;
	v4 =	vadd.s32 v51, v52;
	v7 =	vadd.s32 v53, v54  }
0x17b: {  	v10 =	vadd.s32 v55, v56;
	v62 =	vadd.s32 v59, v60;
	v51 =	vld [tilespmem:$0x540];
	v0 =	vadd.s32 v2, v0  }
0x17c: {  	v25 =	vadd.s32 v61, v63;
	v28 =	vadd.s32 v24, v27;
	v53 =	vld [tilespmem:$0x940];
	v1 =	vadd.s32 v5, v1;
	[tilespmem:$0xC00] =	vst v0  }
0x17d: {  	v47 =	vshll.u32 v34, $0x1;
	v48 =	vmul.u32 $0xE, v36;
	v61 =	vld [tilespmem:$0x550];
	v4 =	vadd.s32 v11, v4;
	[tilespmem:$0xC10] =	vst v1  }
0x17e: {  	v52 =	vmul.u32 $0xE, v39;
	v55 =	vshll.u32 v40, $0x1;
	v63 =	vld [tilespmem:$0x950];
	v7 =	vadd.s32 v14, v7;
	[tilespmem:$0xC30] =	vst v4  }
0x17f: {  	v56 =	vmul.u32 $0xE, v42;
	v27 =	vld [tilespmem:$0x160];
	v2 =	vadd.s32 v49, v50;
	v10 =	vadd.s32 v17, v10;
	[tilespmem:$0xC40] =	vst v7  }
0x180: {  	v59 =	vshll.u32 v43, $0x1;
	v36 =	vld [tilespmem:$0x170];
	v11 =	vadd.s32 v57, v58;
	v2 =	vadd.s32 v8, v2;
	[tilespmem:$0xC80] =	vst v10  }
0x181: {  	v60 =	vmul.u32 $0xE, v45;
	v24 =	vmul.u32 $0xE, v9;
	v39 =	vld [tilespmem:$0x570];
	v11 =	vadd.s32 v20, v11;
	[tilespmem:$0xC20] =	vst v2  }
0x182: {  	v5 =	vld [tilespmem:$0x500];
	v50 =	vshll.u32 v37, $0x1;
	v0 =	vadd.s32 v23, v62;
	v1 =	vadd.s32 v26, v25;
	[tilespmem:$0xC90] =	vst v11  }
0x183: {  	v14 =	vld [tilespmem:$0x910];
	v4 =	vadd.s32 v30, v31;
	v7 =	vadd.s32 v46, v47;
	v10 =	vadd.s32 v48, v50;
	[tilespmem:$0xCA0] =	vst v0  }
0x184: {  	v17 =	vld [tilespmem:$0x530];
	v58 =	vadd.s32 v52, v55;
	v62 =	vadd.s32 v56, v59;
	v2 =	vadd.s32 v29, v28;
	[tilespmem:$0xCB0] =	vst v1  }
0x185: {  	v49 =	vld [tilespmem:$0x140];
	v3 =	vadd.s32 v60, v3;
	v31 =	vshll.u32 v15, $0x1;
	v4 =	vadd.s32 v32, v4;
	[tilespmem:$0xCC0] =	vst v2  }
0x186: {  	v57 =	vld [tilespmem:$0x150];
	v7 =	vadd.s32 v35, v7;
	v54 =	vadd.s32 v38, v10;
	v1 =	vadd.s32 v41, v58;
	[tilespmem:$0xD00] =	vst v4  }
0x187: {  	v20 =	vld [tilespmem:$0x920];
	v3 =	vadd.s32 v6, v3;
	v28 =	vmul.u32 $0xE, v12;
	v32 =	vmul.u32 $0xE, v16;
	[tilespmem:$0xD10] =	vst v7  }
0x188: {  	v8 =	vld [tilespmem:$0x900];
	v35 =	vshll.u32 v19, $0x1;
	v38 =	vmul.u32 $0xE, v18;
	v2 =	vadd.s32 v44, v62;
	[tilespmem:$0xD20] =	vst v54  }
0x189: {  	v42 =	vld [tilespmem:$0x180];
	[tilespmem:$0xD30] =	vst v1;
	v34 =	vadd.s32 v28, v31;
	v37 =	vadd.s32 v32, v35;
	v44 =	vshll.u32 v51, $0x1  }
0x18a: {  	v46 =	vld [tilespmem:$0x580];
	[tilespmem:$0xD80] =	vst v3;
	v48 =	vshll.u32 v61, $0x1;
	v51 =	vmul.u32 $0xE, v27;
	v6 =	vmul.u32 $0xE, v36  }
0x18b: {  	v29 =	vld [tilespmem:$0x560];
	[tilespmem:$0xD40] =	vst v2;
	v5 =	vshll.u32 v5, $0x1;
	v1 =	vadd.s32 v14, v34;
	v40 =	vshll.u32 v17, $0x1  }
0x18c: {  	v52 =	vld [tilespmem:$0x980];
	v41 =	vmul.u32 $0xE, v49;
	v30 =	vadd.s32 v24, v5;
	v2 =	vadd.s32 v20, v37;
	[tilespmem:$0xDA0] =	vst v1  }
0x18d: {  	v33 =	vld [tilespmem:$0x960];
	v45 =	vmul.u32 $0xE, v57;
	v43 =	vadd.s32 v38, v40;
	v0 =	vadd.s32 v8, v30;
	[tilespmem:$0xDB0] =	vst v2  }
0x18e: {  	v49 =	vld [tilespmem:$0x970];
	v57 =	vmul.u32 $0xE, v42;
	v47 =	vadd.s32 v41, v44;
	[tilespmem:$0xD90] =	vst v0;
	v0 =	vadd.s32 v22, v43  }
0x18f: {  	v60 =	vshll.u32 v46, $0x1;
	v50 =	vadd.s32 v45, v48;
	v1 =	vadd.s32 v53, v47;
	[tilespmem:$0xDC0] =	vst v0  }
0x190: {  	v54 =	vshll.u32 v29, $0x1;
	v62 =	vadd.s32 v57, v60;
	v53 =	vadd.s32 v63, v50;
	[tilespmem:$0xE00] =	vst v1  }
0x191: {  	v56 =	vshll.u32 v39, $0x1;
	v55 =	vadd.s32 v51, v54;
	v63 =	vadd.s32 v52, v62;
	[tilespmem:$0xE10] =	vst v53  }
0x192: {  	v59 =	vadd.s32 v6, v56;
	v58 =	vadd.s32 v33, v55;
	[tilespmem:$0xE40] =	vst v63  }
0x193: {  	[tilespmem:$0xE20] =	vst v58;
	v61 =	vadd.s32 v49, v59  }
0x194: {  	s8 =	simm.s32 $0xC00;
	[tilespmem:$0xE30] =	vst v61  }
0x195: {  	[tilespmem:s25], [sflag:$0x3] =	stream.indirect.gather [spmem:s1], $0x80, s8, s23, $0xb8;
	[tilespmem:$0x1AB40] =	vst v63  }
0x196: {  	s31 =	simm.s32 $0xC80;
	s8 =	smin.u32 s21, $0x15  }
0x197: {  	[tilespmem:s28], [sflag:$0x3] =	stream.indirect.gather [spmem:s1], $0x80, s31, s23, $0xb8;
	[tilespmem:$0x1AB40] =	vst v63  }
0x198: {  	s6 =	rddreg [dreg:$0x4];
	s31 =	smul.u32 $0x190, s8  }
0x199: {  	[tilespmem:s30], [sflag:$0x3] =	stream.indirect.gather [spmem:s1], $0x80, s9, s23, $0xb8;
	[tilespmem:$0x1AB40] =	vst v63  }
0x19a: {  	s6 =	sadd.s32 s31, s6  }
0x19b: {  	[tilespmem:s0], [sflag:$0x3] =	stream.indirect.gather [spmem:s1], $0x80, s10, s23, $0xb8;
	[tilespmem:$0x1AB40] =	vst v63  }
0x19c: {  	s8 =	simm.s32 $0xE00;
	s6 =	sshrl.u32 s6, $0x3  }
0x19d: {  	[tilespmem:s7], [sflag:$0x3] =	stream.indirect.gather [spmem:s1], $0x80, s8, s23, $0xb8;
	[tilespmem:$0x1AB40] =	vst v63  }
0x19e: {  	s31 =	sadd.s32 s3, s6;
	s8 =	simm.s32 $0x200  }
0x19f: {  	[tilespmem:s8], [sflag:$0x2] =	stream.linear.gather [hbm4b:s31+s2], $0x190, $0x38;
	[tilespmem:$0x1AB40] =	vst v63  }
0x1a0: {  	s31 =	sadd.s32 s4, s6;
	s8 =	simm.s32 $0x600  }
0x1a1: {  	[tilespmem:s8], [sflag:$0x2] =	stream.linear.gather [hbm4b:s31+s2], $0x190, $0x38;
	[tilespmem:$0x1AB40] =	vst v63  }
0x1a2: {  	s6 =	sadd.s32 s5, s6;
	s31 =	simm.s32 $0xA00  }
0x1a3: {  	[tilespmem:s31], [sflag:$0x2] =	stream.linear.gather [hbm4b:s6+s2], $0x190, $0x38;
	[tilespmem:$0x1AB40] =	vst v63  }
0x1a4: {  	_ =	swait.ge [sflag:s11], $0x2800  }
0x1a5: {  	[sflag:s11] =	ssyncset.done $0x0  }
0x1a6: {  	s31 =	sadd.s32 $0x3200, s29;
	[sflag:s11] =	ssyncadd.s32 $0xFFFFD800  }
0x1a7: {  	[hbm4b:s31+s2] =	stream.linear.scatter [tilespmem:s25], [sflag:$0x5], $0x2800, $0x38;
	[tilespmem:$0x1AB40] =	vst v63  }
0x1a8: {  	_ =	swait.ge [sflag:s11], $0x2800  }
0x1a9: {  	[sflag:s11] =	ssyncset.done $0x0  }
0x1aa: {  	s8 =	sadd.s32 $0x3700, s29;
	[sflag:s11] =	ssyncadd.s32 $0xFFFFD800  }
0x1ab: {  	[hbm4b:s8+s2] =	stream.linear.scatter [tilespmem:s28], [sflag:$0x5], $0x2800, $0x38;
	[tilespmem:$0x1AB40] =	vst v63  }
0x1ac: {  	_ =	swait.ge [sflag:s11], $0x2800  }
0x1ad: {  	[sflag:s11] =	ssyncset.done $0x0  }
0x1ae: {  	s31 =	sadd.s32 $0x3C00, s29;
	[sflag:s11] =	ssyncadd.s32 $0xFFFFD800  }
0x1af: {  	[hbm4b:s31+s2] =	stream.linear.scatter [tilespmem:s30], [sflag:$0x5], $0x2800, $0x38;
	[tilespmem:$0x1AB40] =	vst v63  }
0x1b0: {  	_ =	swait.ge [sflag:s11], $0x2800  }
0x1b1: {  	[sflag:s11] =	ssyncset.done $0x0  }
0x1b2: {  	s8 =	sadd.s32 $0x4100, s29;
	[sflag:s11] =	ssyncadd.s32 $0xFFFFD800  }
0x1b3: {  	[hbm4b:s8+s2] =	stream.linear.scatter [tilespmem:s0], [sflag:$0x5], $0x2800, $0x38;
	[tilespmem:$0x1AB40] =	vst v63  }
0x1b4: {  	_ =	swait.ge [sflag:s11], $0x2800  }
0x1b5: {  	[sflag:s11] =	ssyncset.done $0x0  }
0x1b6: {  	s31 =	sadd.s32 $0x4600, s29;
	[sflag:s11] =	ssyncadd.s32 $0xFFFFD800  }
0x1b7: {  	[hbm4b:s31+s2] =	stream.linear.scatter [tilespmem:s7], [sflag:$0x5], $0x2800, $0x38;
	[tilespmem:$0x1AB40] =	vst v63  }
0x1b8: {  	_ =	swait.ge [sflag:s20], $0x2800  }
0x1b9: {  	[sflag:s20] =	ssyncset.done $0x0  }
0x1ba: {  	[sflag:s20] =	ssyncadd.s32 $0xFFFFD800  }
0x1bb: {  	_ =	swait.ge [sflag:s20], $0x2800  }
0x1bc: {  	[sflag:s20] =	ssyncset.done $0x0  }
0x1bd: {  	[sflag:s20] =	ssyncadd.s32 $0xFFFFD800  }
0x1be: {  	_ =	swait.ge [sflag:s20], $0x2800  }
0x1bf: {  	[sflag:s20] =	ssyncset.done $0x0  }
0x1c0: {  	[sflag:s20] =	ssyncadd.s32 $0xFFFFD800  }
0x1c1: {  	p1 =	sne.s32 s26, $0x22600;
	_ =	swait.ge [sflag:s20], $0x2800  }
.Ltmp0:
0x1c2: {  	[sflag:s20] =	ssyncset.done $0x0;
	(pc) =	sbr.rel @p1 .LBB2_2-.Ltmp0, $4  }
0x1c3: {  	[sflag:s20] =	ssyncadd.s32 $0xFFFFD800  }
0x1c4: {  	_ =	swait.ge [sflag:s20], $0x2800  }
0x1c5: {  	s24 =	sadd.s32 $0x320, s24;
	[sflag:s20] =	ssyncset.done $0x0  }
0x1c6: {  	s26 =	sadd.s32 $0x3200, s26;
	s21 =	sadd.s32 $0x2, s21;
	[sflag:s20] =	ssyncadd.s32 $0xFFFFD800  }
0x1c7: {  	_ =	swait.ge [sflag:s19], $0x2800  }
0x1c8: {  	[sflag:s19] =	ssyncset.done $0x0  }
0x1c9: {  	[sflag:s19] =	ssyncadd.s32 $0xFFFFD800  }
0x1ca: {  	_ =	swait.ge [sflag:s19], $0x2800  }
0x1cb: {  	[sflag:s19] =	ssyncset.done $0x0  }
0x1cc: {  	[sflag:s19] =	ssyncadd.s32 $0xFFFFD800  }
0x1cd: {  	_ =	swait.ge [sflag:s19], $0x2800  }
0x1ce: {  	[sflag:s19] =	ssyncset.done $0x0  }
0x1cf: {  	[sflag:s19] =	ssyncadd.s32 $0xFFFFD800  }
0x1d0: {  	_ =	swait.ge [sflag:s19], $0x2800  }
0x1d1: {  	[sflag:s19] =	ssyncset.done $0x0  }
0x1d2: {  	[sflag:s19] =	ssyncadd.s32 $0xFFFFD800  }
0x1d3: {  	_ =	swait.ge [sflag:s19], $0x2800  }
0x1d4: {  	[sflag:s19] =	ssyncset.done $0x0  }
0x1d5: {  	[sflag:s19] =	ssyncadd.s32 $0xFFFFD800  }
0x1d6: {  	_ =	swait.ge [sflag:s12], $0x190  }
0x1d7: {  	[sflag:s12] =	ssyncset.done $0x0  }
0x1d8: {  	[sflag:s12] =	ssyncadd.s32 $0xFFFFFE70  }
0x1d9: {  	_ =	swait.ge [sflag:s12], $0x190  }
0x1da: {  	[sflag:s12] =	ssyncset.done $0x0  }
0x1db: {  	[sflag:s12] =	ssyncadd.s32 $0xFFFFFE70  }
0x1dc: {  	_ =	swait.ge [sflag:s12], $0x190  }
0x1dd: {  	s21 =	rddreg [dreg:$0x19]  }
0x1de: {  	s6 =	rddreg [dreg:$0x17];
	s21 =	sadd.s32 $0x1, s21  }
0x1df: {  	p1 =	sne.s32 s21, s6  }
.Ltmp1:
0x1e0: {  	_ = 	snop;
	(pc) =	sbr.rel @p1 .LBB2_1-.Ltmp1, $4  }
0x1e1: {  	_ = 	snop  }
0x1e2: {  	s8 =	simm.s32 $0x400;
	s9 =	simm.s32 $0x800  }
0x1e3: {  	s10 =	simm.s32 $0xC00;
	s26 =	simm.s32 $0xC80;
	[sflag:s12] =	ssyncset.done $0x0  }
0x1e4: {  	s29 =	simm.s32 $0xD00;
	s31 =	simm.s32 $0xD80;
	[sflag:s12] =	ssyncadd.s32 $0xFFFFFE70  }
0x1e5: {  	_ =	sfence.sel $0x180000  }
0x1e6: {  	[bflag:$0x0] =	sbarrier.arrive $0xFFFF  }
0x1e7: {  	_ =	strace $0x90000047  }
0x1e8: {  	[bflag:$0x2] =	sbarrier.arrive $0xFFFF  }
0x1e9: {  	s0 =	rddreg [dreg:$0x3]  }
0x1ea: {  	s0 =	sadd.s32 @!p0 $0x100000, s0  }
0x1eb: {  	[sflag:s0] =	ssyncadd.tile.s32 @!p0 $0x1;
	_ =	shalt  }
.Lfunc_end2:
_tile_overlayer_lowered:
.L_overlay_start_2:
0x1ec: {  	(tag) =	ssettag $0x2  }
0x1ed: {  	s0 =	rddreg [dreg:$0x0];
	s2 =	stileid.u32  }
0x1ee: {  	s1 =	rddreg [dreg:$0x1];
	p0 =	sne.s32 s2, $0x0  }
0x1ef: {  	s3 =	rddreg [dreg:$0x2];
	[bflag:$0x3] =	sbarrier.arrive $0xFFFF;
	s2 =	simm.s32 @!p0 $0x1C07  }
0x1f0: {  	[timem:s3], [sflag:s2] =	dma.local @!p0 [hbm:s0], s1  }
0x1f1: {  	s0 =	simm.s32 @!p0 $0x7  }
0x1f2: {  	_ =	swait.ge @!p0 [sflag:s0], s1  }
0x1f3: {  	s1 =	ssub.s32 @!p0 $0x0, s1;
	[sflag:s0] =	ssyncset.done @!p0 $0x0  }
0x1f4: {  	[sflag:s0] =	ssyncadd.s32 @!p0 s1  }
0x1f5: {  	[bflag:$0x3] =	sbarrier.arrive $0xFFFF  }
0x1f6: {  	_ =	shalt  }

</sc_bundles>
